<compile_context>
chip_gen: v7x
topology: tpu7x:2x2x1
jax: 0.10.2.dev20260603
libtpu: 0.0.44.dev20260713+nightly
codegen_flags: <defaults>
</compile_context>

<pallas_src>
import jax
import jax.numpy as jnp
from jax import lax
from jax.experimental import pallas as pl
from jax.experimental.pallas import tpu as pltpu
from jax.experimental.pallas import tpu_sc as plsc

N = 50000
F = 128
P = 25000
K = 16

NC = 2
NS = 16
NW = NC * NS

CPTS = 8
GCHUNK = P // CPTS
NCHUNK = 100
MAXSTART = GCHUNK - NCHUNK
ROWS = CPTS * K
LANES = 16
NBUF = 4
NOBUF = 2


def _pool_body(features_hbm, idx_hbm, out_hbm, rows_v, out_v,
               ib0, ib1, ib2, ib3, ir0, ir1, ir2, ir3,
               is0, is1, is2, is3,
               gs0, gs1, gs2, gs3, os0, os1):
    wid = lax.axis_index("s") * NC + lax.axis_index("c")
    start = jnp.minimum((wid * 6250) >> 6, MAXSTART)
    idxbufs = (ib0, ib1, ib2, ib3)
    idxraws = (ir0, ir1, ir2, ir3)
    isems = (is0, is1, is2, is3)
    gsems = (gs0, gs1, gs2, gs3)
    osems = (os0, os1)

    def idx_fetch_start(g, b):
        pltpu.make_async_copy(
            idx_hbm.at[pl.ds((start + g) * CPTS, CPTS)], idxraws[b], isems[b]
        ).start()

    def idx_wait(b):
        pltpu.make_async_copy(
            idx_hbm.at[pl.ds(0, CPTS)], idxraws[b], isems[b]
        ).wait()

    def idx_compact(b):
        for r in range(CPTS):
            idxbufs[b][0, pl.ds(r * K, K)] = idxraws[b][r, :]

    def gather_start(b):
        pltpu.make_async_copy(
            features_hbm.at[idxbufs[b].at[0]], rows_v.at[b], gsems[b]
        ).start()

    def gather_wait(b):
        pltpu.make_async_copy(
            features_hbm.at[idxbufs[b].at[0]], rows_v.at[b], gsems[b]
        ).wait()

    def store_start(g, ob):
        pltpu.make_async_copy(
            out_v.at[ob],
            out_hbm.at[pl.ds((start + g) * CPTS, CPTS)],
            osems[ob],
        ).start()

    def store_wait(ob):
        pltpu.make_async_copy(
            out_v.at[ob], out_hbm.at[pl.ds(0, CPTS)], osems[ob]
        ).wait()

    for b in range(NBUF):
        idx_fetch_start(b, b)
    for b in range(NBUF):
        idx_wait(b)
        idx_compact(b)
        gather_start(b)

    @pl.loop(0, NCHUNK, step=NBUF)
    def _chunks(g4):
        for b in range(NBUF):
            gg = g4 + b
            ob = b % NOBUF
            gather_wait(b)
            nxt = gg + NBUF

            @pl.when(nxt < NCHUNK)
            def _():
                idx_fetch_start(nxt, b)

            @pl.when(gg >= NOBUF)
            def _():
                store_wait(ob)

            @pl.when(nxt < NCHUNK)
            def _():
                idx_wait(b)
                idx_compact(b)

            @plsc.parallel_loop(0, CPTS * (F // LANES), unroll=2)
            def _pts(t):
                i = t % CPTS
                j = t // CPTS
                r0 = i * K
                col = pl.ds(j * LANES, LANES)
                acc = None
                for k0 in range(0, K, 4):
                    v0 = rows_v[b, r0 + k0, col]
                    v1 = rows_v[b, r0 + k0 + 1, col]
                    v2 = rows_v[b, r0 + k0 + 2, col]
                    v3 = rows_v[b, r0 + k0 + 3, col]
                    m = jnp.maximum(jnp.maximum(v0, v1),
                                    jnp.maximum(v2, v3))
                    acc = m if acc is None else jnp.maximum(acc, m)
                out_v[ob, i, col] = acc

            store_start(gg, ob)

            @pl.when(nxt < NCHUNK)
            def _():
                gather_start(b)

    store_wait(0)
    store_wait(1)


_pool_kernel = pl.kernel(
    _pool_body,
    mesh=plsc.VectorSubcoreMesh(core_axis_name="c", subcore_axis_name="s"),
    out_type=jax.ShapeDtypeStruct((P, F), jnp.float32),
    scratch_types=[
        pltpu.VMEM((NBUF, ROWS, F), jnp.float32),
        pltpu.VMEM((NOBUF, CPTS, F), jnp.float32),
        pltpu.VMEM((1, 128), jnp.int32),
        pltpu.VMEM((1, 128), jnp.int32),
        pltpu.VMEM((1, 128), jnp.int32),
        pltpu.VMEM((1, 128), jnp.int32),
        pltpu.VMEM((CPTS, K), jnp.int32),
        pltpu.VMEM((CPTS, K), jnp.int32),
        pltpu.VMEM((CPTS, K), jnp.int32),
        pltpu.VMEM((CPTS, K), jnp.int32),
        pltpu.SemaphoreType.DMA,
        pltpu.SemaphoreType.DMA,
        pltpu.SemaphoreType.DMA,
        pltpu.SemaphoreType.DMA,
        pltpu.SemaphoreType.DMA,
        pltpu.SemaphoreType.DMA,
        pltpu.SemaphoreType.DMA,
        pltpu.SemaphoreType.DMA,
        pltpu.SemaphoreType.DMA,
        pltpu.SemaphoreType.DMA,
    ],
)


def kernel(points, features, neighbor_indices):
    del points
    idx = neighbor_indices.astype(jnp.int32)
    return _pool_kernel(features, idx)

# --- scband reference (transcript-rebuilt; emitter-appended) ---
"""Pipeline reference for scband-pooling-layer-86277303042222 (READ-ONLY COPY).

The authoritative reference and input builder live on the scoring server;
editing this copy changes nothing except your own understanding.
"""

import jax, jax.numpy as jnp
import numpy as np

N = 50000
F = 128
NP_OUT = 25000
K = 16


def setup_inputs(seed: int = 0) -> dict:
    key = jax.random.key(seed)
    k1, k2, k3 = jax.random.split(key, 3)
    points = jax.random.normal(k1, (N, 3), dtype=jnp.float32)
    features = jax.random.normal(k2, (N, F), dtype=jnp.float32)
    neighbor_indices = jax.random.randint(k3, (NP_OUT, K), 0, N, dtype=jnp.int64)
    return {"points": points, "features": features, "neighbor_indices": neighbor_indices}


def reference(points, features, neighbor_indices):
    # tf.gather(features, neighbor_indices) with default axis=0:
    # features [N, F], indices [N', K] -> [N', K, F]
    neighbor_features = jnp.take(features, neighbor_indices, axis=0)
    # method == 'max' -> tf.reduce_max over axis=1 -> [N', F]
    output_features = jnp.max(neighbor_features, axis=1)
    return output_features

if __name__ == "__main__":
    import jax
    _d = setup_inputs()
    print(jax.jit(kernel)(*tuple(_d.values())))

</pallas_src>

<mosaic_0001>
#map = affine_map<(d0, d1) -> (0, 0)>
module attributes {stable_mosaic.version = 14 : i64} {
  func.func @_pool_body(%arg0: i32, %arg1: i32, %arg2: memref<50000x128xf32, #tpu.memory_space<hbm>>, %arg3: memref<25000x16xi32, #tpu.memory_space<hbm>>, %arg4: memref<25000x128xf32, #tpu.memory_space<hbm>>, %arg5: memref<4x128x128xf32, #tpu.memory_space<vmem>>, %arg6: memref<2x8x128xf32, #tpu.memory_space<vmem>>, %arg7: memref<1x128xi32, #tpu.memory_space<vmem>>, %arg8: memref<1x128xi32, #tpu.memory_space<vmem>>, %arg9: memref<1x128xi32, #tpu.memory_space<vmem>>, %arg10: memref<1x128xi32, #tpu.memory_space<vmem>>, %arg11: memref<8x16xi32, #tpu.memory_space<vmem>>, %arg12: memref<8x16xi32, #tpu.memory_space<vmem>>, %arg13: memref<8x16xi32, #tpu.memory_space<vmem>>, %arg14: memref<8x16xi32, #tpu.memory_space<vmem>>, %arg15: memref<!tpu.dma_semaphore, #tpu.memory_space<semaphore_mem>>, %arg16: memref<!tpu.dma_semaphore, #tpu.memory_space<semaphore_mem>>, %arg17: memref<!tpu.dma_semaphore, #tpu.memory_space<semaphore_mem>>, %arg18: memref<!tpu.dma_semaphore, #tpu.memory_space<semaphore_mem>>, %arg19: memref<!tpu.dma_semaphore, #tpu.memory_space<semaphore_mem>>, %arg20: memref<!tpu.dma_semaphore, #tpu.memory_space<semaphore_mem>>, %arg21: memref<!tpu.dma_semaphore, #tpu.memory_space<semaphore_mem>>, %arg22: memref<!tpu.dma_semaphore, #tpu.memory_space<semaphore_mem>>, %arg23: memref<!tpu.dma_semaphore, #tpu.memory_space<semaphore_mem>>, %arg24: memref<!tpu.dma_semaphore, #tpu.memory_space<semaphore_mem>>) attributes {dimension_semantics = [#tpu.dimension_semantics<core_parallel>, #tpu.dimension_semantics<subcore_parallel>], iteration_bounds = array<i64: 2, 16>, scalar_prefetch = 0 : i64, scratch_operands = 20 : i64, tpu.core_type = #tpu.core_type<sc_vector_subcore>, window_params = [{transform_indices = #map}, {transform_indices = #map}, {transform_indices = #map}]} {
    %mul3A = arith.constant 2 : i32
    %mul3A_0 = arith.muli %arg1, %mul3A : i32
    %add3A = arith.addi %mul3A_0, %arg0 : i32
    %mul3A_1 = arith.constant 6250 : i32
    %mul3A_2 = arith.muli %add3A, %mul3A_1 : i32
    %shift_right_arithmetic3A = arith.constant 6 : i32
    %shift_right_arithmetic3A_3 = arith.shrsi %mul3A_2, %shift_right_arithmetic3A : i32
    %min3A = arith.constant 3025 : i32
    %min3A_4 = arith.minsi %shift_right_arithmetic3A_3, %min3A : i32
    %add3A_5 = arith.constant 0 : i32
    %add3A_6 = arith.addi %min3A_4, %add3A_5 : i32
    %mul3A_7 = arith.constant 8 : i32
    %mul3A_8 = arith.muli %add3A_6, %mul3A_7 : i32
    %dma_start3A = arith.constant 0 : i32
    %dma_start3A_9 = tpu.memref_slice %arg3[%mul3A_8, %dma_start3A] : memref<25000x16xi32, #tpu.memory_space<hbm>> -> memref<8x16xi32, #tpu.memory_space<hbm>>
    %dma_start3A_10 = arith.constant 0 : i32
    %dma_start3A_11 = tpu.memref_slice %arg3[%mul3A_8, %dma_start3A_10] : memref<25000x16xi32, #tpu.memory_space<hbm>> -> memref<8x16xi32, #tpu.memory_space<hbm>>
    tpu.enqueue_dma source(%dma_start3A_11 : memref<8x16xi32, #tpu.memory_space<hbm>>) target(%arg11 : memref<8x16xi32, #tpu.memory_space<vmem>>) target_semaphore(%arg15 : memref<!tpu.dma_semaphore, #tpu.memory_space<semaphore_mem>>)
    %add3A_12 = arith.constant 1 : i32
    %add3A_13 = arith.addi %min3A_4, %add3A_12 : i32
    %mul3A_14 = arith.constant 8 : i32
    %mul3A_15 = arith.muli %add3A_13, %mul3A_14 : i32
    %dma_start3A_16 = arith.constant 0 : i32
    %dma_start3A_17 = tpu.memref_slice %arg3[%mul3A_15, %dma_start3A_16] : memref<25000x16xi32, #tpu.memory_space<hbm>> -> memref<8x16xi32, #tpu.memory_space<hbm>>
    %dma_start3A_18 = arith.constant 0 : i32
    %dma_start3A_19 = tpu.memref_slice %arg3[%mul3A_15, %dma_start3A_18] : memref<25000x16xi32, #tpu.memory_space<hbm>> -> memref<8x16xi32, #tpu.memory_space<hbm>>
    tpu.enqueue_dma source(%dma_start3A_19 : memref<8x16xi32, #tpu.memory_space<hbm>>) target(%arg12 : memref<8x16xi32, #tpu.memory_space<vmem>>) target_semaphore(%arg16 : memref<!tpu.dma_semaphore, #tpu.memory_space<semaphore_mem>>)
    %add3A_20 = arith.constant 2 : i32
    %add3A_21 = arith.addi %min3A_4, %add3A_20 : i32
    %mul3A_22 = arith.constant 8 : i32
    %mul3A_23 = arith.muli %add3A_21, %mul3A_22 : i32
    %dma_start3A_24 = arith.constant 0 : i32
    %dma_start3A_25 = tpu.memref_slice %arg3[%mul3A_23, %dma_start3A_24] : memref<25000x16xi32, #tpu.memory_space<hbm>> -> memref<8x16xi32, #tpu.memory_space<hbm>>
    %dma_start3A_26 = arith.constant 0 : i32
    %dma_start3A_27 = tpu.memref_slice %arg3[%mul3A_23, %dma_start3A_26] : memref<25000x16xi32, #tpu.memory_space<hbm>> -> memref<8x16xi32, #tpu.memory_space<hbm>>
    tpu.enqueue_dma source(%dma_start3A_27 : memref<8x16xi32, #tpu.memory_space<hbm>>) target(%arg13 : memref<8x16xi32, #tpu.memory_space<vmem>>) target_semaphore(%arg17 : memref<!tpu.dma_semaphore, #tpu.memory_space<semaphore_mem>>)
    %add3A_28 = arith.constant 3 : i32
    %add3A_29 = arith.addi %min3A_4, %add3A_28 : i32
    %mul3A_30 = arith.constant 8 : i32
    %mul3A_31 = arith.muli %add3A_29, %mul3A_30 : i32
    %dma_start3A_32 = arith.constant 0 : i32
    %dma_start3A_33 = tpu.memref_slice %arg3[%mul3A_31, %dma_start3A_32] : memref<25000x16xi32, #tpu.memory_space<hbm>> -> memref<8x16xi32, #tpu.memory_space<hbm>>
    %dma_start3A_34 = arith.constant 0 : i32
    %dma_start3A_35 = tpu.memref_slice %arg3[%mul3A_31, %dma_start3A_34] : memref<25000x16xi32, #tpu.memory_space<hbm>> -> memref<8x16xi32, #tpu.memory_space<hbm>>
    tpu.enqueue_dma source(%dma_start3A_35 : memref<8x16xi32, #tpu.memory_space<hbm>>) target(%arg14 : memref<8x16xi32, #tpu.memory_space<vmem>>) target_semaphore(%arg18 : memref<!tpu.dma_semaphore, #tpu.memory_space<semaphore_mem>>)
    %dma_wait3A = arith.constant 0 : i32
    %dma_wait3A_36 = arith.constant 0 : i32
    %dma_wait3A_37 = tpu.memref_slice %arg3[%dma_wait3A, %dma_wait3A_36] : memref<25000x16xi32, #tpu.memory_space<hbm>> -> memref<8x16xi32, #tpu.memory_space<hbm>>
    %dma_wait3A_38 = arith.constant 0 : i32
    %dma_wait3A_39 = arith.constant 0 : i32
    %dma_wait3A_40 = tpu.memref_slice %arg3[%dma_wait3A_38, %dma_wait3A_39] : memref<25000x16xi32, #tpu.memory_space<hbm>> -> memref<8x16xi32, #tpu.memory_space<hbm>>
    tpu.wait_dma2 semaphore(%arg15 : memref<!tpu.dma_semaphore, #tpu.memory_space<semaphore_mem>>) src(%dma_wait3A_40 : memref<8x16xi32, #tpu.memory_space<hbm>>) dst(%arg11 : memref<8x16xi32, #tpu.memory_space<vmem>>)
    %get3A = arith.constant 0 : i32
    %get3A_41 = arith.index_cast %get3A : i32 to index
    %get3A_42 = arith.constant 0 : index
    %get3A_43 = tpu.vector_load %arg11[%get3A_41, %get3A_42] {strides = array<i32>} : memref<8x16xi32, #tpu.memory_space<vmem>>, vector<1x16xi32>,
    %get3A_44 = vector.shape_cast %get3A_43 : vector<1x16xi32> to vector<16xi32>
    %swap3A = arith.constant 0 : i32
    %swap3A_45 = arith.index_cast %swap3A : i32 to index
    %swap3A_46 = arith.constant 0 : index
    %swap3A_47 = tpu.vector_load %arg7[%swap3A_45, %swap3A_46] {strides = array<i32>} : memref<1x128xi32, #tpu.memory_space<vmem>>, vector<1x16xi32>,
    %swap3A_48 = vector.shape_cast %swap3A_47 : vector<1x16xi32> to vector<16xi32>
    %swap3A_49 = vector.shape_cast %get3A_44 : vector<16xi32> to vector<1x16xi32>
    tpu.vector_store %arg7[%swap3A_45, %swap3A_46], %swap3A_49 {strides = array<i32>} : memref<1x128xi32, #tpu.memory_space<vmem>>, vector<1x16xi32>,
    %get3A_50 = arith.constant 1 : i32
    %get3A_51 = arith.index_cast %get3A_50 : i32 to index
    %get3A_52 = arith.constant 0 : index
    %get3A_53 = tpu.vector_load %arg11[%get3A_51, %get3A_52] {strides = array<i32>} : memref<8x16xi32, #tpu.memory_space<vmem>>, vector<1x16xi32>,
    %get3A_54 = vector.shape_cast %get3A_53 : vector<1x16xi32> to vector<16xi32>
    %swap3A_55 = arith.constant 0 : i32
    %swap3A_56 = arith.index_cast %swap3A_55 : i32 to index
    %swap3A_57 = arith.constant 16 : index
    %swap3A_58 = tpu.vector_load %arg7[%swap3A_56, %swap3A_57] {strides = array<i32>} : memref<1x128xi32, #tpu.memory_space<vmem>>, vector<1x16xi32>,
    %swap3A_59 = vector.shape_cast %swap3A_58 : vector<1x16xi32> to vector<16xi32>
    %swap3A_60 = vector.shape_cast %get3A_54 : vector<16xi32> to vector<1x16xi32>
    tpu.vector_store %arg7[%swap3A_56, %swap3A_57], %swap3A_60 {strides = array<i32>} : memref<1x128xi32, #tpu.memory_space<vmem>>, vector<1x16xi32>,
    %get3A_61 = arith.constant 2 : i32
    %get3A_62 = arith.index_cast %get3A_61 : i32 to index
    %get3A_63 = arith.constant 0 : index
    %get3A_64 = tpu.vector_load %arg11[%get3A_62, %get3A_63] {strides = array<i32>} : memref<8x16xi32, #tpu.memory_space<vmem>>, vector<1x16xi32>,
    %get3A_65 = vector.shape_cast %get3A_64 : vector<1x16xi32> to vector<16xi32>
    %swap3A_66 = arith.constant 0 : i32
    %swap3A_67 = arith.index_cast %swap3A_66 : i32 to index
    %swap3A_68 = arith.constant 32 : index
    %swap3A_69 = tpu.vector_load %arg7[%swap3A_67, %swap3A_68] {strides = array<i32>} : memref<1x128xi32, #tpu.memory_space<vmem>>, vector<1x16xi32>,
    %swap3A_70 = vector.shape_cast %swap3A_69 : vector<1x16xi32> to vector<16xi32>
    %swap3A_71 = vector.shape_cast %get3A_65 : vector<16xi32> to vector<1x16xi32>
    tpu.vector_store %arg7[%swap3A_67, %swap3A_68], %swap3A_71 {strides = array<i32>} : memref<1x128xi32, #tpu.memory_space<vmem>>, vector<1x16xi32>,
    %get3A_72 = arith.constant 3 : i32
    %get3A_73 = arith.index_cast %get3A_72 : i32 to index
    %get3A_74 = arith.constant 0 : index
    %get3A_75 = tpu.vector_load %arg11[%get3A_73, %get3A_74] {strides = array<i32>} : memref<8x16xi32, #tpu.memory_space<vmem>>, vector<1x16xi32>,
    %get3A_76 = vector.shape_cast %get3A_75 : vector<1x16xi32> to vector<16xi32>
    %swap3A_77 = arith.constant 0 : i32
    %swap3A_78 = arith.index_cast %swap3A_77 : i32 to index
    %swap3A_79 = arith.constant 48 : index
    %swap3A_80 = tpu.vector_load %arg7[%swap3A_78, %swap3A_79] {strides = array<i32>} : memref<1x128xi32, #tpu.memory_space<vmem>>, vector<1x16xi32>,
    %swap3A_81 = vector.shape_cast %swap3A_80 : vector<1x16xi32> to vector<16xi32>
    %swap3A_82 = vector.shape_cast %get3A_76 : vector<16xi32> to vector<1x16xi32>
    tpu.vector_store %arg7[%swap3A_78, %swap3A_79], %swap3A_82 {strides = array<i32>} : memref<1x128xi32, #tpu.memory_space<vmem>>, vector<1x16xi32>,
    %get3A_83 = arith.constant 4 : i32
    %get3A_84 = arith.index_cast %get3A_83 : i32 to index
    %get3A_85 = arith.constant 0 : index
    %get3A_86 = tpu.vector_load %arg11[%get3A_84, %get3A_85] {strides = array<i32>} : memref<8x16xi32, #tpu.memory_space<vmem>>, vector<1x16xi32>,
    %get3A_87 = vector.shape_cast %get3A_86 : vector<1x16xi32> to vector<16xi32>
    %swap3A_88 = arith.constant 0 : i32
    %swap3A_89 = arith.index_cast %swap3A_88 : i32 to index
    %swap3A_90 = arith.constant 64 : index
    %swap3A_91 = tpu.vector_load %arg7[%swap3A_89, %swap3A_90] {strides = array<i32>} : memref<1x128xi32, #tpu.memory_space<vmem>>, vector<1x16xi32>,
    %swap3A_92 = vector.shape_cast %swap3A_91 : vector<1x16xi32> to vector<16xi32>
    %swap3A_93 = vector.shape_cast %get3A_87 : vector<16xi32> to vector<1x16xi32>
    tpu.vector_store %arg7[%swap3A_89, %swap3A_90], %swap3A_93 {strides = array<i32>} : memref<1x128xi32, #tpu.memory_space<vmem>>, vector<1x16xi32>,
    %get3A_94 = arith.constant 5 : i32
    %get3A_95 = arith.index_cast %get3A_94 : i32 to index
    %get3A_96 = arith.constant 0 : index
    %get3A_97 = tpu.vector_load %arg11[%get3A_95, %get3A_96] {strides = array<i32>} : memref<8x16xi32, #tpu.memory_space<vmem>>, vector<1x16xi32>,
    %get3A_98 = vector.shape_cast %get3A_97 : vector<1x16xi32> to vector<16xi32>
    %swap3A_99 = arith.constant 0 : i32
    %swap3A_100 = arith.index_cast %swap3A_99 : i32 to index
    %swap3A_101 = arith.constant 80 : index
    %swap3A_102 = tpu.vector_load %arg7[%swap3A_100, %swap3A_101] {strides = array<i32>} : memref<1x128xi32, #tpu.memory_space<vmem>>, vector<1x16xi32>,
    %swap3A_103 = vector.shape_cast %swap3A_102 : vector<1x16xi32> to vector<16xi32>
    %swap3A_104 = vector.shape_cast %get3A_98 : vector<16xi32> to vector<1x16xi32>
    tpu.vector_store %arg7[%swap3A_100, %swap3A_101], %swap3A_104 {strides = array<i32>} : memref<1x128xi32, #tpu.memory_space<vmem>>, vector<1x16xi32>,
    %get3A_105 = arith.constant 6 : i32
    %get3A_106 = arith.index_cast %get3A_105 : i32 to index
    %get3A_107 = arith.constant 0 : index
    %get3A_108 = tpu.vector_load %arg11[%get3A_106, %get3A_107] {strides = array<i32>} : memref<8x16xi32, #tpu.memory_space<vmem>>, vector<1x16xi32>,
    %get3A_109 = vector.shape_cast %get3A_108 : vector<1x16xi32> to vector<16xi32>
    %swap3A_110 = arith.constant 0 : i32
    %swap3A_111 = arith.index_cast %swap3A_110 : i32 to index
    %swap3A_112 = arith.constant 96 : index
    %swap3A_113 = tpu.vector_load %arg7[%swap3A_111, %swap3A_112] {strides = array<i32>} : memref<1x128xi32, #tpu.memory_space<vmem>>, vector<1x16xi32>,
    %swap3A_114 = vector.shape_cast %swap3A_113 : vector<1x16xi32> to vector<16xi32>
    %swap3A_115 = vector.shape_cast %get3A_109 : vector<16xi32> to vector<1x16xi32>
    tpu.vector_store %arg7[%swap3A_111, %swap3A_112], %swap3A_115 {strides = array<i32>} : memref<1x128xi32, #tpu.memory_space<vmem>>, vector<1x16xi32>,
    %get3A_116 = arith.constant 7 : i32
    %get3A_117 = arith.index_cast %get3A_116 : i32 to index
    %get3A_118 = arith.constant 0 : index
    %get3A_119 = tpu.vector_load %arg11[%get3A_117, %get3A_118] {strides = array<i32>} : memref<8x16xi32, #tpu.memory_space<vmem>>, vector<1x16xi32>,
    %get3A_120 = vector.shape_cast %get3A_119 : vector<1x16xi32> to vector<16xi32>
    %swap3A_121 = arith.constant 0 : i32
    %swap3A_122 = arith.index_cast %swap3A_121 : i32 to index
    %swap3A_123 = arith.constant 112 : index
    %swap3A_124 = tpu.vector_load %arg7[%swap3A_122, %swap3A_123] {strides = array<i32>} : memref<1x128xi32, #tpu.memory_space<vmem>>, vector<1x16xi32>,
    %swap3A_125 = vector.shape_cast %swap3A_124 : vector<1x16xi32> to vector<16xi32>
    %swap3A_126 = vector.shape_cast %get3A_120 : vector<16xi32> to vector<1x16xi32>
    tpu.vector_store %arg7[%swap3A_122, %swap3A_123], %swap3A_126 {strides = array<i32>} : memref<1x128xi32, #tpu.memory_space<vmem>>, vector<1x16xi32>,
    %dma_start3A_127 = arith.constant 0 : i32
    %dma_start3A_128 = arith.constant 0 : i32
    %dma_start3A_129 = arith.constant 0 : i32
    %dma_start3A_130 = arith.constant 0 : i32
    %dma_start3A_131 = tpu.memref_slice %arg5[%dma_start3A_128, %dma_start3A_129, %dma_start3A_130] : memref<4x128x128xf32, #tpu.memory_space<vmem>> -> memref<1x128x128xf32, #tpu.memory_space<vmem>>
    %dma_start3A_132 = tpu.memref_squeeze %dma_start3A_131 : memref<1x128x128xf32, #tpu.memory_space<vmem>> -> memref<128x128xf32, #tpu.memory_space<vmem>>
    %dma_start3A_133 = arith.constant 0 : i32
    %dma_start3A_134 = tpu.memref_slice %arg7[%dma_start3A_127, %dma_start3A_133] : memref<1x128xi32, #tpu.memory_space<vmem>> -> memref<1x128xi32, #tpu.memory_space<vmem>>
    %dma_start3A_135 = tpu.memref_squeeze %dma_start3A_134 : memref<1x128xi32, #tpu.memory_space<vmem>> -> memref<128xi32, #tpu.memory_space<vmem>>
    %dma_start3A_136 = arith.constant 0 : i32
    %dma_start3A_137 = arith.constant 0 : i32
    %dma_start3A_138 = tpu.memref_slice %arg2[%dma_start3A_136, %dma_start3A_137] : memref<50000x128xf32, #tpu.memory_space<hbm>> -> memref<50000x128xf32, #tpu.memory_space<hbm>>
    tpu.enqueue_indirect_dma source(%dma_start3A_138 : memref<50000x128xf32, #tpu.memory_space<hbm>>) target(%dma_start3A_132 : memref<128x128xf32, #tpu.memory_space<vmem>>) offsets(%dma_start3A_135 : memref<128xi32, #tpu.memory_space<vmem>>) semaphore(%arg19 : memref<!tpu.dma_semaphore, #tpu.memory_space<semaphore_mem>>)
    %dma_wait3A_139 = arith.constant 0 : i32
    %dma_wait3A_140 = arith.constant 0 : i32
    %dma_wait3A_141 = tpu.memref_slice %arg3[%dma_wait3A_139, %dma_wait3A_140] : memref<25000x16xi32, #tpu.memory_space<hbm>> -> memref<8x16xi32, #tpu.memory_space<hbm>>
    %dma_wait3A_142 = arith.constant 0 : i32
    %dma_wait3A_143 = arith.constant 0 : i32
    %dma_wait3A_144 = tpu.memref_slice %arg3[%dma_wait3A_142, %dma_wait3A_143] : memref<25000x16xi32, #tpu.memory_space<hbm>> -> memref<8x16xi32, #tpu.memory_space<hbm>>
    tpu.wait_dma2 semaphore(%arg16 : memref<!tpu.dma_semaphore, #tpu.memory_space<semaphore_mem>>) src(%dma_wait3A_144 : memref<8x16xi32, #tpu.memory_space<hbm>>) dst(%arg12 : memref<8x16xi32, #tpu.memory_space<vmem>>)
    %get3A_145 = arith.constant 0 : i32
    %get3A_146 = arith.index_cast %get3A_145 : i32 to index
    %get3A_147 = arith.constant 0 : index
    %get3A_148 = tpu.vector_load %arg12[%get3A_146, %get3A_147] {strides = array<i32>} : memref<8x16xi32, #tpu.memory_space<vmem>>, vector<1x16xi32>,
    %get3A_149 = vector.shape_cast %get3A_148 : vector<1x16xi32> to vector<16xi32>
    %swap3A_150 = arith.constant 0 : i32
    %swap3A_151 = arith.index_cast %swap3A_150 : i32 to index
    %swap3A_152 = arith.constant 0 : index
    %swap3A_153 = tpu.vector_load %arg8[%swap3A_151, %swap3A_152] {strides = array<i32>} : memref<1x128xi32, #tpu.memory_space<vmem>>, vector<1x16xi32>,
    %swap3A_154 = vector.shape_cast %swap3A_153 : vector<1x16xi32> to vector<16xi32>
    %swap3A_155 = vector.shape_cast %get3A_149 : vector<16xi32> to vector<1x16xi32>
    tpu.vector_store %arg8[%swap3A_151, %swap3A_152], %swap3A_155 {strides = array<i32>} : memref<1x128xi32, #tpu.memory_space<vmem>>, vector<1x16xi32>,
    %get3A_156 = arith.constant 1 : i32
    %get3A_157 = arith.index_cast %get3A_156 : i32 to index
    %get3A_158 = arith.constant 0 : index
    %get3A_159 = tpu.vector_load %arg12[%get3A_157, %get3A_158] {strides = array<i32>} : memref<8x16xi32, #tpu.memory_space<vmem>>, vector<1x16xi32>,
    %get3A_160 = vector.shape_cast %get3A_159 : vector<1x16xi32> to vector<16xi32>
    %swap3A_161 = arith.constant 0 : i32
    %swap3A_162 = arith.index_cast %swap3A_161 : i32 to index
    %swap3A_163 = arith.constant 16 : index
    %swap3A_164 = tpu.vector_load %arg8[%swap3A_162, %swap3A_163] {strides = array<i32>} : memref<1x128xi32, #tpu.memory_space<vmem>>, vector<1x16xi32>,
    %swap3A_165 = vector.shape_cast %swap3A_164 : vector<1x16xi32> to vector<16xi32>
    %swap3A_166 = vector.shape_cast %get3A_160 : vector<16xi32> to vector<1x16xi32>
    tpu.vector_store %arg8[%swap3A_162, %swap3A_163], %swap3A_166 {strides = array<i32>} : memref<1x128xi32, #tpu.memory_space<vmem>>, vector<1x16xi32>,
    %get3A_167 = arith.constant 2 : i32
    %get3A_168 = arith.index_cast %get3A_167 : i32 to index
    %get3A_169 = arith.constant 0 : index
    %get3A_170 = tpu.vector_load %arg12[%get3A_168, %get3A_169] {strides = array<i32>} : memref<8x16xi32, #tpu.memory_space<vmem>>, vector<1x16xi32>,
    %get3A_171 = vector.shape_cast %get3A_170 : vector<1x16xi32> to vector<16xi32>
    %swap3A_172 = arith.constant 0 : i32
    %swap3A_173 = arith.index_cast %swap3A_172 : i32 to index
    %swap3A_174 = arith.constant 32 : index
    %swap3A_175 = tpu.vector_load %arg8[%swap3A_173, %swap3A_174] {strides = array<i32>} : memref<1x128xi32, #tpu.memory_space<vmem>>, vector<1x16xi32>,
    %swap3A_176 = vector.shape_cast %swap3A_175 : vector<1x16xi32> to vector<16xi32>
    %swap3A_177 = vector.shape_cast %get3A_171 : vector<16xi32> to vector<1x16xi32>
    tpu.vector_store %arg8[%swap3A_173, %swap3A_174], %swap3A_177 {strides = array<i32>} : memref<1x128xi32, #tpu.memory_space<vmem>>, vector<1x16xi32>,
    %get3A_178 = arith.constant 3 : i32
    %get3A_179 = arith.index_cast %get3A_178 : i32 to index
    %get3A_180 = arith.constant 0 : index
    %get3A_181 = tpu.vector_load %arg12[%get3A_179, %get3A_180] {strides = array<i32>} : memref<8x16xi32, #tpu.memory_space<vmem>>, vector<1x16xi32>,
    %get3A_182 = vector.shape_cast %get3A_181 : vector<1x16xi32> to vector<16xi32>
    %swap3A_183 = arith.constant 0 : i32
    %swap3A_184 = arith.index_cast %swap3A_183 : i32 to index
    %swap3A_185 = arith.constant 48 : index
    %swap3A_186 = tpu.vector_load %arg8[%swap3A_184, %swap3A_185] {strides = array<i32>} : memref<1x128xi32, #tpu.memory_space<vmem>>, vector<1x16xi32>,
    %swap3A_187 = vector.shape_cast %swap3A_186 : vector<1x16xi32> to vector<16xi32>
    %swap3A_188 = vector.shape_cast %get3A_182 : vector<16xi32> to vector<1x16xi32>
    tpu.vector_store %arg8[%swap3A_184, %swap3A_185], %swap3A_188 {strides = array<i32>} : memref<1x128xi32, #tpu.memory_space<vmem>>, vector<1x16xi32>,
    %get3A_189 = arith.constant 4 : i32
    %get3A_190 = arith.index_cast %get3A_189 : i32 to index
    %get3A_191 = arith.constant 0 : index
    %get3A_192 = tpu.vector_load %arg12[%get3A_190, %get3A_191] {strides = array<i32>} : memref<8x16xi32, #tpu.memory_space<vmem>>, vector<1x16xi32>,
    %get3A_193 = vector.shape_cast %get3A_192 : vector<1x16xi32> to vector<16xi32>
    %swap3A_194 = arith.constant 0 : i32
    %swap3A_195 = arith.index_cast %swap3A_194 : i32 to index
    %swap3A_196 = arith.constant 64 : index
    %swap3A_197 = tpu.vector_load %arg8[%swap3A_195, %swap3A_196] {strides = array<i32>} : memref<1x128xi32, #tpu.memory_space<vmem>>, vector<1x16xi32>,
    %swap3A_198 = vector.shape_cast %swap3A_197 : vector<1x16xi32> to vector<16xi32>
    %swap3A_199 = vector.shape_cast %get3A_193 : vector<16xi32> to vector<1x16xi32>
    tpu.vector_store %arg8[%swap3A_195, %swap3A_196], %swap3A_199 {strides = array<i32>} : memref<1x128xi32, #tpu.memory_space<vmem>>, vector<1x16xi32>,
    %get3A_200 = arith.constant 5 : i32
    %get3A_201 = arith.index_cast %get3A_200 : i32 to index
    %get3A_202 = arith.constant 0 : index
    %get3A_203 = tpu.vector_load %arg12[%get3A_201, %get3A_202] {strides = array<i32>} : memref<8x16xi32, #tpu.memory_space<vmem>>, vector<1x16xi32>,
    %get3A_204 = vector.shape_cast %get3A_203 : vector<1x16xi32> to vector<16xi32>
    %swap3A_205 = arith.constant 0 : i32
    %swap3A_206 = arith.index_cast %swap3A_205 : i32 to index
    %swap3A_207 = arith.constant 80 : index
    %swap3A_208 = tpu.vector_load %arg8[%swap3A_206, %swap3A_207] {strides = array<i32>} : memref<1x128xi32, #tpu.memory_space<vmem>>, vector<1x16xi32>,
    %swap3A_209 = vector.shape_cast %swap3A_208 : vector<1x16xi32> to vector<16xi32>
    %swap3A_210 = vector.shape_cast %get3A_204 : vector<16xi32> to vector<1x16xi32>
    tpu.vector_store %arg8[%swap3A_206, %swap3A_207], %swap3A_210 {strides = array<i32>} : memref<1x128xi32, #tpu.memory_space<vmem>>, vector<1x16xi32>,
    %get3A_211 = arith.constant 6 : i32
    %get3A_212 = arith.index_cast %get3A_211 : i32 to index
    %get3A_213 = arith.constant 0 : index
    %get3A_214 = tpu.vector_load %arg12[%get3A_212, %get3A_213] {strides = array<i32>} : memref<8x16xi32, #tpu.memory_space<vmem>>, vector<1x16xi32>,
    %get3A_215 = vector.shape_cast %get3A_214 : vector<1x16xi32> to vector<16xi32>
    %swap3A_216 = arith.constant 0 : i32
    %swap3A_217 = arith.index_cast %swap3A_216 : i32 to index
    %swap3A_218 = arith.constant 96 : index
    %swap3A_219 = tpu.vector_load %arg8[%swap3A_217, %swap3A_218] {strides = array<i32>} : memref<1x128xi32, #tpu.memory_space<vmem>>, vector<1x16xi32>,
    %swap3A_220 = vector.shape_cast %swap3A_219 : vector<1x16xi32> to vector<16xi32>
    %swap3A_221 = vector.shape_cast %get3A_215 : vector<16xi32> to vector<1x16xi32>
    tpu.vector_store %arg8[%swap3A_217, %swap3A_218], %swap3A_221 {strides = array<i32>} : memref<1x128xi32, #tpu.memory_space<vmem>>, vector<1x16xi32>,
    %get3A_222 = arith.constant 7 : i32
    %get3A_223 = arith.index_cast %get3A_222 : i32 to index
    %get3A_224 = arith.constant 0 : index
    %get3A_225 = tpu.vector_load %arg12[%get3A_223, %get3A_224] {strides = array<i32>} : memref<8x16xi32, #tpu.memory_space<vmem>>, vector<1x16xi32>,
    %get3A_226 = vector.shape_cast %get3A_225 : vector<1x16xi32> to vector<16xi32>
    %swap3A_227 = arith.constant 0 : i32
    %swap3A_228 = arith.index_cast %swap3A_227 : i32 to index
    %swap3A_229 = arith.constant 112 : index
    %swap3A_230 = tpu.vector_load %arg8[%swap3A_228, %swap3A_229] {strides = array<i32>} : memref<1x128xi32, #tpu.memory_space<vmem>>, vector<1x16xi32>,
    %swap3A_231 = vector.shape_cast %swap3A_230 : vector<1x16xi32> to vector<16xi32>
    %swap3A_232 = vector.shape_cast %get3A_226 : vector<16xi32> to vector<1x16xi32>
    tpu.vector_store %arg8[%swap3A_228, %swap3A_229], %swap3A_232 {strides = array<i32>} : memref<1x128xi32, #tpu.memory_space<vmem>>, vector<1x16xi32>,
    %dma_start3A_233 = arith.constant 0 : i32
    %dma_start3A_234 = arith.constant 1 : i32
    %dma_start3A_235 = arith.constant 0 : i32
    %dma_start3A_236 = arith.constant 0 : i32
    %dma_start3A_237 = tpu.memref_slice %arg5[%dma_start3A_234, %dma_start3A_235, %dma_start3A_236] : memref<4x128x128xf32, #tpu.memory_space<vmem>> -> memref<1x128x128xf32, #tpu.memory_space<vmem>>
    %dma_start3A_238 = tpu.memref_squeeze %dma_start3A_237 : memref<1x128x128xf32, #tpu.memory_space<vmem>> -> memref<128x128xf32, #tpu.memory_space<vmem>>
    %dma_start3A_239 = arith.constant 0 : i32
    %dma_start3A_240 = tpu.memref_slice %arg8[%dma_start3A_233, %dma_start3A_239] : memref<1x128xi32, #tpu.memory_space<vmem>> -> memref<1x128xi32, #tpu.memory_space<vmem>>
    %dma_start3A_241 = tpu.memref_squeeze %dma_start3A_240 : memref<1x128xi32, #tpu.memory_space<vmem>> -> memref<128xi32, #tpu.memory_space<vmem>>
    %dma_start3A_242 = arith.constant 0 : i32
    %dma_start3A_243 = arith.constant 0 : i32
    %dma_start3A_244 = tpu.memref_slice %arg2[%dma_start3A_242, %dma_start3A_243] : memref<50000x128xf32, #tpu.memory_space<hbm>> -> memref<50000x128xf32, #tpu.memory_space<hbm>>
    tpu.enqueue_indirect_dma source(%dma_start3A_244 : memref<50000x128xf32, #tpu.memory_space<hbm>>) target(%dma_start3A_238 : memref<128x128xf32, #tpu.memory_space<vmem>>) offsets(%dma_start3A_241 : memref<128xi32, #tpu.memory_space<vmem>>) semaphore(%arg20 : memref<!tpu.dma_semaphore, #tpu.memory_space<semaphore_mem>>)
    %dma_wait3A_245 = arith.constant 0 : i32
    %dma_wait3A_246 = arith.constant 0 : i32
    %dma_wait3A_247 = tpu.memref_slice %arg3[%dma_wait3A_245, %dma_wait3A_246] : memref<25000x16xi32, #tpu.memory_space<hbm>> -> memref<8x16xi32, #tpu.memory_space<hbm>>
    %dma_wait3A_248 = arith.constant 0 : i32
    %dma_wait3A_249 = arith.constant 0 : i32
    %dma_wait3A_250 = tpu.memref_slice %arg3[%dma_wait3A_248, %dma_wait3A_249] : memref<25000x16xi32, #tpu.memory_space<hbm>> -> memref<8x16xi32, #tpu.memory_space<hbm>>
    tpu.wait_dma2 semaphore(%arg17 : memref<!tpu.dma_semaphore, #tpu.memory_space<semaphore_mem>>) src(%dma_wait3A_250 : memref<8x16xi32, #tpu.memory_space<hbm>>) dst(%arg13 : memref<8x16xi32, #tpu.memory_space<vmem>>)
    %get3A_251 = arith.constant 0 : i32
    %get3A_252 = arith.index_cast %get3A_251 : i32 to index
    %get3A_253 = arith.constant 0 : index
    %get3A_254 = tpu.vector_load %arg13[%get3A_252, %get3A_253] {strides = array<i32>} : memref<8x16xi32, #tpu.memory_space<vmem>>, vector<1x16xi32>,
    %get3A_255 = vector.shape_cast %get3A_254 : vector<1x16xi32> to vector<16xi32>
    %swap3A_256 = arith.constant 0 : i32
    %swap3A_257 = arith.index_cast %swap3A_256 : i32 to index
    %swap3A_258 = arith.constant 0 : index
    %swap3A_259 = tpu.vector_load %arg9[%swap3A_257, %swap3A_258] {strides = array<i32>} : memref<1x128xi32, #tpu.memory_space<vmem>>, vector<1x16xi32>,
    %swap3A_260 = vector.shape_cast %swap3A_259 : vector<1x16xi32> to vector<16xi32>
    %swap3A_261 = vector.shape_cast %get3A_255 : vector<16xi32> to vector<1x16xi32>
    tpu.vector_store %arg9[%swap3A_257, %swap3A_258], %swap3A_261 {strides = array<i32>} : memref<1x128xi32, #tpu.memory_space<vmem>>, vector<1x16xi32>,
    %get3A_262 = arith.constant 1 : i32
    %get3A_263 = arith.index_cast %get3A_262 : i32 to index
    %get3A_264 = arith.constant 0 : index
    %get3A_265 = tpu.vector_load %arg13[%get3A_263, %get3A_264] {strides = array<i32>} : memref<8x16xi32, #tpu.memory_space<vmem>>, vector<1x16xi32>,
    %get3A_266 = vector.shape_cast %get3A_265 : vector<1x16xi32> to vector<16xi32>
    %swap3A_267 = arith.constant 0 : i32
    %swap3A_268 = arith.index_cast %swap3A_267 : i32 to index
    %swap3A_269 = arith.constant 16 : index
    %swap3A_270 = tpu.vector_load %arg9[%swap3A_268, %swap3A_269] {strides = array<i32>} : memref<1x128xi32, #tpu.memory_space<vmem>>, vector<1x16xi32>,
    %swap3A_271 = vector.shape_cast %swap3A_270 : vector<1x16xi32> to vector<16xi32>
    %swap3A_272 = vector.shape_cast %get3A_266 : vector<16xi32> to vector<1x16xi32>
    tpu.vector_store %arg9[%swap3A_268, %swap3A_269], %swap3A_272 {strides = array<i32>} : memref<1x128xi32, #tpu.memory_space<vmem>>, vector<1x16xi32>,
    %get3A_273 = arith.constant 2 : i32
    %get3A_274 = arith.index_cast %get3A_273 : i32 to index
    %get3A_275 = arith.constant 0 : index
    %get3A_276 = tpu.vector_load %arg13[%get3A_274, %get3A_275] {strides = array<i32>} : memref<8x16xi32, #tpu.memory_space<vmem>>, vector<1x16xi32>,
    %get3A_277 = vector.shape_cast %get3A_276 : vector<1x16xi32> to vector<16xi32>
    %swap3A_278 = arith.constant 0 : i32
    %swap3A_279 = arith.index_cast %swap3A_278 : i32 to index
    %swap3A_280 = arith.constant 32 : index
    %swap3A_281 = tpu.vector_load %arg9[%swap3A_279, %swap3A_280] {strides = array<i32>} : memref<1x128xi32, #tpu.memory_space<vmem>>, vector<1x16xi32>,
    %swap3A_282 = vector.shape_cast %swap3A_281 : vector<1x16xi32> to vector<16xi32>
    %swap3A_283 = vector.shape_cast %get3A_277 : vector<16xi32> to vector<1x16xi32>
    tpu.vector_store %arg9[%swap3A_279, %swap3A_280], %swap3A_283 {strides = array<i32>} : memref<1x128xi32, #tpu.memory_space<vmem>>, vector<1x16xi32>,
    %get3A_284 = arith.constant 3 : i32
    %get3A_285 = arith.index_cast %get3A_284 : i32 to index
    %get3A_286 = arith.constant 0 : index
    %get3A_287 = tpu.vector_load %arg13[%get3A_285, %get3A_286] {strides = array<i32>} : memref<8x16xi32, #tpu.memory_space<vmem>>, vector<1x16xi32>,
    %get3A_288 = vector.shape_cast %get3A_287 : vector<1x16xi32> to vector<16xi32>
    %swap3A_289 = arith.constant 0 : i32
    %swap3A_290 = arith.index_cast %swap3A_289 : i32 to index
    %swap3A_291 = arith.constant 48 : index
    %swap3A_292 = tpu.vector_load %arg9[%swap3A_290, %swap3A_291] {strides = array<i32>} : memref<1x128xi32, #tpu.memory_space<vmem>>, vector<1x16xi32>,
    %swap3A_293 = vector.shape_cast %swap3A_292 : vector<1x16xi32> to vector<16xi32>
    %swap3A_294 = vector.shape_cast %get3A_288 : vector<16xi32> to vector<1x16xi32>
    tpu.vector_store %arg9[%swap3A_290, %swap3A_291], %swap3A_294 {strides = array<i32>} : memref<1x128xi32, #tpu.memory_space<vmem>>, vector<1x16xi32>,
    %get3A_295 = arith.constant 4 : i32
    %get3A_296 = arith.index_cast %get3A_295 : i32 to index
    %get3A_297 = arith.constant 0 : index
    %get3A_298 = tpu.vector_load %arg13[%get3A_296, %get3A_297] {strides = array<i32>} : memref<8x16xi32, #tpu.memory_space<vmem>>, vector<1x16xi32>,
    %get3A_299 = vector.shape_cast %get3A_298 : vector<1x16xi32> to vector<16xi32>
    %swap3A_300 = arith.constant 0 : i32
    %swap3A_301 = arith.index_cast %swap3A_300 : i32 to index
    %swap3A_302 = arith.constant 64 : index
    %swap3A_303 = tpu.vector_load %arg9[%swap3A_301, %swap3A_302] {strides = array<i32>} : memref<1x128xi32, #tpu.memory_space<vmem>>, vector<1x16xi32>,
    %swap3A_304 = vector.shape_cast %swap3A_303 : vector<1x16xi32> to vector<16xi32>
    %swap3A_305 = vector.shape_cast %get3A_299 : vector<16xi32> to vector<1x16xi32>
    tpu.vector_store %arg9[%swap3A_301, %swap3A_302], %swap3A_305 {strides = array<i32>} : memref<1x128xi32, #tpu.memory_space<vmem>>, vector<1x16xi32>,
    %get3A_306 = arith.constant 5 : i32
    %get3A_307 = arith.index_cast %get3A_306 : i32 to index
    %get3A_308 = arith.constant 0 : index
    %get3A_309 = tpu.vector_load %arg13[%get3A_307, %get3A_308] {strides = array<i32>} : memref<8x16xi32, #tpu.memory_space<vmem>>, vector<1x16xi32>,
    %get3A_310 = vector.shape_cast %get3A_309 : vector<1x16xi32> to vector<16xi32>
    %swap3A_311 = arith.constant 0 : i32
    %swap3A_312 = arith.index_cast %swap3A_311 : i32 to index
    %swap3A_313 = arith.constant 80 : index
    %swap3A_314 = tpu.vector_load %arg9[%swap3A_312, %swap3A_313] {strides = array<i32>} : memref<1x128xi32, #tpu.memory_space<vmem>>, vector<1x16xi32>,
    %swap3A_315 = vector.shape_cast %swap3A_314 : vector<1x16xi32> to vector<16xi32>
    %swap3A_316 = vector.shape_cast %get3A_310 : vector<16xi32> to vector<1x16xi32>
    tpu.vector_store %arg9[%swap3A_312, %swap3A_313], %swap3A_316 {strides = array<i32>} : memref<1x128xi32, #tpu.memory_space<vmem>>, vector<1x16xi32>,
    %get3A_317 = arith.constant 6 : i32
    %get3A_318 = arith.index_cast %get3A_317 : i32 to index
    %get3A_319 = arith.constant 0 : index
    %get3A_320 = tpu.vector_load %arg13[%get3A_318, %get3A_319] {strides = array<i32>} : memref<8x16xi32, #tpu.memory_space<vmem>>, vector<1x16xi32>,
    %get3A_321 = vector.shape_cast %get3A_320 : vector<1x16xi32> to vector<16xi32>
    %swap3A_322 = arith.constant 0 : i32
    %swap3A_323 = arith.index_cast %swap3A_322 : i32 to index
    %swap3A_324 = arith.constant 96 : index
    %swap3A_325 = tpu.vector_load %arg9[%swap3A_323, %swap3A_324] {strides = array<i32>} : memref<1x128xi32, #tpu.memory_space<vmem>>, vector<1x16xi32>,
    %swap3A_326 = vector.shape_cast %swap3A_325 : vector<1x16xi32> to vector<16xi32>
    %swap3A_327 = vector.shape_cast %get3A_321 : vector<16xi32> to vector<1x16xi32>
    tpu.vector_store %arg9[%swap3A_323, %swap3A_324], %swap3A_327 {strides = array<i32>} : memref<1x128xi32, #tpu.memory_space<vmem>>, vector<1x16xi32>,
    %get3A_328 = arith.constant 7 : i32
    %get3A_329 = arith.index_cast %get3A_328 : i32 to index
    %get3A_330 = arith.constant 0 : index
    %get3A_331 = tpu.vector_load %arg13[%get3A_329, %get3A_330] {strides = array<i32>} : memref<8x16xi32, #tpu.memory_space<vmem>>, vector<1x16xi32>,
    %get3A_332 = vector.shape_cast %get3A_331 : vector<1x16xi32> to vector<16xi32>
    %swap3A_333 = arith.constant 0 : i32
    %swap3A_334 = arith.index_cast %swap3A_333 : i32 to index
    %swap3A_335 = arith.constant 112 : index
    %swap3A_336 = tpu.vector_load %arg9[%swap3A_334, %swap3A_335] {strides = array<i32>} : memref<1x128xi32, #tpu.memory_space<vmem>>, vector<1x16xi32>,
    %swap3A_337 = vector.shape_cast %swap3A_336 : vector<1x16xi32> to vector<16xi32>
    %swap3A_338 = vector.shape_cast %get3A_332 : vector<16xi32> to vector<1x16xi32>
    tpu.vector_store %arg9[%swap3A_334, %swap3A_335], %swap3A_338 {strides = array<i32>} : memref<1x128xi32, #tpu.memory_space<vmem>>, vector<1x16xi32>,
    %dma_start3A_339 = arith.constant 0 : i32
    %dma_start3A_340 = arith.constant 2 : i32
    %dma_start3A_341 = arith.constant 0 : i32
    %dma_start3A_342 = arith.constant 0 : i32
    %dma_start3A_343 = tpu.memref_slice %arg5[%dma_start3A_340, %dma_start3A_341, %dma_start3A_342] : memref<4x128x128xf32, #tpu.memory_space<vmem>> -> memref<1x128x128xf32, #tpu.memory_space<vmem>>
    %dma_start3A_344 = tpu.memref_squeeze %dma_start3A_343 : memref<1x128x128xf32, #tpu.memory_space<vmem>> -> memref<128x128xf32, #tpu.memory_space<vmem>>
    %dma_start3A_345 = arith.constant 0 : i32
    %dma_start3A_346 = tpu.memref_slice %arg9[%dma_start3A_339, %dma_start3A_345] : memref<1x128xi32, #tpu.memory_space<vmem>> -> memref<1x128xi32, #tpu.memory_space<vmem>>
    %dma_start3A_347 = tpu.memref_squeeze %dma_start3A_346 : memref<1x128xi32, #tpu.memory_space<vmem>> -> memref<128xi32, #tpu.memory_space<vmem>>
    %dma_start3A_348 = arith.constant 0 : i32
    %dma_start3A_349 = arith.constant 0 : i32
    %dma_start3A_350 = tpu.memref_slice %arg2[%dma_start3A_348, %dma_start3A_349] : memref<50000x128xf32, #tpu.memory_space<hbm>> -> memref<50000x128xf32, #tpu.memory_space<hbm>>
    tpu.enqueue_indirect_dma source(%dma_start3A_350 : memref<50000x128xf32, #tpu.memory_space<hbm>>) target(%dma_start3A_344 : memref<128x128xf32, #tpu.memory_space<vmem>>) offsets(%dma_start3A_347 : memref<128xi32, #tpu.memory_space<vmem>>) semaphore(%arg21 : memref<!tpu.dma_semaphore, #tpu.memory_space<semaphore_mem>>)
    %dma_wait3A_351 = arith.constant 0 : i32
    %dma_wait3A_352 = arith.constant 0 : i32
    %dma_wait3A_353 = tpu.memref_slice %arg3[%dma_wait3A_351, %dma_wait3A_352] : memref<25000x16xi32, #tpu.memory_space<hbm>> -> memref<8x16xi32, #tpu.memory_space<hbm>>
    %dma_wait3A_354 = arith.constant 0 : i32
    %dma_wait3A_355 = arith.constant 0 : i32
    %dma_wait3A_356 = tpu.memref_slice %arg3[%dma_wait3A_354, %dma_wait3A_355] : memref<25000x16xi32, #tpu.memory_space<hbm>> -> memref<8x16xi32, #tpu.memory_space<hbm>>
    tpu.wait_dma2 semaphore(%arg18 : memref<!tpu.dma_semaphore, #tpu.memory_space<semaphore_mem>>) src(%dma_wait3A_356 : memref<8x16xi32, #tpu.memory_space<hbm>>) dst(%arg14 : memref<8x16xi32, #tpu.memory_space<vmem>>)
    %get3A_357 = arith.constant 0 : i32
    %get3A_358 = arith.index_cast %get3A_357 : i32 to index
    %get3A_359 = arith.constant 0 : index
    %get3A_360 = tpu.vector_load %arg14[%get3A_358, %get3A_359] {strides = array<i32>} : memref<8x16xi32, #tpu.memory_space<vmem>>, vector<1x16xi32>,
    %get3A_361 = vector.shape_cast %get3A_360 : vector<1x16xi32> to vector<16xi32>
    %swap3A_362 = arith.constant 0 : i32
    %swap3A_363 = arith.index_cast %swap3A_362 : i32 to index
    %swap3A_364 = arith.constant 0 : index
    %swap3A_365 = tpu.vector_load %arg10[%swap3A_363, %swap3A_364] {strides = array<i32>} : memref<1x128xi32, #tpu.memory_space<vmem>>, vector<1x16xi32>,
    %swap3A_366 = vector.shape_cast %swap3A_365 : vector<1x16xi32> to vector<16xi32>
    %swap3A_367 = vector.shape_cast %get3A_361 : vector<16xi32> to vector<1x16xi32>
    tpu.vector_store %arg10[%swap3A_363, %swap3A_364], %swap3A_367 {strides = array<i32>} : memref<1x128xi32, #tpu.memory_space<vmem>>, vector<1x16xi32>,
    %get3A_368 = arith.constant 1 : i32
    %get3A_369 = arith.index_cast %get3A_368 : i32 to index
    %get3A_370 = arith.constant 0 : index
    %get3A_371 = tpu.vector_load %arg14[%get3A_369, %get3A_370] {strides = array<i32>} : memref<8x16xi32, #tpu.memory_space<vmem>>, vector<1x16xi32>,
    %get3A_372 = vector.shape_cast %get3A_371 : vector<1x16xi32> to vector<16xi32>
    %swap3A_373 = arith.constant 0 : i32
    %swap3A_374 = arith.index_cast %swap3A_373 : i32 to index
    %swap3A_375 = arith.constant 16 : index
    %swap3A_376 = tpu.vector_load %arg10[%swap3A_374, %swap3A_375] {strides = array<i32>} : memref<1x128xi32, #tpu.memory_space<vmem>>, vector<1x16xi32>,
    %swap3A_377 = vector.shape_cast %swap3A_376 : vector<1x16xi32> to vector<16xi32>
    %swap3A_378 = vector.shape_cast %get3A_372 : vector<16xi32> to vector<1x16xi32>
    tpu.vector_store %arg10[%swap3A_374, %swap3A_375], %swap3A_378 {strides = array<i32>} : memref<1x128xi32, #tpu.memory_space<vmem>>, vector<1x16xi32>,
    %get3A_379 = arith.constant 2 : i32
    %get3A_380 = arith.index_cast %get3A_379 : i32 to index
    %get3A_381 = arith.constant 0 : index
    %get3A_382 = tpu.vector_load %arg14[%get3A_380, %get3A_381] {strides = array<i32>} : memref<8x16xi32, #tpu.memory_space<vmem>>, vector<1x16xi32>,
    %get3A_383 = vector.shape_cast %get3A_382 : vector<1x16xi32> to vector<16xi32>
    %swap3A_384 = arith.constant 0 : i32
    %swap3A_385 = arith.index_cast %swap3A_384 : i32 to index
    %swap3A_386 = arith.constant 32 : index
    %swap3A_387 = tpu.vector_load %arg10[%swap3A_385, %swap3A_386] {strides = array<i32>} : memref<1x128xi32, #tpu.memory_space<vmem>>, vector<1x16xi32>,
    %swap3A_388 = vector.shape_cast %swap3A_387 : vector<1x16xi32> to vector<16xi32>
    %swap3A_389 = vector.shape_cast %get3A_383 : vector<16xi32> to vector<1x16xi32>
    tpu.vector_store %arg10[%swap3A_385, %swap3A_386], %swap3A_389 {strides = array<i32>} : memref<1x128xi32, #tpu.memory_space<vmem>>, vector<1x16xi32>,
    %get3A_390 = arith.constant 3 : i32
    %get3A_391 = arith.index_cast %get3A_390 : i32 to index
    %get3A_392 = arith.constant 0 : index
    %get3A_393 = tpu.vector_load %arg14[%get3A_391, %get3A_392] {strides = array<i32>} : memref<8x16xi32, #tpu.memory_space<vmem>>, vector<1x16xi32>,
    %get3A_394 = vector.shape_cast %get3A_393 : vector<1x16xi32> to vector<16xi32>
    %swap3A_395 = arith.constant 0 : i32
    %swap3A_396 = arith.index_cast %swap3A_395 : i32 to index
    %swap3A_397 = arith.constant 48 : index
    %swap3A_398 = tpu.vector_load %arg10[%swap3A_396, %swap3A_397] {strides = array<i32>} : memref<1x128xi32, #tpu.memory_space<vmem>>, vector<1x16xi32>,
    %swap3A_399 = vector.shape_cast %swap3A_398 : vector<1x16xi32> to vector<16xi32>
    %swap3A_400 = vector.shape_cast %get3A_394 : vector<16xi32> to vector<1x16xi32>
    tpu.vector_store %arg10[%swap3A_396, %swap3A_397], %swap3A_400 {strides = array<i32>} : memref<1x128xi32, #tpu.memory_space<vmem>>, vector<1x16xi32>,
    %get3A_401 = arith.constant 4 : i32
    %get3A_402 = arith.index_cast %get3A_401 : i32 to index
    %get3A_403 = arith.constant 0 : index
    %get3A_404 = tpu.vector_load %arg14[%get3A_402, %get3A_403] {strides = array<i32>} : memref<8x16xi32, #tpu.memory_space<vmem>>, vector<1x16xi32>,
    %get3A_405 = vector.shape_cast %get3A_404 : vector<1x16xi32> to vector<16xi32>
    %swap3A_406 = arith.constant 0 : i32
    %swap3A_407 = arith.index_cast %swap3A_406 : i32 to index
    %swap3A_408 = arith.constant 64 : index
    %swap3A_409 = tpu.vector_load %arg10[%swap3A_407, %swap3A_408] {strides = array<i32>} : memref<1x128xi32, #tpu.memory_space<vmem>>, vector<1x16xi32>,
    %swap3A_410 = vector.shape_cast %swap3A_409 : vector<1x16xi32> to vector<16xi32>
    %swap3A_411 = vector.shape_cast %get3A_405 : vector<16xi32> to vector<1x16xi32>
    tpu.vector_store %arg10[%swap3A_407, %swap3A_408], %swap3A_411 {strides = array<i32>} : memref<1x128xi32, #tpu.memory_space<vmem>>, vector<1x16xi32>,
    %get3A_412 = arith.constant 5 : i32
    %get3A_413 = arith.index_cast %get3A_412 : i32 to index
    %get3A_414 = arith.constant 0 : index
    %get3A_415 = tpu.vector_load %arg14[%get3A_413, %get3A_414] {strides = array<i32>} : memref<8x16xi32, #tpu.memory_space<vmem>>, vector<1x16xi32>,
    %get3A_416 = vector.shape_cast %get3A_415 : vector<1x16xi32> to vector<16xi32>
    %swap3A_417 = arith.constant 0 : i32
    %swap3A_418 = arith.index_cast %swap3A_417 : i32 to index
    %swap3A_419 = arith.constant 80 : index
    %swap3A_420 = tpu.vector_load %arg10[%swap3A_418, %swap3A_419] {strides = array<i32>} : memref<1x128xi32, #tpu.memory_space<vmem>>, vector<1x16xi32>,
    %swap3A_421 = vector.shape_cast %swap3A_420 : vector<1x16xi32> to vector<16xi32>
    %swap3A_422 = vector.shape_cast %get3A_416 : vector<16xi32> to vector<1x16xi32>
    tpu.vector_store %arg10[%swap3A_418, %swap3A_419], %swap3A_422 {strides = array<i32>} : memref<1x128xi32, #tpu.memory_space<vmem>>, vector<1x16xi32>,
    %get3A_423 = arith.constant 6 : i32
    %get3A_424 = arith.index_cast %get3A_423 : i32 to index
    %get3A_425 = arith.constant 0 : index
    %get3A_426 = tpu.vector_load %arg14[%get3A_424, %get3A_425] {strides = array<i32>} : memref<8x16xi32, #tpu.memory_space<vmem>>, vector<1x16xi32>,
    %get3A_427 = vector.shape_cast %get3A_426 : vector<1x16xi32> to vector<16xi32>
    %swap3A_428 = arith.constant 0 : i32
    %swap3A_429 = arith.index_cast %swap3A_428 : i32 to index
    %swap3A_430 = arith.constant 96 : index
    %swap3A_431 = tpu.vector_load %arg10[%swap3A_429, %swap3A_430] {strides = array<i32>} : memref<1x128xi32, #tpu.memory_space<vmem>>, vector<1x16xi32>,
    %swap3A_432 = vector.shape_cast %swap3A_431 : vector<1x16xi32> to vector<16xi32>
    %swap3A_433 = vector.shape_cast %get3A_427 : vector<16xi32> to vector<1x16xi32>
    tpu.vector_store %arg10[%swap3A_429, %swap3A_430], %swap3A_433 {strides = array<i32>} : memref<1x128xi32, #tpu.memory_space<vmem>>, vector<1x16xi32>,
    %get3A_434 = arith.constant 7 : i32
    %get3A_435 = arith.index_cast %get3A_434 : i32 to index
    %get3A_436 = arith.constant 0 : index
    %get3A_437 = tpu.vector_load %arg14[%get3A_435, %get3A_436] {strides = array<i32>} : memref<8x16xi32, #tpu.memory_space<vmem>>, vector<1x16xi32>,
    %get3A_438 = vector.shape_cast %get3A_437 : vector<1x16xi32> to vector<16xi32>
    %swap3A_439 = arith.constant 0 : i32
    %swap3A_440 = arith.index_cast %swap3A_439 : i32 to index
    %swap3A_441 = arith.constant 112 : index
    %swap3A_442 = tpu.vector_load %arg10[%swap3A_440, %swap3A_441] {strides = array<i32>} : memref<1x128xi32, #tpu.memory_space<vmem>>, vector<1x16xi32>,
    %swap3A_443 = vector.shape_cast %swap3A_442 : vector<1x16xi32> to vector<16xi32>
    %swap3A_444 = vector.shape_cast %get3A_438 : vector<16xi32> to vector<1x16xi32>
    tpu.vector_store %arg10[%swap3A_440, %swap3A_441], %swap3A_444 {strides = array<i32>} : memref<1x128xi32, #tpu.memory_space<vmem>>, vector<1x16xi32>,
    %dma_start3A_445 = arith.constant 0 : i32
    %dma_start3A_446 = arith.constant 3 : i32
    %dma_start3A_447 = arith.constant 0 : i32
    %dma_start3A_448 = arith.constant 0 : i32
    %dma_start3A_449 = tpu.memref_slice %arg5[%dma_start3A_446, %dma_start3A_447, %dma_start3A_448] : memref<4x128x128xf32, #tpu.memory_space<vmem>> -> memref<1x128x128xf32, #tpu.memory_space<vmem>>
    %dma_start3A_450 = tpu.memref_squeeze %dma_start3A_449 : memref<1x128x128xf32, #tpu.memory_space<vmem>> -> memref<128x128xf32, #tpu.memory_space<vmem>>
    %dma_start3A_451 = arith.constant 0 : i32
    %dma_start3A_452 = tpu.memref_slice %arg10[%dma_start3A_445, %dma_start3A_451] : memref<1x128xi32, #tpu.memory_space<vmem>> -> memref<1x128xi32, #tpu.memory_space<vmem>>
    %dma_start3A_453 = tpu.memref_squeeze %dma_start3A_452 : memref<1x128xi32, #tpu.memory_space<vmem>> -> memref<128xi32, #tpu.memory_space<vmem>>
    %dma_start3A_454 = arith.constant 0 : i32
    %dma_start3A_455 = arith.constant 0 : i32
    %dma_start3A_456 = tpu.memref_slice %arg2[%dma_start3A_454, %dma_start3A_455] : memref<50000x128xf32, #tpu.memory_space<hbm>> -> memref<50000x128xf32, #tpu.memory_space<hbm>>
    tpu.enqueue_indirect_dma source(%dma_start3A_456 : memref<50000x128xf32, #tpu.memory_space<hbm>>) target(%dma_start3A_450 : memref<128x128xf32, #tpu.memory_space<vmem>>) offsets(%dma_start3A_453 : memref<128xi32, #tpu.memory_space<vmem>>) semaphore(%arg22 : memref<!tpu.dma_semaphore, #tpu.memory_space<semaphore_mem>>)
    %scan3A = arith.constant 0 : i32
    %scan3A_457 = arith.constant 25 : i32
    %scan3A_458 = arith.addi %scan3A, %scan3A_457 : i32
    %scan3A_459 = arith.constant 1 : i32
    scf.for %scan3A_491 = %scan3A to %scan3A_458 step %scan3A_459  : i32 {
      %mul3A_492 = arith.constant 4 : i32
      %mul3A_493 = arith.muli %scan3A_491, %mul3A_492 : i32
      %add3A_494 = arith.constant 0 : i32
      %add3A_495 = arith.addi %add3A_494, %mul3A_493 : i32
      %add3A_496 = arith.constant 0 : i32
      %add3A_497 = arith.addi %add3A_495, %add3A_496 : i32
      %dma_wait3A_498 = arith.constant 0 : i32
      %dma_wait3A_499 = arith.constant 0 : i32
      %dma_wait3A_500 = arith.constant 0 : i32
      %dma_wait3A_501 = arith.constant 0 : i32
      %dma_wait3A_502 = tpu.memref_slice %arg5[%dma_wait3A_499, %dma_wait3A_500, %dma_wait3A_501] : memref<4x128x128xf32, #tpu.memory_space<vmem>> -> memref<1x128x128xf32, #tpu.memory_space<vmem>>
      %dma_wait3A_503 = tpu.memref_squeeze %dma_wait3A_502 : memref<1x128x128xf32, #tpu.memory_space<vmem>> -> memref<128x128xf32, #tpu.memory_space<vmem>>
      %dma_wait3A_504 = arith.constant 0 : i32
      %dma_wait3A_505 = tpu.memref_slice %arg7[%dma_wait3A_498, %dma_wait3A_504] : memref<1x128xi32, #tpu.memory_space<vmem>> -> memref<1x128xi32, #tpu.memory_space<vmem>>
      %dma_wait3A_506 = tpu.memref_squeeze %dma_wait3A_505 : memref<1x128xi32, #tpu.memory_space<vmem>> -> memref<128xi32, #tpu.memory_space<vmem>>
      %dma_wait3A_507 = arith.constant 0 : i32
      %dma_wait3A_508 = arith.constant 0 : i32
      %dma_wait3A_509 = tpu.memref_slice %arg2[%dma_wait3A_507, %dma_wait3A_508] : memref<50000x128xf32, #tpu.memory_space<hbm>> -> memref<50000x128xf32, #tpu.memory_space<hbm>>
      tpu.wait_indirect_dma semaphore(%arg19 : memref<!tpu.dma_semaphore, #tpu.memory_space<semaphore_mem>>) src(%dma_wait3A_509 : memref<50000x128xf32, #tpu.memory_space<hbm>>) dst(%dma_wait3A_503 : memref<128x128xf32, #tpu.memory_space<vmem>>)
      %add3A_510 = arith.constant 4 : i32
      %add3A_511 = arith.addi %add3A_497, %add3A_510 : i32
      %lt3A = arith.constant 100 : i32
      %lt3A_512 = arith.cmpi slt, %add3A_511, %lt3A : i32
      %convert_element_type3A = arith.extui %lt3A_512 : i1 to i32
      %cond3A = arith.constant 0 : i32
      %cond3A_513 = arith.cmpi ne, %convert_element_type3A, %cond3A : i32
      scf.if %cond3A_513 {
        %add3A_711 = arith.addi %min3A_4, %add3A_511 : i32
        %mul3A_712 = arith.constant 8 : i32
        %mul3A_713 = arith.muli %add3A_711, %mul3A_712 : i32
        %dma_start3A_714 = arith.constant 0 : i32
        %dma_start3A_715 = tpu.memref_slice %arg3[%mul3A_713, %dma_start3A_714] : memref<25000x16xi32, #tpu.memory_space<hbm>> -> memref<8x16xi32, #tpu.memory_space<hbm>>
        %dma_start3A_716 = arith.constant 0 : i32
        %dma_start3A_717 = tpu.memref_slice %arg3[%mul3A_713, %dma_start3A_716] : memref<25000x16xi32, #tpu.memory_space<hbm>> -> memref<8x16xi32, #tpu.memory_space<hbm>>
        tpu.enqueue_dma source(%dma_start3A_717 : memref<8x16xi32, #tpu.memory_space<hbm>>) target(%arg11 : memref<8x16xi32, #tpu.memory_space<vmem>>) target_semaphore(%arg15 : memref<!tpu.dma_semaphore, #tpu.memory_space<semaphore_mem>>)
      } else {
      }
      %ge3A = arith.constant 2 : i32
      %ge3A_514 = arith.cmpi sge, %add3A_497, %ge3A : i32
      %convert_element_type3A_515 = arith.extui %ge3A_514 : i1 to i32
      %cond3A_516 = arith.constant 0 : i32
      %cond3A_517 = arith.cmpi ne, %convert_element_type3A_515, %cond3A_516 : i32
      scf.if %cond3A_517 {
        %dma_wait3A_711 = arith.constant 0 : i32
        %dma_wait3A_712 = arith.constant 0 : i32
        %dma_wait3A_713 = arith.constant 0 : i32
        %dma_wait3A_714 = tpu.memref_slice %arg6[%dma_wait3A_711, %dma_wait3A_712, %dma_wait3A_713] : memref<2x8x128xf32, #tpu.memory_space<vmem>> -> memref<1x8x128xf32, #tpu.memory_space<vmem>>
        %dma_wait3A_715 = tpu.memref_squeeze %dma_wait3A_714 : memref<1x8x128xf32, #tpu.memory_space<vmem>> -> memref<8x128xf32, #tpu.memory_space<vmem>>
        %dma_wait3A_716 = arith.constant 0 : i32
        %dma_wait3A_717 = arith.constant 0 : i32
        %dma_wait3A_718 = tpu.memref_slice %arg4[%dma_wait3A_716, %dma_wait3A_717] : memref<25000x128xf32, #tpu.memory_space<hbm>> -> memref<8x128xf32, #tpu.memory_space<hbm>>
        %dma_wait3A_719 = arith.constant 0 : i32
        %dma_wait3A_720 = arith.constant 0 : i32
        %dma_wait3A_721 = tpu.memref_slice %arg4[%dma_wait3A_719, %dma_wait3A_720] : memref<25000x128xf32, #tpu.memory_space<hbm>> -> memref<8x128xf32, #tpu.memory_space<hbm>>
        %dma_wait3A_722 = arith.constant 0 : i32
        %dma_wait3A_723 = arith.constant 0 : i32
        %dma_wait3A_724 = tpu.memref_slice %arg6[%dma_wait3A_711, %dma_wait3A_722, %dma_wait3A_723] : memref<2x8x128xf32, #tpu.memory_space<vmem>> -> memref<1x8x128xf32, #tpu.memory_space<vmem>>
        %dma_wait3A_725 = tpu.memref_squeeze %dma_wait3A_724 : memref<1x8x128xf32, #tpu.memory_space<vmem>> -> memref<8x128xf32, #tpu.memory_space<vmem>>
        tpu.wait_dma2 semaphore(%arg23 : memref<!tpu.dma_semaphore, #tpu.memory_space<semaphore_mem>>) src(%dma_wait3A_725 : memref<8x128xf32, #tpu.memory_space<vmem>>) dst(%dma_wait3A_721 : memref<8x128xf32, #tpu.memory_space<hbm>>)
      } else {
      }
      %lt3A_518 = arith.constant 100 : i32
      %lt3A_519 = arith.cmpi slt, %add3A_511, %lt3A_518 : i32
      %convert_element_type3A_520 = arith.extui %lt3A_519 : i1 to i32
      %cond3A_521 = arith.constant 0 : i32
      %cond3A_522 = arith.cmpi ne, %convert_element_type3A_520, %cond3A_521 : i32
      scf.if %cond3A_522 {
        %dma_wait3A_711 = arith.constant 0 : i32
        %dma_wait3A_712 = arith.constant 0 : i32
        %dma_wait3A_713 = tpu.memref_slice %arg3[%dma_wait3A_711, %dma_wait3A_712] : memref<25000x16xi32, #tpu.memory_space<hbm>> -> memref<8x16xi32, #tpu.memory_space<hbm>>
        %dma_wait3A_714 = arith.constant 0 : i32
        %dma_wait3A_715 = arith.constant 0 : i32
        %dma_wait3A_716 = tpu.memref_slice %arg3[%dma_wait3A_714, %dma_wait3A_715] : memref<25000x16xi32, #tpu.memory_space<hbm>> -> memref<8x16xi32, #tpu.memory_space<hbm>>
        tpu.wait_dma2 semaphore(%arg15 : memref<!tpu.dma_semaphore, #tpu.memory_space<semaphore_mem>>) src(%dma_wait3A_716 : memref<8x16xi32, #tpu.memory_space<hbm>>) dst(%arg11 : memref<8x16xi32, #tpu.memory_space<vmem>>)
        %get3A_717 = arith.constant 0 : i32
        %get3A_718 = arith.index_cast %get3A_717 : i32 to index
        %get3A_719 = arith.constant 0 : index
        %get3A_720 = tpu.vector_load %arg11[%get3A_718, %get3A_719] {strides = array<i32>} : memref<8x16xi32, #tpu.memory_space<vmem>>, vector<1x16xi32>,
        %get3A_721 = vector.shape_cast %get3A_720 : vector<1x16xi32> to vector<16xi32>
        %swap3A_722 = arith.constant 0 : i32
        %swap3A_723 = arith.index_cast %swap3A_722 : i32 to index
        %swap3A_724 = arith.constant 0 : index
        %swap3A_725 = tpu.vector_load %arg7[%swap3A_723, %swap3A_724] {strides = array<i32>} : memref<1x128xi32, #tpu.memory_space<vmem>>, vector<1x16xi32>,
        %swap3A_726 = vector.shape_cast %swap3A_725 : vector<1x16xi32> to vector<16xi32>
        %swap3A_727 = vector.shape_cast %get3A_721 : vector<16xi32> to vector<1x16xi32>
        tpu.vector_store %arg7[%swap3A_723, %swap3A_724], %swap3A_727 {strides = array<i32>} : memref<1x128xi32, #tpu.memory_space<vmem>>, vector<1x16xi32>,
        %get3A_728 = arith.constant 1 : i32
        %get3A_729 = arith.index_cast %get3A_728 : i32 to index
        %get3A_730 = arith.constant 0 : index
        %get3A_731 = tpu.vector_load %arg11[%get3A_729, %get3A_730] {strides = array<i32>} : memref<8x16xi32, #tpu.memory_space<vmem>>, vector<1x16xi32>,
        %get3A_732 = vector.shape_cast %get3A_731 : vector<1x16xi32> to vector<16xi32>
        %swap3A_733 = arith.constant 0 : i32
        %swap3A_734 = arith.index_cast %swap3A_733 : i32 to index
        %swap3A_735 = arith.constant 16 : index
        %swap3A_736 = tpu.vector_load %arg7[%swap3A_734, %swap3A_735] {strides = array<i32>} : memref<1x128xi32, #tpu.memory_space<vmem>>, vector<1x16xi32>,
        %swap3A_737 = vector.shape_cast %swap3A_736 : vector<1x16xi32> to vector<16xi32>
        %swap3A_738 = vector.shape_cast %get3A_732 : vector<16xi32> to vector<1x16xi32>
        tpu.vector_store %arg7[%swap3A_734, %swap3A_735], %swap3A_738 {strides = array<i32>} : memref<1x128xi32, #tpu.memory_space<vmem>>, vector<1x16xi32>,
        %get3A_739 = arith.constant 2 : i32
        %get3A_740 = arith.index_cast %get3A_739 : i32 to index
        %get3A_741 = arith.constant 0 : index
        %get3A_742 = tpu.vector_load %arg11[%get3A_740, %get3A_741] {strides = array<i32>} : memref<8x16xi32, #tpu.memory_space<vmem>>, vector<1x16xi32>,
        %get3A_743 = vector.shape_cast %get3A_742 : vector<1x16xi32> to vector<16xi32>
        %swap3A_744 = arith.constant 0 : i32
        %swap3A_745 = arith.index_cast %swap3A_744 : i32 to index
        %swap3A_746 = arith.constant 32 : index
        %swap3A_747 = tpu.vector_load %arg7[%swap3A_745, %swap3A_746] {strides = array<i32>} : memref<1x128xi32, #tpu.memory_space<vmem>>, vector<1x16xi32>,
        %swap3A_748 = vector.shape_cast %swap3A_747 : vector<1x16xi32> to vector<16xi32>
        %swap3A_749 = vector.shape_cast %get3A_743 : vector<16xi32> to vector<1x16xi32>
        tpu.vector_store %arg7[%swap3A_745, %swap3A_746], %swap3A_749 {strides = array<i32>} : memref<1x128xi32, #tpu.memory_space<vmem>>, vector<1x16xi32>,
        %get3A_750 = arith.constant 3 : i32
        %get3A_751 = arith.index_cast %get3A_750 : i32 to index
        %get3A_752 = arith.constant 0 : index
        %get3A_753 = tpu.vector_load %arg11[%get3A_751, %get3A_752] {strides = array<i32>} : memref<8x16xi32, #tpu.memory_space<vmem>>, vector<1x16xi32>,
        %get3A_754 = vector.shape_cast %get3A_753 : vector<1x16xi32> to vector<16xi32>
        %swap3A_755 = arith.constant 0 : i32
        %swap3A_756 = arith.index_cast %swap3A_755 : i32 to index
        %swap3A_757 = arith.constant 48 : index
        %swap3A_758 = tpu.vector_load %arg7[%swap3A_756, %swap3A_757] {strides = array<i32>} : memref<1x128xi32, #tpu.memory_space<vmem>>, vector<1x16xi32>,
        %swap3A_759 = vector.shape_cast %swap3A_758 : vector<1x16xi32> to vector<16xi32>
        %swap3A_760 = vector.shape_cast %get3A_754 : vector<16xi32> to vector<1x16xi32>
        tpu.vector_store %arg7[%swap3A_756, %swap3A_757], %swap3A_760 {strides = array<i32>} : memref<1x128xi32, #tpu.memory_space<vmem>>, vector<1x16xi32>,
        %get3A_761 = arith.constant 4 : i32
        %get3A_762 = arith.index_cast %get3A_761 : i32 to index
        %get3A_763 = arith.constant 0 : index
        %get3A_764 = tpu.vector_load %arg11[%get3A_762, %get3A_763] {strides = array<i32>} : memref<8x16xi32, #tpu.memory_space<vmem>>, vector<1x16xi32>,
        %get3A_765 = vector.shape_cast %get3A_764 : vector<1x16xi32> to vector<16xi32>
        %swap3A_766 = arith.constant 0 : i32
        %swap3A_767 = arith.index_cast %swap3A_766 : i32 to index
        %swap3A_768 = arith.constant 64 : index
        %swap3A_769 = tpu.vector_load %arg7[%swap3A_767, %swap3A_768] {strides = array<i32>} : memref<1x128xi32, #tpu.memory_space<vmem>>, vector<1x16xi32>,
        %swap3A_770 = vector.shape_cast %swap3A_769 : vector<1x16xi32> to vector<16xi32>
        %swap3A_771 = vector.shape_cast %get3A_765 : vector<16xi32> to vector<1x16xi32>
        tpu.vector_store %arg7[%swap3A_767, %swap3A_768], %swap3A_771 {strides = array<i32>} : memref<1x128xi32, #tpu.memory_space<vmem>>, vector<1x16xi32>,
        %get3A_772 = arith.constant 5 : i32
        %get3A_773 = arith.index_cast %get3A_772 : i32 to index
        %get3A_774 = arith.constant 0 : index
        %get3A_775 = tpu.vector_load %arg11[%get3A_773, %get3A_774] {strides = array<i32>} : memref<8x16xi32, #tpu.memory_space<vmem>>, vector<1x16xi32>,
        %get3A_776 = vector.shape_cast %get3A_775 : vector<1x16xi32> to vector<16xi32>
        %swap3A_777 = arith.constant 0 : i32
        %swap3A_778 = arith.index_cast %swap3A_777 : i32 to index
        %swap3A_779 = arith.constant 80 : index
        %swap3A_780 = tpu.vector_load %arg7[%swap3A_778, %swap3A_779] {strides = array<i32>} : memref<1x128xi32, #tpu.memory_space<vmem>>, vector<1x16xi32>,
        %swap3A_781 = vector.shape_cast %swap3A_780 : vector<1x16xi32> to vector<16xi32>
        %swap3A_782 = vector.shape_cast %get3A_776 : vector<16xi32> to vector<1x16xi32>
        tpu.vector_store %arg7[%swap3A_778, %swap3A_779], %swap3A_782 {strides = array<i32>} : memref<1x128xi32, #tpu.memory_space<vmem>>, vector<1x16xi32>,
        %get3A_783 = arith.constant 6 : i32
        %get3A_784 = arith.index_cast %get3A_783 : i32 to index
        %get3A_785 = arith.constant 0 : index
        %get3A_786 = tpu.vector_load %arg11[%get3A_784, %get3A_785] {strides = array<i32>} : memref<8x16xi32, #tpu.memory_space<vmem>>, vector<1x16xi32>,
        %get3A_787 = vector.shape_cast %get3A_786 : vector<1x16xi32> to vector<16xi32>
        %swap3A_788 = arith.constant 0 : i32
        %swap3A_789 = arith.index_cast %swap3A_788 : i32 to index
        %swap3A_790 = arith.constant 96 : index
        %swap3A_791 = tpu.vector_load %arg7[%swap3A_789, %swap3A_790] {strides = array<i32>} : memref<1x128xi32, #tpu.memory_space<vmem>>, vector<1x16xi32>,
        %swap3A_792 = vector.shape_cast %swap3A_791 : vector<1x16xi32> to vector<16xi32>
        %swap3A_793 = vector.shape_cast %get3A_787 : vector<16xi32> to vector<1x16xi32>
        tpu.vector_store %arg7[%swap3A_789, %swap3A_790], %swap3A_793 {strides = array<i32>} : memref<1x128xi32, #tpu.memory_space<vmem>>, vector<1x16xi32>,
        %get3A_794 = arith.constant 7 : i32
        %get3A_795 = arith.index_cast %get3A_794 : i32 to index
        %get3A_796 = arith.constant 0 : index
        %get3A_797 = tpu.vector_load %arg11[%get3A_795, %get3A_796] {strides = array<i32>} : memref<8x16xi32, #tpu.memory_space<vmem>>, vector<1x16xi32>,
        %get3A_798 = vector.shape_cast %get3A_797 : vector<1x16xi32> to vector<16xi32>
        %swap3A_799 = arith.constant 0 : i32
        %swap3A_800 = arith.index_cast %swap3A_799 : i32 to index
        %swap3A_801 = arith.constant 112 : index
        %swap3A_802 = tpu.vector_load %arg7[%swap3A_800, %swap3A_801] {strides = array<i32>} : memref<1x128xi32, #tpu.memory_space<vmem>>, vector<1x16xi32>,
        %swap3A_803 = vector.shape_cast %swap3A_802 : vector<1x16xi32> to vector<16xi32>
        %swap3A_804 = vector.shape_cast %get3A_798 : vector<16xi32> to vector<1x16xi32>
        tpu.vector_store %arg7[%swap3A_800, %swap3A_801], %swap3A_804 {strides = array<i32>} : memref<1x128xi32, #tpu.memory_space<vmem>>, vector<1x16xi32>,
      } else {
      }
      %parallel_loop3A = arith.constant 0 : i32
      %parallel_loop3A_523 = arith.constant 64 : i32
      %parallel_loop3A_524 = arith.constant 1 : i32
      scf.for %parallel_loop3A_711 = %parallel_loop3A to %parallel_loop3A_523 step %parallel_loop3A_524  : i32 {
        %parallel_loop3A_712 = arith.constant 8 : i32
        %parallel_loop3A_713 = arith.constant 0 : i32
        %parallel_loop3A_714 = arith.cmpi eq, %parallel_loop3A_712, %parallel_loop3A_713 : i32
        %parallel_loop3A_715 = arith.constant 1 : i32
        %parallel_loop3A_716 = arith.select %parallel_loop3A_714, %parallel_loop3A_715, %parallel_loop3A_712 : i32
        %parallel_loop3A_717 = arith.remsi %parallel_loop3A_711, %parallel_loop3A_716 : i32
        %parallel_loop3A_718 = arith.constant 0 : i32
        %parallel_loop3A_719 = arith.cmpi ne, %parallel_loop3A_717, %parallel_loop3A_718 : i32
        %parallel_loop3A_720 = arith.constant 0 : i32
        %parallel_loop3A_721 = arith.cmpi slt, %parallel_loop3A_717, %parallel_loop3A_720 : i32
        %parallel_loop3A_722 = arith.constant 0 : i32
        %parallel_loop3A_723 = arith.cmpi slt, %parallel_loop3A_716, %parallel_loop3A_722 : i32
        %parallel_loop3A_724 = arith.xori %parallel_loop3A_721, %parallel_loop3A_723 : i1
        %parallel_loop3A_725 = arith.andi %parallel_loop3A_724, %parallel_loop3A_719 : i1
        %parallel_loop3A_726 = arith.addi %parallel_loop3A_717, %parallel_loop3A_716 : i32
        %parallel_loop3A_727 = arith.select %parallel_loop3A_725, %parallel_loop3A_726, %parallel_loop3A_717 : i32
        %parallel_loop3A_728 = arith.constant 8 : i32
        %parallel_loop3A_729 = arith.divsi %parallel_loop3A_711, %parallel_loop3A_728 : i32
        %parallel_loop3A_730 = arith.constant 0 : i32
        %parallel_loop3A_731 = arith.cmpi sgt, %parallel_loop3A_711, %parallel_loop3A_730 : i32
        %parallel_loop3A_732 = arith.extui %parallel_loop3A_731 : i1 to i32
        %parallel_loop3A_733 = arith.constant 0 : i32
        %parallel_loop3A_734 = arith.cmpi slt, %parallel_loop3A_711, %parallel_loop3A_733 : i32
        %parallel_loop3A_735 = arith.extui %parallel_loop3A_734 : i1 to i32
        %parallel_loop3A_736 = arith.subi %parallel_loop3A_732, %parallel_loop3A_735 : i32
        %parallel_loop3A_737 = arith.constant 0 : i32
        %parallel_loop3A_738 = arith.cmpi sgt, %parallel_loop3A_728, %parallel_loop3A_737 : i32
        %parallel_loop3A_739 = arith.extui %parallel_loop3A_738 : i1 to i32
        %parallel_loop3A_740 = arith.constant 0 : i32
        %parallel_loop3A_741 = arith.cmpi slt, %parallel_loop3A_728, %parallel_loop3A_740 : i32
        %parallel_loop3A_742 = arith.extui %parallel_loop3A_741 : i1 to i32
        %parallel_loop3A_743 = arith.subi %parallel_loop3A_739, %parallel_loop3A_742 : i32
        %parallel_loop3A_744 = arith.cmpi ne, %parallel_loop3A_736, %parallel_loop3A_743 : i32
        %parallel_loop3A_745 = arith.remsi %parallel_loop3A_711, %parallel_loop3A_728 : i32
        %parallel_loop3A_746 = arith.constant 0 : i32
        %parallel_loop3A_747 = arith.cmpi ne, %parallel_loop3A_745, %parallel_loop3A_746 : i32
        %parallel_loop3A_748 = arith.andi %parallel_loop3A_744, %parallel_loop3A_747 : i1
        %parallel_loop3A_749 = arith.constant 1 : i32
        %parallel_loop3A_750 = arith.subi %parallel_loop3A_729, %parallel_loop3A_749 : i32
        %parallel_loop3A_751 = arith.select %parallel_loop3A_748, %parallel_loop3A_750, %parallel_loop3A_729 : i32
        %parallel_loop3A_752 = arith.constant 16 : i32
        %parallel_loop3A_753 = arith.muli %parallel_loop3A_727, %parallel_loop3A_752 : i32
        %parallel_loop3A_754 = arith.constant 16 : i32
        %parallel_loop3A_755 = arith.muli %parallel_loop3A_751, %parallel_loop3A_754 : i32
        %parallel_loop3A_756 = arith.constant 0 : i32
        %parallel_loop3A_757 = arith.addi %parallel_loop3A_753, %parallel_loop3A_756 : i32
        %parallel_loop3A_758 = arith.constant 0 : i32
        %parallel_loop3A_759 = arith.index_cast %parallel_loop3A_758 : i32 to index
        %parallel_loop3A_760 = arith.index_cast %parallel_loop3A_757 : i32 to index
        %parallel_loop3A_761 = arith.index_cast %parallel_loop3A_755 : i32 to index
        %parallel_loop3A_762 = tpu.vector_load %arg5[%parallel_loop3A_759, %parallel_loop3A_760, %parallel_loop3A_761] {strides = array<i32>} : memref<4x128x128xf32, #tpu.memory_space<vmem>>, vector<1x1x16xf32>,
        %parallel_loop3A_763 = vector.shape_cast %parallel_loop3A_762 : vector<1x1x16xf32> to vector<16xf32>
        %parallel_loop3A_764 = arith.constant 0 : i32
        %parallel_loop3A_765 = arith.addi %parallel_loop3A_753, %parallel_loop3A_764 : i32
        %parallel_loop3A_766 = arith.constant 1 : i32
        %parallel_loop3A_767 = arith.addi %parallel_loop3A_765, %parallel_loop3A_766 : i32
        %parallel_loop3A_768 = arith.constant 0 : i32
        %parallel_loop3A_769 = arith.index_cast %parallel_loop3A_768 : i32 to index
        %parallel_loop3A_770 = arith.index_cast %parallel_loop3A_767 : i32 to index
        %parallel_loop3A_771 = arith.index_cast %parallel_loop3A_755 : i32 to index
        %parallel_loop3A_772 = tpu.vector_load %arg5[%parallel_loop3A_769, %parallel_loop3A_770, %parallel_loop3A_771] {strides = array<i32>} : memref<4x128x128xf32, #tpu.memory_space<vmem>>, vector<1x1x16xf32>,
        %parallel_loop3A_773 = vector.shape_cast %parallel_loop3A_772 : vector<1x1x16xf32> to vector<16xf32>
        %parallel_loop3A_774 = arith.constant 0 : i32
        %parallel_loop3A_775 = arith.addi %parallel_loop3A_753, %parallel_loop3A_774 : i32
        %parallel_loop3A_776 = arith.constant 2 : i32
        %parallel_loop3A_777 = arith.addi %parallel_loop3A_775, %parallel_loop3A_776 : i32
        %parallel_loop3A_778 = arith.constant 0 : i32
        %parallel_loop3A_779 = arith.index_cast %parallel_loop3A_778 : i32 to index
        %parallel_loop3A_780 = arith.index_cast %parallel_loop3A_777 : i32 to index
        %parallel_loop3A_781 = arith.index_cast %parallel_loop3A_755 : i32 to index
        %parallel_loop3A_782 = tpu.vector_load %arg5[%parallel_loop3A_779, %parallel_loop3A_780, %parallel_loop3A_781] {strides = array<i32>} : memref<4x128x128xf32, #tpu.memory_space<vmem>>, vector<1x1x16xf32>,
        %parallel_loop3A_783 = vector.shape_cast %parallel_loop3A_782 : vector<1x1x16xf32> to vector<16xf32>
        %parallel_loop3A_784 = arith.constant 0 : i32
        %parallel_loop3A_785 = arith.addi %parallel_loop3A_753, %parallel_loop3A_784 : i32
        %parallel_loop3A_786 = arith.constant 3 : i32
        %parallel_loop3A_787 = arith.addi %parallel_loop3A_785, %parallel_loop3A_786 : i32
        %parallel_loop3A_788 = arith.constant 0 : i32
        %parallel_loop3A_789 = arith.index_cast %parallel_loop3A_788 : i32 to index
        %parallel_loop3A_790 = arith.index_cast %parallel_loop3A_787 : i32 to index
        %parallel_loop3A_791 = arith.index_cast %parallel_loop3A_755 : i32 to index
        %parallel_loop3A_792 = tpu.vector_load %arg5[%parallel_loop3A_789, %parallel_loop3A_790, %parallel_loop3A_791] {strides = array<i32>} : memref<4x128x128xf32, #tpu.memory_space<vmem>>, vector<1x1x16xf32>,
        %parallel_loop3A_793 = vector.shape_cast %parallel_loop3A_792 : vector<1x1x16xf32> to vector<16xf32>
        %parallel_loop3A_794 = arith.maximumf %parallel_loop3A_763, %parallel_loop3A_773 : vector<16xf32>
        %parallel_loop3A_795 = arith.maximumf %parallel_loop3A_783, %parallel_loop3A_793 : vector<16xf32>
        %parallel_loop3A_796 = arith.maximumf %parallel_loop3A_794, %parallel_loop3A_795 : vector<16xf32>
        %parallel_loop3A_797 = arith.constant 4 : i32
        %parallel_loop3A_798 = arith.addi %parallel_loop3A_753, %parallel_loop3A_797 : i32
        %parallel_loop3A_799 = arith.constant 0 : i32
        %parallel_loop3A_800 = arith.index_cast %parallel_loop3A_799 : i32 to index
        %parallel_loop3A_801 = arith.index_cast %parallel_loop3A_798 : i32 to index
        %parallel_loop3A_802 = arith.index_cast %parallel_loop3A_755 : i32 to index
        %parallel_loop3A_803 = tpu.vector_load %arg5[%parallel_loop3A_800, %parallel_loop3A_801, %parallel_loop3A_802] {strides = array<i32>} : memref<4x128x128xf32, #tpu.memory_space<vmem>>, vector<1x1x16xf32>,
        %parallel_loop3A_804 = vector.shape_cast %parallel_loop3A_803 : vector<1x1x16xf32> to vector<16xf32>
        %parallel_loop3A_805 = arith.constant 4 : i32
        %parallel_loop3A_806 = arith.addi %parallel_loop3A_753, %parallel_loop3A_805 : i32
        %parallel_loop3A_807 = arith.constant 1 : i32
        %parallel_loop3A_808 = arith.addi %parallel_loop3A_806, %parallel_loop3A_807 : i32
        %parallel_loop3A_809 = arith.constant 0 : i32
        %parallel_loop3A_810 = arith.index_cast %parallel_loop3A_809 : i32 to index
        %parallel_loop3A_811 = arith.index_cast %parallel_loop3A_808 : i32 to index
        %parallel_loop3A_812 = arith.index_cast %parallel_loop3A_755 : i32 to index
        %parallel_loop3A_813 = tpu.vector_load %arg5[%parallel_loop3A_810, %parallel_loop3A_811, %parallel_loop3A_812] {strides = array<i32>} : memref<4x128x128xf32, #tpu.memory_space<vmem>>, vector<1x1x16xf32>,
        %parallel_loop3A_814 = vector.shape_cast %parallel_loop3A_813 : vector<1x1x16xf32> to vector<16xf32>
        %parallel_loop3A_815 = arith.constant 4 : i32
        %parallel_loop3A_816 = arith.addi %parallel_loop3A_753, %parallel_loop3A_815 : i32
        %parallel_loop3A_817 = arith.constant 2 : i32
        %parallel_loop3A_818 = arith.addi %parallel_loop3A_816, %parallel_loop3A_817 : i32
        %parallel_loop3A_819 = arith.constant 0 : i32
        %parallel_loop3A_820 = arith.index_cast %parallel_loop3A_819 : i32 to index
        %parallel_loop3A_821 = arith.index_cast %parallel_loop3A_818 : i32 to index
        %parallel_loop3A_822 = arith.index_cast %parallel_loop3A_755 : i32 to index
        %parallel_loop3A_823 = tpu.vector_load %arg5[%parallel_loop3A_820, %parallel_loop3A_821, %parallel_loop3A_822] {strides = array<i32>} : memref<4x128x128xf32, #tpu.memory_space<vmem>>, vector<1x1x16xf32>,
        %parallel_loop3A_824 = vector.shape_cast %parallel_loop3A_823 : vector<1x1x16xf32> to vector<16xf32>
        %parallel_loop3A_825 = arith.constant 4 : i32
        %parallel_loop3A_826 = arith.addi %parallel_loop3A_753, %parallel_loop3A_825 : i32
        %parallel_loop3A_827 = arith.constant 3 : i32
        %parallel_loop3A_828 = arith.addi %parallel_loop3A_826, %parallel_loop3A_827 : i32
        %parallel_loop3A_829 = arith.constant 0 : i32
        %parallel_loop3A_830 = arith.index_cast %parallel_loop3A_829 : i32 to index
        %parallel_loop3A_831 = arith.index_cast %parallel_loop3A_828 : i32 to index
        %parallel_loop3A_832 = arith.index_cast %parallel_loop3A_755 : i32 to index
        %parallel_loop3A_833 = tpu.vector_load %arg5[%parallel_loop3A_830, %parallel_loop3A_831, %parallel_loop3A_832] {strides = array<i32>} : memref<4x128x128xf32, #tpu.memory_space<vmem>>, vector<1x1x16xf32>,
        %parallel_loop3A_834 = vector.shape_cast %parallel_loop3A_833 : vector<1x1x16xf32> to vector<16xf32>
        %parallel_loop3A_835 = arith.maximumf %parallel_loop3A_804, %parallel_loop3A_814 : vector<16xf32>
        %parallel_loop3A_836 = arith.maximumf %parallel_loop3A_824, %parallel_loop3A_834 : vector<16xf32>
        %parallel_loop3A_837 = arith.maximumf %parallel_loop3A_835, %parallel_loop3A_836 : vector<16xf32>
        %parallel_loop3A_838 = arith.maximumf %parallel_loop3A_796, %parallel_loop3A_837 : vector<16xf32>
        %parallel_loop3A_839 = arith.constant 8 : i32
        %parallel_loop3A_840 = arith.addi %parallel_loop3A_753, %parallel_loop3A_839 : i32
        %parallel_loop3A_841 = arith.constant 0 : i32
        %parallel_loop3A_842 = arith.index_cast %parallel_loop3A_841 : i32 to index
        %parallel_loop3A_843 = arith.index_cast %parallel_loop3A_840 : i32 to index
        %parallel_loop3A_844 = arith.index_cast %parallel_loop3A_755 : i32 to index
        %parallel_loop3A_845 = tpu.vector_load %arg5[%parallel_loop3A_842, %parallel_loop3A_843, %parallel_loop3A_844] {strides = array<i32>} : memref<4x128x128xf32, #tpu.memory_space<vmem>>, vector<1x1x16xf32>,
        %parallel_loop3A_846 = vector.shape_cast %parallel_loop3A_845 : vector<1x1x16xf32> to vector<16xf32>
        %parallel_loop3A_847 = arith.constant 8 : i32
        %parallel_loop3A_848 = arith.addi %parallel_loop3A_753, %parallel_loop3A_847 : i32
        %parallel_loop3A_849 = arith.constant 1 : i32
        %parallel_loop3A_850 = arith.addi %parallel_loop3A_848, %parallel_loop3A_849 : i32
        %parallel_loop3A_851 = arith.constant 0 : i32
        %parallel_loop3A_852 = arith.index_cast %parallel_loop3A_851 : i32 to index
        %parallel_loop3A_853 = arith.index_cast %parallel_loop3A_850 : i32 to index
        %parallel_loop3A_854 = arith.index_cast %parallel_loop3A_755 : i32 to index
        %parallel_loop3A_855 = tpu.vector_load %arg5[%parallel_loop3A_852, %parallel_loop3A_853, %parallel_loop3A_854] {strides = array<i32>} : memref<4x128x128xf32, #tpu.memory_space<vmem>>, vector<1x1x16xf32>,
        %parallel_loop3A_856 = vector.shape_cast %parallel_loop3A_855 : vector<1x1x16xf32> to vector<16xf32>
        %parallel_loop3A_857 = arith.constant 8 : i32
        %parallel_loop3A_858 = arith.addi %parallel_loop3A_753, %parallel_loop3A_857 : i32
        %parallel_loop3A_859 = arith.constant 2 : i32
        %parallel_loop3A_860 = arith.addi %parallel_loop3A_858, %parallel_loop3A_859 : i32
        %parallel_loop3A_861 = arith.constant 0 : i32
        %parallel_loop3A_862 = arith.index_cast %parallel_loop3A_861 : i32 to index
        %parallel_loop3A_863 = arith.index_cast %parallel_loop3A_860 : i32 to index
        %parallel_loop3A_864 = arith.index_cast %parallel_loop3A_755 : i32 to index
        %parallel_loop3A_865 = tpu.vector_load %arg5[%parallel_loop3A_862, %parallel_loop3A_863, %parallel_loop3A_864] {strides = array<i32>} : memref<4x128x128xf32, #tpu.memory_space<vmem>>, vector<1x1x16xf32>,
        %parallel_loop3A_866 = vector.shape_cast %parallel_loop3A_865 : vector<1x1x16xf32> to vector<16xf32>
        %parallel_loop3A_867 = arith.constant 8 : i32
        %parallel_loop3A_868 = arith.addi %parallel_loop3A_753, %parallel_loop3A_867 : i32
        %parallel_loop3A_869 = arith.constant 3 : i32
        %parallel_loop3A_870 = arith.addi %parallel_loop3A_868, %parallel_loop3A_869 : i32
        %parallel_loop3A_871 = arith.constant 0 : i32
        %parallel_loop3A_872 = arith.index_cast %parallel_loop3A_871 : i32 to index
        %parallel_loop3A_873 = arith.index_cast %parallel_loop3A_870 : i32 to index
        %parallel_loop3A_874 = arith.index_cast %parallel_loop3A_755 : i32 to index
        %parallel_loop3A_875 = tpu.vector_load %arg5[%parallel_loop3A_872, %parallel_loop3A_873, %parallel_loop3A_874] {strides = array<i32>} : memref<4x128x128xf32, #tpu.memory_space<vmem>>, vector<1x1x16xf32>,
        %parallel_loop3A_876 = vector.shape_cast %parallel_loop3A_875 : vector<1x1x16xf32> to vector<16xf32>
        %parallel_loop3A_877 = arith.maximumf %parallel_loop3A_846, %parallel_loop3A_856 : vector<16xf32>
        %parallel_loop3A_878 = arith.maximumf %parallel_loop3A_866, %parallel_loop3A_876 : vector<16xf32>
        %parallel_loop3A_879 = arith.maximumf %parallel_loop3A_877, %parallel_loop3A_878 : vector<16xf32>
        %parallel_loop3A_880 = arith.maximumf %parallel_loop3A_838, %parallel_loop3A_879 : vector<16xf32>
        %parallel_loop3A_881 = arith.constant 12 : i32
        %parallel_loop3A_882 = arith.addi %parallel_loop3A_753, %parallel_loop3A_881 : i32
        %parallel_loop3A_883 = arith.constant 0 : i32
        %parallel_loop3A_884 = arith.index_cast %parallel_loop3A_883 : i32 to index
        %parallel_loop3A_885 = arith.index_cast %parallel_loop3A_882 : i32 to index
        %parallel_loop3A_886 = arith.index_cast %parallel_loop3A_755 : i32 to index
        %parallel_loop3A_887 = tpu.vector_load %arg5[%parallel_loop3A_884, %parallel_loop3A_885, %parallel_loop3A_886] {strides = array<i32>} : memref<4x128x128xf32, #tpu.memory_space<vmem>>, vector<1x1x16xf32>,
        %parallel_loop3A_888 = vector.shape_cast %parallel_loop3A_887 : vector<1x1x16xf32> to vector<16xf32>
        %parallel_loop3A_889 = arith.constant 12 : i32
        %parallel_loop3A_890 = arith.addi %parallel_loop3A_753, %parallel_loop3A_889 : i32
        %parallel_loop3A_891 = arith.constant 1 : i32
        %parallel_loop3A_892 = arith.addi %parallel_loop3A_890, %parallel_loop3A_891 : i32
        %parallel_loop3A_893 = arith.constant 0 : i32
        %parallel_loop3A_894 = arith.index_cast %parallel_loop3A_893 : i32 to index
        %parallel_loop3A_895 = arith.index_cast %parallel_loop3A_892 : i32 to index
        %parallel_loop3A_896 = arith.index_cast %parallel_loop3A_755 : i32 to index
        %parallel_loop3A_897 = tpu.vector_load %arg5[%parallel_loop3A_894, %parallel_loop3A_895, %parallel_loop3A_896] {strides = array<i32>} : memref<4x128x128xf32, #tpu.memory_space<vmem>>, vector<1x1x16xf32>,
        %parallel_loop3A_898 = vector.shape_cast %parallel_loop3A_897 : vector<1x1x16xf32> to vector<16xf32>
        %parallel_loop3A_899 = arith.constant 12 : i32
        %parallel_loop3A_900 = arith.addi %parallel_loop3A_753, %parallel_loop3A_899 : i32
        %parallel_loop3A_901 = arith.constant 2 : i32
        %parallel_loop3A_902 = arith.addi %parallel_loop3A_900, %parallel_loop3A_901 : i32
        %parallel_loop3A_903 = arith.constant 0 : i32
        %parallel_loop3A_904 = arith.index_cast %parallel_loop3A_903 : i32 to index
        %parallel_loop3A_905 = arith.index_cast %parallel_loop3A_902 : i32 to index
        %parallel_loop3A_906 = arith.index_cast %parallel_loop3A_755 : i32 to index
        %parallel_loop3A_907 = tpu.vector_load %arg5[%parallel_loop3A_904, %parallel_loop3A_905, %parallel_loop3A_906] {strides = array<i32>} : memref<4x128x128xf32, #tpu.memory_space<vmem>>, vector<1x1x16xf32>,
        %parallel_loop3A_908 = vector.shape_cast %parallel_loop3A_907 : vector<1x1x16xf32> to vector<16xf32>
        %parallel_loop3A_909 = arith.constant 12 : i32
        %parallel_loop3A_910 = arith.addi %parallel_loop3A_753, %parallel_loop3A_909 : i32
        %parallel_loop3A_911 = arith.constant 3 : i32
        %parallel_loop3A_912 = arith.addi %parallel_loop3A_910, %parallel_loop3A_911 : i32
        %parallel_loop3A_913 = arith.constant 0 : i32
        %parallel_loop3A_914 = arith.index_cast %parallel_loop3A_913 : i32 to index
        %parallel_loop3A_915 = arith.index_cast %parallel_loop3A_912 : i32 to index
        %parallel_loop3A_916 = arith.index_cast %parallel_loop3A_755 : i32 to index
        %parallel_loop3A_917 = tpu.vector_load %arg5[%parallel_loop3A_914, %parallel_loop3A_915, %parallel_loop3A_916] {strides = array<i32>} : memref<4x128x128xf32, #tpu.memory_space<vmem>>, vector<1x1x16xf32>,
        %parallel_loop3A_918 = vector.shape_cast %parallel_loop3A_917 : vector<1x1x16xf32> to vector<16xf32>
        %parallel_loop3A_919 = arith.maximumf %parallel_loop3A_888, %parallel_loop3A_898 : vector<16xf32>
        %parallel_loop3A_920 = arith.maximumf %parallel_loop3A_908, %parallel_loop3A_918 : vector<16xf32>
        %parallel_loop3A_921 = arith.maximumf %parallel_loop3A_919, %parallel_loop3A_920 : vector<16xf32>
        %parallel_loop3A_922 = arith.maximumf %parallel_loop3A_880, %parallel_loop3A_921 : vector<16xf32>
        %parallel_loop3A_923 = arith.constant 0 : i32
        %parallel_loop3A_924 = arith.index_cast %parallel_loop3A_923 : i32 to index
        %parallel_loop3A_925 = arith.index_cast %parallel_loop3A_727 : i32 to index
        %parallel_loop3A_926 = arith.index_cast %parallel_loop3A_755 : i32 to index
        %parallel_loop3A_927 = tpu.vector_load %arg6[%parallel_loop3A_924, %parallel_loop3A_925, %parallel_loop3A_926] {strides = array<i32>} : memref<2x8x128xf32, #tpu.memory_space<vmem>>, vector<1x1x16xf32>,
        %parallel_loop3A_928 = vector.shape_cast %parallel_loop3A_927 : vector<1x1x16xf32> to vector<16xf32>
        %parallel_loop3A_929 = vector.shape_cast %parallel_loop3A_922 : vector<16xf32> to vector<1x1x16xf32>
        tpu.vector_store %arg6[%parallel_loop3A_924, %parallel_loop3A_925, %parallel_loop3A_926], %parallel_loop3A_929 {strides = array<i32>} : memref<2x8x128xf32, #tpu.memory_space<vmem>>, vector<1x1x16xf32>,
      } {sc.loop_unroll_factor = 2 : i64, sc.parallel_access}
      %add3A_525 = arith.addi %min3A_4, %add3A_497 : i32
      %mul3A_526 = arith.constant 8 : i32
      %mul3A_527 = arith.muli %add3A_525, %mul3A_526 : i32
      %dma_start3A_528 = arith.constant 0 : i32
      %dma_start3A_529 = arith.constant 0 : i32
      %dma_start3A_530 = arith.constant 0 : i32
      %dma_start3A_531 = tpu.memref_slice %arg6[%dma_start3A_528, %dma_start3A_529, %dma_start3A_530] : memref<2x8x128xf32, #tpu.memory_space<vmem>> -> memref<1x8x128xf32, #tpu.memory_space<vmem>>
      %dma_start3A_532 = tpu.memref_squeeze %dma_start3A_531 : memref<1x8x128xf32, #tpu.memory_space<vmem>> -> memref<8x128xf32, #tpu.memory_space<vmem>>
      %dma_start3A_533 = arith.constant 0 : i32
      %dma_start3A_534 = tpu.memref_slice %arg4[%mul3A_527, %dma_start3A_533] : memref<25000x128xf32, #tpu.memory_space<hbm>> -> memref<8x128xf32, #tpu.memory_space<hbm>>
      %dma_start3A_535 = arith.constant 0 : i32
      %dma_start3A_536 = tpu.memref_slice %arg4[%mul3A_527, %dma_start3A_535] : memref<25000x128xf32, #tpu.memory_space<hbm>> -> memref<8x128xf32, #tpu.memory_space<hbm>>
      %dma_start3A_537 = arith.constant 0 : i32
      %dma_start3A_538 = arith.constant 0 : i32
      %dma_start3A_539 = tpu.memref_slice %arg6[%dma_start3A_528, %dma_start3A_537, %dma_start3A_538] : memref<2x8x128xf32, #tpu.memory_space<vmem>> -> memref<1x8x128xf32, #tpu.memory_space<vmem>>
      %dma_start3A_540 = tpu.memref_squeeze %dma_start3A_539 : memref<1x8x128xf32, #tpu.memory_space<vmem>> -> memref<8x128xf32, #tpu.memory_space<vmem>>
      tpu.enqueue_dma source(%dma_start3A_540 : memref<8x128xf32, #tpu.memory_space<vmem>>) target(%dma_start3A_536 : memref<8x128xf32, #tpu.memory_space<hbm>>) target_semaphore(%arg23 : memref<!tpu.dma_semaphore, #tpu.memory_space<semaphore_mem>>)
      %lt3A_541 = arith.constant 100 : i32
      %lt3A_542 = arith.cmpi slt, %add3A_511, %lt3A_541 : i32
      %convert_element_type3A_543 = arith.extui %lt3A_542 : i1 to i32
      %cond3A_544 = arith.constant 0 : i32
      %cond3A_545 = arith.cmpi ne, %convert_element_type3A_543, %cond3A_544 : i32
      scf.if %cond3A_545 {
        %dma_start3A_711 = arith.constant 0 : i32
        %dma_start3A_712 = arith.constant 0 : i32
        %dma_start3A_713 = arith.constant 0 : i32
        %dma_start3A_714 = arith.constant 0 : i32
        %dma_start3A_715 = tpu.memref_slice %arg5[%dma_start3A_712, %dma_start3A_713, %dma_start3A_714] : memref<4x128x128xf32, #tpu.memory_space<vmem>> -> memref<1x128x128xf32, #tpu.memory_space<vmem>>
        %dma_start3A_716 = tpu.memref_squeeze %dma_start3A_715 : memref<1x128x128xf32, #tpu.memory_space<vmem>> -> memref<128x128xf32, #tpu.memory_space<vmem>>
        %dma_start3A_717 = arith.constant 0 : i32
        %dma_start3A_718 = tpu.memref_slice %arg7[%dma_start3A_711, %dma_start3A_717] : memref<1x128xi32, #tpu.memory_space<vmem>> -> memref<1x128xi32, #tpu.memory_space<vmem>>
        %dma_start3A_719 = tpu.memref_squeeze %dma_start3A_718 : memref<1x128xi32, #tpu.memory_space<vmem>> -> memref<128xi32, #tpu.memory_space<vmem>>
        %dma_start3A_720 = arith.constant 0 : i32
        %dma_start3A_721 = arith.constant 0 : i32
        %dma_start3A_722 = tpu.memref_slice %arg2[%dma_start3A_720, %dma_start3A_721] : memref<50000x128xf32, #tpu.memory_space<hbm>> -> memref<50000x128xf32, #tpu.memory_space<hbm>>
        tpu.enqueue_indirect_dma source(%dma_start3A_722 : memref<50000x128xf32, #tpu.memory_space<hbm>>) target(%dma_start3A_716 : memref<128x128xf32, #tpu.memory_space<vmem>>) offsets(%dma_start3A_719 : memref<128xi32, #tpu.memory_space<vmem>>) semaphore(%arg19 : memref<!tpu.dma_semaphore, #tpu.memory_space<semaphore_mem>>)
      } else {
      }
      %add3A_546 = arith.constant 1 : i32
      %add3A_547 = arith.addi %add3A_495, %add3A_546 : i32
      %dma_wait3A_548 = arith.constant 0 : i32
      %dma_wait3A_549 = arith.constant 1 : i32
      %dma_wait3A_550 = arith.constant 0 : i32
      %dma_wait3A_551 = arith.constant 0 : i32
      %dma_wait3A_552 = tpu.memref_slice %arg5[%dma_wait3A_549, %dma_wait3A_550, %dma_wait3A_551] : memref<4x128x128xf32, #tpu.memory_space<vmem>> -> memref<1x128x128xf32, #tpu.memory_space<vmem>>
      %dma_wait3A_553 = tpu.memref_squeeze %dma_wait3A_552 : memref<1x128x128xf32, #tpu.memory_space<vmem>> -> memref<128x128xf32, #tpu.memory_space<vmem>>
      %dma_wait3A_554 = arith.constant 0 : i32
      %dma_wait3A_555 = tpu.memref_slice %arg8[%dma_wait3A_548, %dma_wait3A_554] : memref<1x128xi32, #tpu.memory_space<vmem>> -> memref<1x128xi32, #tpu.memory_space<vmem>>
      %dma_wait3A_556 = tpu.memref_squeeze %dma_wait3A_555 : memref<1x128xi32, #tpu.memory_space<vmem>> -> memref<128xi32, #tpu.memory_space<vmem>>
      %dma_wait3A_557 = arith.constant 0 : i32
      %dma_wait3A_558 = arith.constant 0 : i32
      %dma_wait3A_559 = tpu.memref_slice %arg2[%dma_wait3A_557, %dma_wait3A_558] : memref<50000x128xf32, #tpu.memory_space<hbm>> -> memref<50000x128xf32, #tpu.memory_space<hbm>>
      tpu.wait_indirect_dma semaphore(%arg20 : memref<!tpu.dma_semaphore, #tpu.memory_space<semaphore_mem>>) src(%dma_wait3A_559 : memref<50000x128xf32, #tpu.memory_space<hbm>>) dst(%dma_wait3A_553 : memref<128x128xf32, #tpu.memory_space<vmem>>)
      %add3A_560 = arith.constant 4 : i32
      %add3A_561 = arith.addi %add3A_547, %add3A_560 : i32
      %lt3A_562 = arith.constant 100 : i32
      %lt3A_563 = arith.cmpi slt, %add3A_561, %lt3A_562 : i32
      %convert_element_type3A_564 = arith.extui %lt3A_563 : i1 to i32
      %cond3A_565 = arith.constant 0 : i32
      %cond3A_566 = arith.cmpi ne, %convert_element_type3A_564, %cond3A_565 : i32
      scf.if %cond3A_566 {
        %add3A_711 = arith.addi %min3A_4, %add3A_561 : i32
        %mul3A_712 = arith.constant 8 : i32
        %mul3A_713 = arith.muli %add3A_711, %mul3A_712 : i32
        %dma_start3A_714 = arith.constant 0 : i32
        %dma_start3A_715 = tpu.memref_slice %arg3[%mul3A_713, %dma_start3A_714] : memref<25000x16xi32, #tpu.memory_space<hbm>> -> memref<8x16xi32, #tpu.memory_space<hbm>>
        %dma_start3A_716 = arith.constant 0 : i32
        %dma_start3A_717 = tpu.memref_slice %arg3[%mul3A_713, %dma_start3A_716] : memref<25000x16xi32, #tpu.memory_space<hbm>> -> memref<8x16xi32, #tpu.memory_space<hbm>>
        tpu.enqueue_dma source(%dma_start3A_717 : memref<8x16xi32, #tpu.memory_space<hbm>>) target(%arg12 : memref<8x16xi32, #tpu.memory_space<vmem>>) target_semaphore(%arg16 : memref<!tpu.dma_semaphore, #tpu.memory_space<semaphore_mem>>)
      } else {
      }
      %ge3A_567 = arith.constant 2 : i32
      %ge3A_568 = arith.cmpi sge, %add3A_547, %ge3A_567 : i32
      %convert_element_type3A_569 = arith.extui %ge3A_568 : i1 to i32
      %cond3A_570 = arith.constant 0 : i32
      %cond3A_571 = arith.cmpi ne, %convert_element_type3A_569, %cond3A_570 : i32
      scf.if %cond3A_571 {
        %dma_wait3A_711 = arith.constant 1 : i32
        %dma_wait3A_712 = arith.constant 0 : i32
        %dma_wait3A_713 = arith.constant 0 : i32
        %dma_wait3A_714 = tpu.memref_slice %arg6[%dma_wait3A_711, %dma_wait3A_712, %dma_wait3A_713] : memref<2x8x128xf32, #tpu.memory_space<vmem>> -> memref<1x8x128xf32, #tpu.memory_space<vmem>>
        %dma_wait3A_715 = tpu.memref_squeeze %dma_wait3A_714 : memref<1x8x128xf32, #tpu.memory_space<vmem>> -> memref<8x128xf32, #tpu.memory_space<vmem>>
        %dma_wait3A_716 = arith.constant 0 : i32
        %dma_wait3A_717 = arith.constant 0 : i32
        %dma_wait3A_718 = tpu.memref_slice %arg4[%dma_wait3A_716, %dma_wait3A_717] : memref<25000x128xf32, #tpu.memory_space<hbm>> -> memref<8x128xf32, #tpu.memory_space<hbm>>
        %dma_wait3A_719 = arith.constant 0 : i32
        %dma_wait3A_720 = arith.constant 0 : i32
        %dma_wait3A_721 = tpu.memref_slice %arg4[%dma_wait3A_719, %dma_wait3A_720] : memref<25000x128xf32, #tpu.memory_space<hbm>> -> memref<8x128xf32, #tpu.memory_space<hbm>>
        %dma_wait3A_722 = arith.constant 0 : i32
        %dma_wait3A_723 = arith.constant 0 : i32
        %dma_wait3A_724 = tpu.memref_slice %arg6[%dma_wait3A_711, %dma_wait3A_722, %dma_wait3A_723] : memref<2x8x128xf32, #tpu.memory_space<vmem>> -> memref<1x8x128xf32, #tpu.memory_space<vmem>>
        %dma_wait3A_725 = tpu.memref_squeeze %dma_wait3A_724 : memref<1x8x128xf32, #tpu.memory_space<vmem>> -> memref<8x128xf32, #tpu.memory_space<vmem>>
        tpu.wait_dma2 semaphore(%arg24 : memref<!tpu.dma_semaphore, #tpu.memory_space<semaphore_mem>>) src(%dma_wait3A_725 : memref<8x128xf32, #tpu.memory_space<vmem>>) dst(%dma_wait3A_721 : memref<8x128xf32, #tpu.memory_space<hbm>>)
      } else {
      }
      %lt3A_572 = arith.constant 100 : i32
      %lt3A_573 = arith.cmpi slt, %add3A_561, %lt3A_572 : i32
      %convert_element_type3A_574 = arith.extui %lt3A_573 : i1 to i32
      %cond3A_575 = arith.constant 0 : i32
      %cond3A_576 = arith.cmpi ne, %convert_element_type3A_574, %cond3A_575 : i32
      scf.if %cond3A_576 {
        %dma_wait3A_711 = arith.constant 0 : i32
        %dma_wait3A_712 = arith.constant 0 : i32
        %dma_wait3A_713 = tpu.memref_slice %arg3[%dma_wait3A_711, %dma_wait3A_712] : memref<25000x16xi32, #tpu.memory_space<hbm>> -> memref<8x16xi32, #tpu.memory_space<hbm>>
        %dma_wait3A_714 = arith.constant 0 : i32
        %dma_wait3A_715 = arith.constant 0 : i32
        %dma_wait3A_716 = tpu.memref_slice %arg3[%dma_wait3A_714, %dma_wait3A_715] : memref<25000x16xi32, #tpu.memory_space<hbm>> -> memref<8x16xi32, #tpu.memory_space<hbm>>
        tpu.wait_dma2 semaphore(%arg16 : memref<!tpu.dma_semaphore, #tpu.memory_space<semaphore_mem>>) src(%dma_wait3A_716 : memref<8x16xi32, #tpu.memory_space<hbm>>) dst(%arg12 : memref<8x16xi32, #tpu.memory_space<vmem>>)
        %get3A_717 = arith.constant 0 : i32
        %get3A_718 = arith.index_cast %get3A_717 : i32 to index
        %get3A_719 = arith.constant 0 : index
        %get3A_720 = tpu.vector_load %arg12[%get3A_718, %get3A_719] {strides = array<i32>} : memref<8x16xi32, #tpu.memory_space<vmem>>, vector<1x16xi32>,
        %get3A_721 = vector.shape_cast %get3A_720 : vector<1x16xi32> to vector<16xi32>
        %swap3A_722 = arith.constant 0 : i32
        %swap3A_723 = arith.index_cast %swap3A_722 : i32 to index
        %swap3A_724 = arith.constant 0 : index
        %swap3A_725 = tpu.vector_load %arg8[%swap3A_723, %swap3A_724] {strides = array<i32>} : memref<1x128xi32, #tpu.memory_space<vmem>>, vector<1x16xi32>,
        %swap3A_726 = vector.shape_cast %swap3A_725 : vector<1x16xi32> to vector<16xi32>
        %swap3A_727 = vector.shape_cast %get3A_721 : vector<16xi32> to vector<1x16xi32>
        tpu.vector_store %arg8[%swap3A_723, %swap3A_724], %swap3A_727 {strides = array<i32>} : memref<1x128xi32, #tpu.memory_space<vmem>>, vector<1x16xi32>,
        %get3A_728 = arith.constant 1 : i32
        %get3A_729 = arith.index_cast %get3A_728 : i32 to index
        %get3A_730 = arith.constant 0 : index
        %get3A_731 = tpu.vector_load %arg12[%get3A_729, %get3A_730] {strides = array<i32>} : memref<8x16xi32, #tpu.memory_space<vmem>>, vector<1x16xi32>,
        %get3A_732 = vector.shape_cast %get3A_731 : vector<1x16xi32> to vector<16xi32>
        %swap3A_733 = arith.constant 0 : i32
        %swap3A_734 = arith.index_cast %swap3A_733 : i32 to index
        %swap3A_735 = arith.constant 16 : index
        %swap3A_736 = tpu.vector_load %arg8[%swap3A_734, %swap3A_735] {strides = array<i32>} : memref<1x128xi32, #tpu.memory_space<vmem>>, vector<1x16xi32>,
        %swap3A_737 = vector.shape_cast %swap3A_736 : vector<1x16xi32> to vector<16xi32>
        %swap3A_738 = vector.shape_cast %get3A_732 : vector<16xi32> to vector<1x16xi32>
        tpu.vector_store %arg8[%swap3A_734, %swap3A_735], %swap3A_738 {strides = array<i32>} : memref<1x128xi32, #tpu.memory_space<vmem>>, vector<1x16xi32>,
        %get3A_739 = arith.constant 2 : i32
        %get3A_740 = arith.index_cast %get3A_739 : i32 to index
        %get3A_741 = arith.constant 0 : index
        %get3A_742 = tpu.vector_load %arg12[%get3A_740, %get3A_741] {strides = array<i32>} : memref<8x16xi32, #tpu.memory_space<vmem>>, vector<1x16xi32>,
        %get3A_743 = vector.shape_cast %get3A_742 : vector<1x16xi32> to vector<16xi32>
        %swap3A_744 = arith.constant 0 : i32
        %swap3A_745 = arith.index_cast %swap3A_744 : i32 to index
        %swap3A_746 = arith.constant 32 : index
        %swap3A_747 = tpu.vector_load %arg8[%swap3A_745, %swap3A_746] {strides = array<i32>} : memref<1x128xi32, #tpu.memory_space<vmem>>, vector<1x16xi32>,
        %swap3A_748 = vector.shape_cast %swap3A_747 : vector<1x16xi32> to vector<16xi32>
        %swap3A_749 = vector.shape_cast %get3A_743 : vector<16xi32> to vector<1x16xi32>
        tpu.vector_store %arg8[%swap3A_745, %swap3A_746], %swap3A_749 {strides = array<i32>} : memref<1x128xi32, #tpu.memory_space<vmem>>, vector<1x16xi32>,
        %get3A_750 = arith.constant 3 : i32
        %get3A_751 = arith.index_cast %get3A_750 : i32 to index
        %get3A_752 = arith.constant 0 : index
        %get3A_753 = tpu.vector_load %arg12[%get3A_751, %get3A_752] {strides = array<i32>} : memref<8x16xi32, #tpu.memory_space<vmem>>, vector<1x16xi32>,
        %get3A_754 = vector.shape_cast %get3A_753 : vector<1x16xi32> to vector<16xi32>
        %swap3A_755 = arith.constant 0 : i32
        %swap3A_756 = arith.index_cast %swap3A_755 : i32 to index
        %swap3A_757 = arith.constant 48 : index
        %swap3A_758 = tpu.vector_load %arg8[%swap3A_756, %swap3A_757] {strides = array<i32>} : memref<1x128xi32, #tpu.memory_space<vmem>>, vector<1x16xi32>,
        %swap3A_759 = vector.shape_cast %swap3A_758 : vector<1x16xi32> to vector<16xi32>
        %swap3A_760 = vector.shape_cast %get3A_754 : vector<16xi32> to vector<1x16xi32>
        tpu.vector_store %arg8[%swap3A_756, %swap3A_757], %swap3A_760 {strides = array<i32>} : memref<1x128xi32, #tpu.memory_space<vmem>>, vector<1x16xi32>,
        %get3A_761 = arith.constant 4 : i32
        %get3A_762 = arith.index_cast %get3A_761 : i32 to index
        %get3A_763 = arith.constant 0 : index
        %get3A_764 = tpu.vector_load %arg12[%get3A_762, %get3A_763] {strides = array<i32>} : memref<8x16xi32, #tpu.memory_space<vmem>>, vector<1x16xi32>,
        %get3A_765 = vector.shape_cast %get3A_764 : vector<1x16xi32> to vector<16xi32>
        %swap3A_766 = arith.constant 0 : i32
        %swap3A_767 = arith.index_cast %swap3A_766 : i32 to index
        %swap3A_768 = arith.constant 64 : index
        %swap3A_769 = tpu.vector_load %arg8[%swap3A_767, %swap3A_768] {strides = array<i32>} : memref<1x128xi32, #tpu.memory_space<vmem>>, vector<1x16xi32>,
        %swap3A_770 = vector.shape_cast %swap3A_769 : vector<1x16xi32> to vector<16xi32>
        %swap3A_771 = vector.shape_cast %get3A_765 : vector<16xi32> to vector<1x16xi32>
        tpu.vector_store %arg8[%swap3A_767, %swap3A_768], %swap3A_771 {strides = array<i32>} : memref<1x128xi32, #tpu.memory_space<vmem>>, vector<1x16xi32>,
        %get3A_772 = arith.constant 5 : i32
        %get3A_773 = arith.index_cast %get3A_772 : i32 to index
        %get3A_774 = arith.constant 0 : index
        %get3A_775 = tpu.vector_load %arg12[%get3A_773, %get3A_774] {strides = array<i32>} : memref<8x16xi32, #tpu.memory_space<vmem>>, vector<1x16xi32>,
        %get3A_776 = vector.shape_cast %get3A_775 : vector<1x16xi32> to vector<16xi32>
        %swap3A_777 = arith.constant 0 : i32
        %swap3A_778 = arith.index_cast %swap3A_777 : i32 to index
        %swap3A_779 = arith.constant 80 : index
        %swap3A_780 = tpu.vector_load %arg8[%swap3A_778, %swap3A_779] {strides = array<i32>} : memref<1x128xi32, #tpu.memory_space<vmem>>, vector<1x16xi32>,
        %swap3A_781 = vector.shape_cast %swap3A_780 : vector<1x16xi32> to vector<16xi32>
        %swap3A_782 = vector.shape_cast %get3A_776 : vector<16xi32> to vector<1x16xi32>
        tpu.vector_store %arg8[%swap3A_778, %swap3A_779], %swap3A_782 {strides = array<i32>} : memref<1x128xi32, #tpu.memory_space<vmem>>, vector<1x16xi32>,
        %get3A_783 = arith.constant 6 : i32
        %get3A_784 = arith.index_cast %get3A_783 : i32 to index
        %get3A_785 = arith.constant 0 : index
        %get3A_786 = tpu.vector_load %arg12[%get3A_784, %get3A_785] {strides = array<i32>} : memref<8x16xi32, #tpu.memory_space<vmem>>, vector<1x16xi32>,
        %get3A_787 = vector.shape_cast %get3A_786 : vector<1x16xi32> to vector<16xi32>
        %swap3A_788 = arith.constant 0 : i32
        %swap3A_789 = arith.index_cast %swap3A_788 : i32 to index
        %swap3A_790 = arith.constant 96 : index
        %swap3A_791 = tpu.vector_load %arg8[%swap3A_789, %swap3A_790] {strides = array<i32>} : memref<1x128xi32, #tpu.memory_space<vmem>>, vector<1x16xi32>,
        %swap3A_792 = vector.shape_cast %swap3A_791 : vector<1x16xi32> to vector<16xi32>
        %swap3A_793 = vector.shape_cast %get3A_787 : vector<16xi32> to vector<1x16xi32>
        tpu.vector_store %arg8[%swap3A_789, %swap3A_790], %swap3A_793 {strides = array<i32>} : memref<1x128xi32, #tpu.memory_space<vmem>>, vector<1x16xi32>,
        %get3A_794 = arith.constant 7 : i32
        %get3A_795 = arith.index_cast %get3A_794 : i32 to index
        %get3A_796 = arith.constant 0 : index
        %get3A_797 = tpu.vector_load %arg12[%get3A_795, %get3A_796] {strides = array<i32>} : memref<8x16xi32, #tpu.memory_space<vmem>>, vector<1x16xi32>,
        %get3A_798 = vector.shape_cast %get3A_797 : vector<1x16xi32> to vector<16xi32>
        %swap3A_799 = arith.constant 0 : i32
        %swap3A_800 = arith.index_cast %swap3A_799 : i32 to index
        %swap3A_801 = arith.constant 112 : index
        %swap3A_802 = tpu.vector_load %arg8[%swap3A_800, %swap3A_801] {strides = array<i32>} : memref<1x128xi32, #tpu.memory_space<vmem>>, vector<1x16xi32>,
        %swap3A_803 = vector.shape_cast %swap3A_802 : vector<1x16xi32> to vector<16xi32>
        %swap3A_804 = vector.shape_cast %get3A_798 : vector<16xi32> to vector<1x16xi32>
        tpu.vector_store %arg8[%swap3A_800, %swap3A_801], %swap3A_804 {strides = array<i32>} : memref<1x128xi32, #tpu.memory_space<vmem>>, vector<1x16xi32>,
      } else {
      }
      %parallel_loop3A_577 = arith.constant 0 : i32
      %parallel_loop3A_578 = arith.constant 64 : i32
      %parallel_loop3A_579 = arith.constant 1 : i32
      scf.for %parallel_loop3A_711 = %parallel_loop3A_577 to %parallel_loop3A_578 step %parallel_loop3A_579  : i32 {
        %parallel_loop3A_712 = arith.constant 8 : i32
        %parallel_loop3A_713 = arith.constant 0 : i32
        %parallel_loop3A_714 = arith.cmpi eq, %parallel_loop3A_712, %parallel_loop3A_713 : i32
        %parallel_loop3A_715 = arith.constant 1 : i32
        %parallel_loop3A_716 = arith.select %parallel_loop3A_714, %parallel_loop3A_715, %parallel_loop3A_712 : i32
        %parallel_loop3A_717 = arith.remsi %parallel_loop3A_711, %parallel_loop3A_716 : i32
        %parallel_loop3A_718 = arith.constant 0 : i32
        %parallel_loop3A_719 = arith.cmpi ne, %parallel_loop3A_717, %parallel_loop3A_718 : i32
        %parallel_loop3A_720 = arith.constant 0 : i32
        %parallel_loop3A_721 = arith.cmpi slt, %parallel_loop3A_717, %parallel_loop3A_720 : i32
        %parallel_loop3A_722 = arith.constant 0 : i32
        %parallel_loop3A_723 = arith.cmpi slt, %parallel_loop3A_716, %parallel_loop3A_722 : i32
        %parallel_loop3A_724 = arith.xori %parallel_loop3A_721, %parallel_loop3A_723 : i1
        %parallel_loop3A_725 = arith.andi %parallel_loop3A_724, %parallel_loop3A_719 : i1
        %parallel_loop3A_726 = arith.addi %parallel_loop3A_717, %parallel_loop3A_716 : i32
        %parallel_loop3A_727 = arith.select %parallel_loop3A_725, %parallel_loop3A_726, %parallel_loop3A_717 : i32
        %parallel_loop3A_728 = arith.constant 8 : i32
        %parallel_loop3A_729 = arith.divsi %parallel_loop3A_711, %parallel_loop3A_728 : i32
        %parallel_loop3A_730 = arith.constant 0 : i32
        %parallel_loop3A_731 = arith.cmpi sgt, %parallel_loop3A_711, %parallel_loop3A_730 : i32
        %parallel_loop3A_732 = arith.extui %parallel_loop3A_731 : i1 to i32
        %parallel_loop3A_733 = arith.constant 0 : i32
        %parallel_loop3A_734 = arith.cmpi slt, %parallel_loop3A_711, %parallel_loop3A_733 : i32
        %parallel_loop3A_735 = arith.extui %parallel_loop3A_734 : i1 to i32
        %parallel_loop3A_736 = arith.subi %parallel_loop3A_732, %parallel_loop3A_735 : i32
        %parallel_loop3A_737 = arith.constant 0 : i32
        %parallel_loop3A_738 = arith.cmpi sgt, %parallel_loop3A_728, %parallel_loop3A_737 : i32
        %parallel_loop3A_739 = arith.extui %parallel_loop3A_738 : i1 to i32
        %parallel_loop3A_740 = arith.constant 0 : i32
        %parallel_loop3A_741 = arith.cmpi slt, %parallel_loop3A_728, %parallel_loop3A_740 : i32
        %parallel_loop3A_742 = arith.extui %parallel_loop3A_741 : i1 to i32
        %parallel_loop3A_743 = arith.subi %parallel_loop3A_739, %parallel_loop3A_742 : i32
        %parallel_loop3A_744 = arith.cmpi ne, %parallel_loop3A_736, %parallel_loop3A_743 : i32
        %parallel_loop3A_745 = arith.remsi %parallel_loop3A_711, %parallel_loop3A_728 : i32
        %parallel_loop3A_746 = arith.constant 0 : i32
        %parallel_loop3A_747 = arith.cmpi ne, %parallel_loop3A_745, %parallel_loop3A_746 : i32
        %parallel_loop3A_748 = arith.andi %parallel_loop3A_744, %parallel_loop3A_747 : i1
        %parallel_loop3A_749 = arith.constant 1 : i32
        %parallel_loop3A_750 = arith.subi %parallel_loop3A_729, %parallel_loop3A_749 : i32
        %parallel_loop3A_751 = arith.select %parallel_loop3A_748, %parallel_loop3A_750, %parallel_loop3A_729 : i32
        %parallel_loop3A_752 = arith.constant 16 : i32
        %parallel_loop3A_753 = arith.muli %parallel_loop3A_727, %parallel_loop3A_752 : i32
        %parallel_loop3A_754 = arith.constant 16 : i32
        %parallel_loop3A_755 = arith.muli %parallel_loop3A_751, %parallel_loop3A_754 : i32
        %parallel_loop3A_756 = arith.constant 0 : i32
        %parallel_loop3A_757 = arith.addi %parallel_loop3A_753, %parallel_loop3A_756 : i32
        %parallel_loop3A_758 = arith.constant 1 : i32
        %parallel_loop3A_759 = arith.index_cast %parallel_loop3A_758 : i32 to index
        %parallel_loop3A_760 = arith.index_cast %parallel_loop3A_757 : i32 to index
        %parallel_loop3A_761 = arith.index_cast %parallel_loop3A_755 : i32 to index
        %parallel_loop3A_762 = tpu.vector_load %arg5[%parallel_loop3A_759, %parallel_loop3A_760, %parallel_loop3A_761] {strides = array<i32>} : memref<4x128x128xf32, #tpu.memory_space<vmem>>, vector<1x1x16xf32>,
        %parallel_loop3A_763 = vector.shape_cast %parallel_loop3A_762 : vector<1x1x16xf32> to vector<16xf32>
        %parallel_loop3A_764 = arith.constant 0 : i32
        %parallel_loop3A_765 = arith.addi %parallel_loop3A_753, %parallel_loop3A_764 : i32
        %parallel_loop3A_766 = arith.constant 1 : i32
        %parallel_loop3A_767 = arith.addi %parallel_loop3A_765, %parallel_loop3A_766 : i32
        %parallel_loop3A_768 = arith.constant 1 : i32
        %parallel_loop3A_769 = arith.index_cast %parallel_loop3A_768 : i32 to index
        %parallel_loop3A_770 = arith.index_cast %parallel_loop3A_767 : i32 to index
        %parallel_loop3A_771 = arith.index_cast %parallel_loop3A_755 : i32 to index
        %parallel_loop3A_772 = tpu.vector_load %arg5[%parallel_loop3A_769, %parallel_loop3A_770, %parallel_loop3A_771] {strides = array<i32>} : memref<4x128x128xf32, #tpu.memory_space<vmem>>, vector<1x1x16xf32>,
        %parallel_loop3A_773 = vector.shape_cast %parallel_loop3A_772 : vector<1x1x16xf32> to vector<16xf32>
        %parallel_loop3A_774 = arith.constant 0 : i32
        %parallel_loop3A_775 = arith.addi %parallel_loop3A_753, %parallel_loop3A_774 : i32
        %parallel_loop3A_776 = arith.constant 2 : i32
        %parallel_loop3A_777 = arith.addi %parallel_loop3A_775, %parallel_loop3A_776 : i32
        %parallel_loop3A_778 = arith.constant 1 : i32
        %parallel_loop3A_779 = arith.index_cast %parallel_loop3A_778 : i32 to index
        %parallel_loop3A_780 = arith.index_cast %parallel_loop3A_777 : i32 to index
        %parallel_loop3A_781 = arith.index_cast %parallel_loop3A_755 : i32 to index
        %parallel_loop3A_782 = tpu.vector_load %arg5[%parallel_loop3A_779, %parallel_loop3A_780, %parallel_loop3A_781] {strides = array<i32>} : memref<4x128x128xf32, #tpu.memory_space<vmem>>, vector<1x1x16xf32>,
        %parallel_loop3A_783 = vector.shape_cast %parallel_loop3A_782 : vector<1x1x16xf32> to vector<16xf32>
        %parallel_loop3A_784 = arith.constant 0 : i32
        %parallel_loop3A_785 = arith.addi %parallel_loop3A_753, %parallel_loop3A_784 : i32
        %parallel_loop3A_786 = arith.constant 3 : i32
        %parallel_loop3A_787 = arith.addi %parallel_loop3A_785, %parallel_loop3A_786 : i32
        %parallel_loop3A_788 = arith.constant 1 : i32
        %parallel_loop3A_789 = arith.index_cast %parallel_loop3A_788 : i32 to index
        %parallel_loop3A_790 = arith.index_cast %parallel_loop3A_787 : i32 to index
        %parallel_loop3A_791 = arith.index_cast %parallel_loop3A_755 : i32 to index
        %parallel_loop3A_792 = tpu.vector_load %arg5[%parallel_loop3A_789, %parallel_loop3A_790, %parallel_loop3A_791] {strides = array<i32>} : memref<4x128x128xf32, #tpu.memory_space<vmem>>, vector<1x1x16xf32>,
        %parallel_loop3A_793 = vector.shape_cast %parallel_loop3A_792 : vector<1x1x16xf32> to vector<16xf32>
        %parallel_loop3A_794 = arith.maximumf %parallel_loop3A_763, %parallel_loop3A_773 : vector<16xf32>
        %parallel_loop3A_795 = arith.maximumf %parallel_loop3A_783, %parallel_loop3A_793 : vector<16xf32>
        %parallel_loop3A_796 = arith.maximumf %parallel_loop3A_794, %parallel_loop3A_795 : vector<16xf32>
        %parallel_loop3A_797 = arith.constant 4 : i32
        %parallel_loop3A_798 = arith.addi %parallel_loop3A_753, %parallel_loop3A_797 : i32
        %parallel_loop3A_799 = arith.constant 1 : i32
        %parallel_loop3A_800 = arith.index_cast %parallel_loop3A_799 : i32 to index
        %parallel_loop3A_801 = arith.index_cast %parallel_loop3A_798 : i32 to index
        %parallel_loop3A_802 = arith.index_cast %parallel_loop3A_755 : i32 to index
        %parallel_loop3A_803 = tpu.vector_load %arg5[%parallel_loop3A_800, %parallel_loop3A_801, %parallel_loop3A_802] {strides = array<i32>} : memref<4x128x128xf32, #tpu.memory_space<vmem>>, vector<1x1x16xf32>,
        %parallel_loop3A_804 = vector.shape_cast %parallel_loop3A_803 : vector<1x1x16xf32> to vector<16xf32>
        %parallel_loop3A_805 = arith.constant 4 : i32
        %parallel_loop3A_806 = arith.addi %parallel_loop3A_753, %parallel_loop3A_805 : i32
        %parallel_loop3A_807 = arith.constant 1 : i32
        %parallel_loop3A_808 = arith.addi %parallel_loop3A_806, %parallel_loop3A_807 : i32
        %parallel_loop3A_809 = arith.constant 1 : i32
        %parallel_loop3A_810 = arith.index_cast %parallel_loop3A_809 : i32 to index
        %parallel_loop3A_811 = arith.index_cast %parallel_loop3A_808 : i32 to index
        %parallel_loop3A_812 = arith.index_cast %parallel_loop3A_755 : i32 to index
        %parallel_loop3A_813 = tpu.vector_load %arg5[%parallel_loop3A_810, %parallel_loop3A_811, %parallel_loop3A_812] {strides = array<i32>} : memref<4x128x128xf32, #tpu.memory_space<vmem>>, vector<1x1x16xf32>,
        %parallel_loop3A_814 = vector.shape_cast %parallel_loop3A_813 : vector<1x1x16xf32> to vector<16xf32>
        %parallel_loop3A_815 = arith.constant 4 : i32
        %parallel_loop3A_816 = arith.addi %parallel_loop3A_753, %parallel_loop3A_815 : i32
        %parallel_loop3A_817 = arith.constant 2 : i32
        %parallel_loop3A_818 = arith.addi %parallel_loop3A_816, %parallel_loop3A_817 : i32
        %parallel_loop3A_819 = arith.constant 1 : i32
        %parallel_loop3A_820 = arith.index_cast %parallel_loop3A_819 : i32 to index
        %parallel_loop3A_821 = arith.index_cast %parallel_loop3A_818 : i32 to index
        %parallel_loop3A_822 = arith.index_cast %parallel_loop3A_755 : i32 to index
        %parallel_loop3A_823 = tpu.vector_load %arg5[%parallel_loop3A_820, %parallel_loop3A_821, %parallel_loop3A_822] {strides = array<i32>} : memref<4x128x128xf32, #tpu.memory_space<vmem>>, vector<1x1x16xf32>,
        %parallel_loop3A_824 = vector.shape_cast %parallel_loop3A_823 : vector<1x1x16xf32> to vector<16xf32>
        %parallel_loop3A_825 = arith.constant 4 : i32
        %parallel_loop3A_826 = arith.addi %parallel_loop3A_753, %parallel_loop3A_825 : i32
        %parallel_loop3A_827 = arith.constant 3 : i32
        %parallel_loop3A_828 = arith.addi %parallel_loop3A_826, %parallel_loop3A_827 : i32
        %parallel_loop3A_829 = arith.constant 1 : i32
        %parallel_loop3A_830 = arith.index_cast %parallel_loop3A_829 : i32 to index
        %parallel_loop3A_831 = arith.index_cast %parallel_loop3A_828 : i32 to index
        %parallel_loop3A_832 = arith.index_cast %parallel_loop3A_755 : i32 to index
        %parallel_loop3A_833 = tpu.vector_load %arg5[%parallel_loop3A_830, %parallel_loop3A_831, %parallel_loop3A_832] {strides = array<i32>} : memref<4x128x128xf32, #tpu.memory_space<vmem>>, vector<1x1x16xf32>,
        %parallel_loop3A_834 = vector.shape_cast %parallel_loop3A_833 : vector<1x1x16xf32> to vector<16xf32>
        %parallel_loop3A_835 = arith.maximumf %parallel_loop3A_804, %parallel_loop3A_814 : vector<16xf32>
        %parallel_loop3A_836 = arith.maximumf %parallel_loop3A_824, %parallel_loop3A_834 : vector<16xf32>
        %parallel_loop3A_837 = arith.maximumf %parallel_loop3A_835, %parallel_loop3A_836 : vector<16xf32>
        %parallel_loop3A_838 = arith.maximumf %parallel_loop3A_796, %parallel_loop3A_837 : vector<16xf32>
        %parallel_loop3A_839 = arith.constant 8 : i32
        %parallel_loop3A_840 = arith.addi %parallel_loop3A_753, %parallel_loop3A_839 : i32
        %parallel_loop3A_841 = arith.constant 1 : i32
        %parallel_loop3A_842 = arith.index_cast %parallel_loop3A_841 : i32 to index
        %parallel_loop3A_843 = arith.index_cast %parallel_loop3A_840 : i32 to index
        %parallel_loop3A_844 = arith.index_cast %parallel_loop3A_755 : i32 to index
        %parallel_loop3A_845 = tpu.vector_load %arg5[%parallel_loop3A_842, %parallel_loop3A_843, %parallel_loop3A_844] {strides = array<i32>} : memref<4x128x128xf32, #tpu.memory_space<vmem>>, vector<1x1x16xf32>,
        %parallel_loop3A_846 = vector.shape_cast %parallel_loop3A_845 : vector<1x1x16xf32> to vector<16xf32>
        %parallel_loop3A_847 = arith.constant 8 : i32
        %parallel_loop3A_848 = arith.addi %parallel_loop3A_753, %parallel_loop3A_847 : i32
        %parallel_loop3A_849 = arith.constant 1 : i32
        %parallel_loop3A_850 = arith.addi %parallel_loop3A_848, %parallel_loop3A_849 : i32
        %parallel_loop3A_851 = arith.constant 1 : i32
        %parallel_loop3A_852 = arith.index_cast %parallel_loop3A_851 : i32 to index
        %parallel_loop3A_853 = arith.index_cast %parallel_loop3A_850 : i32 to index
        %parallel_loop3A_854 = arith.index_cast %parallel_loop3A_755 : i32 to index
        %parallel_loop3A_855 = tpu.vector_load %arg5[%parallel_loop3A_852, %parallel_loop3A_853, %parallel_loop3A_854] {strides = array<i32>} : memref<4x128x128xf32, #tpu.memory_space<vmem>>, vector<1x1x16xf32>,
        %parallel_loop3A_856 = vector.shape_cast %parallel_loop3A_855 : vector<1x1x16xf32> to vector<16xf32>
        %parallel_loop3A_857 = arith.constant 8 : i32
        %parallel_loop3A_858 = arith.addi %parallel_loop3A_753, %parallel_loop3A_857 : i32
        %parallel_loop3A_859 = arith.constant 2 : i32
        %parallel_loop3A_860 = arith.addi %parallel_loop3A_858, %parallel_loop3A_859 : i32
        %parallel_loop3A_861 = arith.constant 1 : i32
        %parallel_loop3A_862 = arith.index_cast %parallel_loop3A_861 : i32 to index
        %parallel_loop3A_863 = arith.index_cast %parallel_loop3A_860 : i32 to index
        %parallel_loop3A_864 = arith.index_cast %parallel_loop3A_755 : i32 to index
        %parallel_loop3A_865 = tpu.vector_load %arg5[%parallel_loop3A_862, %parallel_loop3A_863, %parallel_loop3A_864] {strides = array<i32>} : memref<4x128x128xf32, #tpu.memory_space<vmem>>, vector<1x1x16xf32>,
        %parallel_loop3A_866 = vector.shape_cast %parallel_loop3A_865 : vector<1x1x16xf32> to vector<16xf32>
        %parallel_loop3A_867 = arith.constant 8 : i32
        %parallel_loop3A_868 = arith.addi %parallel_loop3A_753, %parallel_loop3A_867 : i32
        %parallel_loop3A_869 = arith.constant 3 : i32
        %parallel_loop3A_870 = arith.addi %parallel_loop3A_868, %parallel_loop3A_869 : i32
        %parallel_loop3A_871 = arith.constant 1 : i32
        %parallel_loop3A_872 = arith.index_cast %parallel_loop3A_871 : i32 to index
        %parallel_loop3A_873 = arith.index_cast %parallel_loop3A_870 : i32 to index
        %parallel_loop3A_874 = arith.index_cast %parallel_loop3A_755 : i32 to index
        %parallel_loop3A_875 = tpu.vector_load %arg5[%parallel_loop3A_872, %parallel_loop3A_873, %parallel_loop3A_874] {strides = array<i32>} : memref<4x128x128xf32, #tpu.memory_space<vmem>>, vector<1x1x16xf32>,
        %parallel_loop3A_876 = vector.shape_cast %parallel_loop3A_875 : vector<1x1x16xf32> to vector<16xf32>
        %parallel_loop3A_877 = arith.maximumf %parallel_loop3A_846, %parallel_loop3A_856 : vector<16xf32>
        %parallel_loop3A_878 = arith.maximumf %parallel_loop3A_866, %parallel_loop3A_876 : vector<16xf32>
        %parallel_loop3A_879 = arith.maximumf %parallel_loop3A_877, %parallel_loop3A_878 : vector<16xf32>
        %parallel_loop3A_880 = arith.maximumf %parallel_loop3A_838, %parallel_loop3A_879 : vector<16xf32>
        %parallel_loop3A_881 = arith.constant 12 : i32
        %parallel_loop3A_882 = arith.addi %parallel_loop3A_753, %parallel_loop3A_881 : i32
        %parallel_loop3A_883 = arith.constant 1 : i32
        %parallel_loop3A_884 = arith.index_cast %parallel_loop3A_883 : i32 to index
        %parallel_loop3A_885 = arith.index_cast %parallel_loop3A_882 : i32 to index
        %parallel_loop3A_886 = arith.index_cast %parallel_loop3A_755 : i32 to index
        %parallel_loop3A_887 = tpu.vector_load %arg5[%parallel_loop3A_884, %parallel_loop3A_885, %parallel_loop3A_886] {strides = array<i32>} : memref<4x128x128xf32, #tpu.memory_space<vmem>>, vector<1x1x16xf32>,
        %parallel_loop3A_888 = vector.shape_cast %parallel_loop3A_887 : vector<1x1x16xf32> to vector<16xf32>
        %parallel_loop3A_889 = arith.constant 12 : i32
        %parallel_loop3A_890 = arith.addi %parallel_loop3A_753, %parallel_loop3A_889 : i32
        %parallel_loop3A_891 = arith.constant 1 : i32
        %parallel_loop3A_892 = arith.addi %parallel_loop3A_890, %parallel_loop3A_891 : i32
        %parallel_loop3A_893 = arith.constant 1 : i32
        %parallel_loop3A_894 = arith.index_cast %parallel_loop3A_893 : i32 to index
        %parallel_loop3A_895 = arith.index_cast %parallel_loop3A_892 : i32 to index
        %parallel_loop3A_896 = arith.index_cast %parallel_loop3A_755 : i32 to index
        %parallel_loop3A_897 = tpu.vector_load %arg5[%parallel_loop3A_894, %parallel_loop3A_895, %parallel_loop3A_896] {strides = array<i32>} : memref<4x128x128xf32, #tpu.memory_space<vmem>>, vector<1x1x16xf32>,
        %parallel_loop3A_898 = vector.shape_cast %parallel_loop3A_897 : vector<1x1x16xf32> to vector<16xf32>
        %parallel_loop3A_899 = arith.constant 12 : i32
        %parallel_loop3A_900 = arith.addi %parallel_loop3A_753, %parallel_loop3A_899 : i32
        %parallel_loop3A_901 = arith.constant 2 : i32
        %parallel_loop3A_902 = arith.addi %parallel_loop3A_900, %parallel_loop3A_901 : i32
        %parallel_loop3A_903 = arith.constant 1 : i32
        %parallel_loop3A_904 = arith.index_cast %parallel_loop3A_903 : i32 to index
        %parallel_loop3A_905 = arith.index_cast %parallel_loop3A_902 : i32 to index
        %parallel_loop3A_906 = arith.index_cast %parallel_loop3A_755 : i32 to index
        %parallel_loop3A_907 = tpu.vector_load %arg5[%parallel_loop3A_904, %parallel_loop3A_905, %parallel_loop3A_906] {strides = array<i32>} : memref<4x128x128xf32, #tpu.memory_space<vmem>>, vector<1x1x16xf32>,
        %parallel_loop3A_908 = vector.shape_cast %parallel_loop3A_907 : vector<1x1x16xf32> to vector<16xf32>
        %parallel_loop3A_909 = arith.constant 12 : i32
        %parallel_loop3A_910 = arith.addi %parallel_loop3A_753, %parallel_loop3A_909 : i32
        %parallel_loop3A_911 = arith.constant 3 : i32
        %parallel_loop3A_912 = arith.addi %parallel_loop3A_910, %parallel_loop3A_911 : i32
        %parallel_loop3A_913 = arith.constant 1 : i32
        %parallel_loop3A_914 = arith.index_cast %parallel_loop3A_913 : i32 to index
        %parallel_loop3A_915 = arith.index_cast %parallel_loop3A_912 : i32 to index
        %parallel_loop3A_916 = arith.index_cast %parallel_loop3A_755 : i32 to index
        %parallel_loop3A_917 = tpu.vector_load %arg5[%parallel_loop3A_914, %parallel_loop3A_915, %parallel_loop3A_916] {strides = array<i32>} : memref<4x128x128xf32, #tpu.memory_space<vmem>>, vector<1x1x16xf32>,
        %parallel_loop3A_918 = vector.shape_cast %parallel_loop3A_917 : vector<1x1x16xf32> to vector<16xf32>
        %parallel_loop3A_919 = arith.maximumf %parallel_loop3A_888, %parallel_loop3A_898 : vector<16xf32>
        %parallel_loop3A_920 = arith.maximumf %parallel_loop3A_908, %parallel_loop3A_918 : vector<16xf32>
        %parallel_loop3A_921 = arith.maximumf %parallel_loop3A_919, %parallel_loop3A_920 : vector<16xf32>
        %parallel_loop3A_922 = arith.maximumf %parallel_loop3A_880, %parallel_loop3A_921 : vector<16xf32>
        %parallel_loop3A_923 = arith.constant 1 : i32
        %parallel_loop3A_924 = arith.index_cast %parallel_loop3A_923 : i32 to index
        %parallel_loop3A_925 = arith.index_cast %parallel_loop3A_727 : i32 to index
        %parallel_loop3A_926 = arith.index_cast %parallel_loop3A_755 : i32 to index
        %parallel_loop3A_927 = tpu.vector_load %arg6[%parallel_loop3A_924, %parallel_loop3A_925, %parallel_loop3A_926] {strides = array<i32>} : memref<2x8x128xf32, #tpu.memory_space<vmem>>, vector<1x1x16xf32>,
        %parallel_loop3A_928 = vector.shape_cast %parallel_loop3A_927 : vector<1x1x16xf32> to vector<16xf32>
        %parallel_loop3A_929 = vector.shape_cast %parallel_loop3A_922 : vector<16xf32> to vector<1x1x16xf32>
        tpu.vector_store %arg6[%parallel_loop3A_924, %parallel_loop3A_925, %parallel_loop3A_926], %parallel_loop3A_929 {strides = array<i32>} : memref<2x8x128xf32, #tpu.memory_space<vmem>>, vector<1x1x16xf32>,
      } {sc.loop_unroll_factor = 2 : i64, sc.parallel_access}
      %add3A_580 = arith.addi %min3A_4, %add3A_547 : i32
      %mul3A_581 = arith.constant 8 : i32
      %mul3A_582 = arith.muli %add3A_580, %mul3A_581 : i32
      %dma_start3A_583 = arith.constant 1 : i32
      %dma_start3A_584 = arith.constant 0 : i32
      %dma_start3A_585 = arith.constant 0 : i32
      %dma_start3A_586 = tpu.memref_slice %arg6[%dma_start3A_583, %dma_start3A_584, %dma_start3A_585] : memref<2x8x128xf32, #tpu.memory_space<vmem>> -> memref<1x8x128xf32, #tpu.memory_space<vmem>>
      %dma_start3A_587 = tpu.memref_squeeze %dma_start3A_586 : memref<1x8x128xf32, #tpu.memory_space<vmem>> -> memref<8x128xf32, #tpu.memory_space<vmem>>
      %dma_start3A_588 = arith.constant 0 : i32
      %dma_start3A_589 = tpu.memref_slice %arg4[%mul3A_582, %dma_start3A_588] : memref<25000x128xf32, #tpu.memory_space<hbm>> -> memref<8x128xf32, #tpu.memory_space<hbm>>
      %dma_start3A_590 = arith.constant 0 : i32
      %dma_start3A_591 = tpu.memref_slice %arg4[%mul3A_582, %dma_start3A_590] : memref<25000x128xf32, #tpu.memory_space<hbm>> -> memref<8x128xf32, #tpu.memory_space<hbm>>
      %dma_start3A_592 = arith.constant 0 : i32
      %dma_start3A_593 = arith.constant 0 : i32
      %dma_start3A_594 = tpu.memref_slice %arg6[%dma_start3A_583, %dma_start3A_592, %dma_start3A_593] : memref<2x8x128xf32, #tpu.memory_space<vmem>> -> memref<1x8x128xf32, #tpu.memory_space<vmem>>
      %dma_start3A_595 = tpu.memref_squeeze %dma_start3A_594 : memref<1x8x128xf32, #tpu.memory_space<vmem>> -> memref<8x128xf32, #tpu.memory_space<vmem>>
      tpu.enqueue_dma source(%dma_start3A_595 : memref<8x128xf32, #tpu.memory_space<vmem>>) target(%dma_start3A_591 : memref<8x128xf32, #tpu.memory_space<hbm>>) target_semaphore(%arg24 : memref<!tpu.dma_semaphore, #tpu.memory_space<semaphore_mem>>)
      %lt3A_596 = arith.constant 100 : i32
      %lt3A_597 = arith.cmpi slt, %add3A_561, %lt3A_596 : i32
      %convert_element_type3A_598 = arith.extui %lt3A_597 : i1 to i32
      %cond3A_599 = arith.constant 0 : i32
      %cond3A_600 = arith.cmpi ne, %convert_element_type3A_598, %cond3A_599 : i32
      scf.if %cond3A_600 {
        %dma_start3A_711 = arith.constant 0 : i32
        %dma_start3A_712 = arith.constant 1 : i32
        %dma_start3A_713 = arith.constant 0 : i32
        %dma_start3A_714 = arith.constant 0 : i32
        %dma_start3A_715 = tpu.memref_slice %arg5[%dma_start3A_712, %dma_start3A_713, %dma_start3A_714] : memref<4x128x128xf32, #tpu.memory_space<vmem>> -> memref<1x128x128xf32, #tpu.memory_space<vmem>>
        %dma_start3A_716 = tpu.memref_squeeze %dma_start3A_715 : memref<1x128x128xf32, #tpu.memory_space<vmem>> -> memref<128x128xf32, #tpu.memory_space<vmem>>
        %dma_start3A_717 = arith.constant 0 : i32
        %dma_start3A_718 = tpu.memref_slice %arg8[%dma_start3A_711, %dma_start3A_717] : memref<1x128xi32, #tpu.memory_space<vmem>> -> memref<1x128xi32, #tpu.memory_space<vmem>>
        %dma_start3A_719 = tpu.memref_squeeze %dma_start3A_718 : memref<1x128xi32, #tpu.memory_space<vmem>> -> memref<128xi32, #tpu.memory_space<vmem>>
        %dma_start3A_720 = arith.constant 0 : i32
        %dma_start3A_721 = arith.constant 0 : i32
        %dma_start3A_722 = tpu.memref_slice %arg2[%dma_start3A_720, %dma_start3A_721] : memref<50000x128xf32, #tpu.memory_space<hbm>> -> memref<50000x128xf32, #tpu.memory_space<hbm>>
        tpu.enqueue_indirect_dma source(%dma_start3A_722 : memref<50000x128xf32, #tpu.memory_space<hbm>>) target(%dma_start3A_716 : memref<128x128xf32, #tpu.memory_space<vmem>>) offsets(%dma_start3A_719 : memref<128xi32, #tpu.memory_space<vmem>>) semaphore(%arg20 : memref<!tpu.dma_semaphore, #tpu.memory_space<semaphore_mem>>)
      } else {
      }
      %add3A_601 = arith.constant 2 : i32
      %add3A_602 = arith.addi %add3A_495, %add3A_601 : i32
      %dma_wait3A_603 = arith.constant 0 : i32
      %dma_wait3A_604 = arith.constant 2 : i32
      %dma_wait3A_605 = arith.constant 0 : i32
      %dma_wait3A_606 = arith.constant 0 : i32
      %dma_wait3A_607 = tpu.memref_slice %arg5[%dma_wait3A_604, %dma_wait3A_605, %dma_wait3A_606] : memref<4x128x128xf32, #tpu.memory_space<vmem>> -> memref<1x128x128xf32, #tpu.memory_space<vmem>>
      %dma_wait3A_608 = tpu.memref_squeeze %dma_wait3A_607 : memref<1x128x128xf32, #tpu.memory_space<vmem>> -> memref<128x128xf32, #tpu.memory_space<vmem>>
      %dma_wait3A_609 = arith.constant 0 : i32
      %dma_wait3A_610 = tpu.memref_slice %arg9[%dma_wait3A_603, %dma_wait3A_609] : memref<1x128xi32, #tpu.memory_space<vmem>> -> memref<1x128xi32, #tpu.memory_space<vmem>>
      %dma_wait3A_611 = tpu.memref_squeeze %dma_wait3A_610 : memref<1x128xi32, #tpu.memory_space<vmem>> -> memref<128xi32, #tpu.memory_space<vmem>>
      %dma_wait3A_612 = arith.constant 0 : i32
      %dma_wait3A_613 = arith.constant 0 : i32
      %dma_wait3A_614 = tpu.memref_slice %arg2[%dma_wait3A_612, %dma_wait3A_613] : memref<50000x128xf32, #tpu.memory_space<hbm>> -> memref<50000x128xf32, #tpu.memory_space<hbm>>
      tpu.wait_indirect_dma semaphore(%arg21 : memref<!tpu.dma_semaphore, #tpu.memory_space<semaphore_mem>>) src(%dma_wait3A_614 : memref<50000x128xf32, #tpu.memory_space<hbm>>) dst(%dma_wait3A_608 : memref<128x128xf32, #tpu.memory_space<vmem>>)
      %add3A_615 = arith.constant 4 : i32
      %add3A_616 = arith.addi %add3A_602, %add3A_615 : i32
      %lt3A_617 = arith.constant 100 : i32
      %lt3A_618 = arith.cmpi slt, %add3A_616, %lt3A_617 : i32
      %convert_element_type3A_619 = arith.extui %lt3A_618 : i1 to i32
      %cond3A_620 = arith.constant 0 : i32
      %cond3A_621 = arith.cmpi ne, %convert_element_type3A_619, %cond3A_620 : i32
      scf.if %cond3A_621 {
        %add3A_711 = arith.addi %min3A_4, %add3A_616 : i32
        %mul3A_712 = arith.constant 8 : i32
        %mul3A_713 = arith.muli %add3A_711, %mul3A_712 : i32
        %dma_start3A_714 = arith.constant 0 : i32
        %dma_start3A_715 = tpu.memref_slice %arg3[%mul3A_713, %dma_start3A_714] : memref<25000x16xi32, #tpu.memory_space<hbm>> -> memref<8x16xi32, #tpu.memory_space<hbm>>
        %dma_start3A_716 = arith.constant 0 : i32
        %dma_start3A_717 = tpu.memref_slice %arg3[%mul3A_713, %dma_start3A_716] : memref<25000x16xi32, #tpu.memory_space<hbm>> -> memref<8x16xi32, #tpu.memory_space<hbm>>
        tpu.enqueue_dma source(%dma_start3A_717 : memref<8x16xi32, #tpu.memory_space<hbm>>) target(%arg13 : memref<8x16xi32, #tpu.memory_space<vmem>>) target_semaphore(%arg17 : memref<!tpu.dma_semaphore, #tpu.memory_space<semaphore_mem>>)
      } else {
      }
      %ge3A_622 = arith.constant 2 : i32
      %ge3A_623 = arith.cmpi sge, %add3A_602, %ge3A_622 : i32
      %convert_element_type3A_624 = arith.extui %ge3A_623 : i1 to i32
      %cond3A_625 = arith.constant 0 : i32
      %cond3A_626 = arith.cmpi ne, %convert_element_type3A_624, %cond3A_625 : i32
      scf.if %cond3A_626 {
        %dma_wait3A_711 = arith.constant 0 : i32
        %dma_wait3A_712 = arith.constant 0 : i32
        %dma_wait3A_713 = arith.constant 0 : i32
        %dma_wait3A_714 = tpu.memref_slice %arg6[%dma_wait3A_711, %dma_wait3A_712, %dma_wait3A_713] : memref<2x8x128xf32, #tpu.memory_space<vmem>> -> memref<1x8x128xf32, #tpu.memory_space<vmem>>
        %dma_wait3A_715 = tpu.memref_squeeze %dma_wait3A_714 : memref<1x8x128xf32, #tpu.memory_space<vmem>> -> memref<8x128xf32, #tpu.memory_space<vmem>>
        %dma_wait3A_716 = arith.constant 0 : i32
        %dma_wait3A_717 = arith.constant 0 : i32
        %dma_wait3A_718 = tpu.memref_slice %arg4[%dma_wait3A_716, %dma_wait3A_717] : memref<25000x128xf32, #tpu.memory_space<hbm>> -> memref<8x128xf32, #tpu.memory_space<hbm>>
        %dma_wait3A_719 = arith.constant 0 : i32
        %dma_wait3A_720 = arith.constant 0 : i32
        %dma_wait3A_721 = tpu.memref_slice %arg4[%dma_wait3A_719, %dma_wait3A_720] : memref<25000x128xf32, #tpu.memory_space<hbm>> -> memref<8x128xf32, #tpu.memory_space<hbm>>
        %dma_wait3A_722 = arith.constant 0 : i32
        %dma_wait3A_723 = arith.constant 0 : i32
        %dma_wait3A_724 = tpu.memref_slice %arg6[%dma_wait3A_711, %dma_wait3A_722, %dma_wait3A_723] : memref<2x8x128xf32, #tpu.memory_space<vmem>> -> memref<1x8x128xf32, #tpu.memory_space<vmem>>
        %dma_wait3A_725 = tpu.memref_squeeze %dma_wait3A_724 : memref<1x8x128xf32, #tpu.memory_space<vmem>> -> memref<8x128xf32, #tpu.memory_space<vmem>>
        tpu.wait_dma2 semaphore(%arg23 : memref<!tpu.dma_semaphore, #tpu.memory_space<semaphore_mem>>) src(%dma_wait3A_725 : memref<8x128xf32, #tpu.memory_space<vmem>>) dst(%dma_wait3A_721 : memref<8x128xf32, #tpu.memory_space<hbm>>)
      } else {
      }
      %lt3A_627 = arith.constant 100 : i32
      %lt3A_628 = arith.cmpi slt, %add3A_616, %lt3A_627 : i32
      %convert_element_type3A_629 = arith.extui %lt3A_628 : i1 to i32
      %cond3A_630 = arith.constant 0 : i32
      %cond3A_631 = arith.cmpi ne, %convert_element_type3A_629, %cond3A_630 : i32
      scf.if %cond3A_631 {
        %dma_wait3A_711 = arith.constant 0 : i32
        %dma_wait3A_712 = arith.constant 0 : i32
        %dma_wait3A_713 = tpu.memref_slice %arg3[%dma_wait3A_711, %dma_wait3A_712] : memref<25000x16xi32, #tpu.memory_space<hbm>> -> memref<8x16xi32, #tpu.memory_space<hbm>>
        %dma_wait3A_714 = arith.constant 0 : i32
        %dma_wait3A_715 = arith.constant 0 : i32
        %dma_wait3A_716 = tpu.memref_slice %arg3[%dma_wait3A_714, %dma_wait3A_715] : memref<25000x16xi32, #tpu.memory_space<hbm>> -> memref<8x16xi32, #tpu.memory_space<hbm>>
        tpu.wait_dma2 semaphore(%arg17 : memref<!tpu.dma_semaphore, #tpu.memory_space<semaphore_mem>>) src(%dma_wait3A_716 : memref<8x16xi32, #tpu.memory_space<hbm>>) dst(%arg13 : memref<8x16xi32, #tpu.memory_space<vmem>>)
        %get3A_717 = arith.constant 0 : i32
        %get3A_718 = arith.index_cast %get3A_717 : i32 to index
        %get3A_719 = arith.constant 0 : index
        %get3A_720 = tpu.vector_load %arg13[%get3A_718, %get3A_719] {strides = array<i32>} : memref<8x16xi32, #tpu.memory_space<vmem>>, vector<1x16xi32>,
        %get3A_721 = vector.shape_cast %get3A_720 : vector<1x16xi32> to vector<16xi32>
        %swap3A_722 = arith.constant 0 : i32
        %swap3A_723 = arith.index_cast %swap3A_722 : i32 to index
        %swap3A_724 = arith.constant 0 : index
        %swap3A_725 = tpu.vector_load %arg9[%swap3A_723, %swap3A_724] {strides = array<i32>} : memref<1x128xi32, #tpu.memory_space<vmem>>, vector<1x16xi32>,
        %swap3A_726 = vector.shape_cast %swap3A_725 : vector<1x16xi32> to vector<16xi32>
        %swap3A_727 = vector.shape_cast %get3A_721 : vector<16xi32> to vector<1x16xi32>
        tpu.vector_store %arg9[%swap3A_723, %swap3A_724], %swap3A_727 {strides = array<i32>} : memref<1x128xi32, #tpu.memory_space<vmem>>, vector<1x16xi32>,
        %get3A_728 = arith.constant 1 : i32
        %get3A_729 = arith.index_cast %get3A_728 : i32 to index
        %get3A_730 = arith.constant 0 : index
        %get3A_731 = tpu.vector_load %arg13[%get3A_729, %get3A_730] {strides = array<i32>} : memref<8x16xi32, #tpu.memory_space<vmem>>, vector<1x16xi32>,
        %get3A_732 = vector.shape_cast %get3A_731 : vector<1x16xi32> to vector<16xi32>
        %swap3A_733 = arith.constant 0 : i32
        %swap3A_734 = arith.index_cast %swap3A_733 : i32 to index
        %swap3A_735 = arith.constant 16 : index
        %swap3A_736 = tpu.vector_load %arg9[%swap3A_734, %swap3A_735] {strides = array<i32>} : memref<1x128xi32, #tpu.memory_space<vmem>>, vector<1x16xi32>,
        %swap3A_737 = vector.shape_cast %swap3A_736 : vector<1x16xi32> to vector<16xi32>
        %swap3A_738 = vector.shape_cast %get3A_732 : vector<16xi32> to vector<1x16xi32>
        tpu.vector_store %arg9[%swap3A_734, %swap3A_735], %swap3A_738 {strides = array<i32>} : memref<1x128xi32, #tpu.memory_space<vmem>>, vector<1x16xi32>,
        %get3A_739 = arith.constant 2 : i32
        %get3A_740 = arith.index_cast %get3A_739 : i32 to index
        %get3A_741 = arith.constant 0 : index
        %get3A_742 = tpu.vector_load %arg13[%get3A_740, %get3A_741] {strides = array<i32>} : memref<8x16xi32, #tpu.memory_space<vmem>>, vector<1x16xi32>,
        %get3A_743 = vector.shape_cast %get3A_742 : vector<1x16xi32> to vector<16xi32>
        %swap3A_744 = arith.constant 0 : i32
        %swap3A_745 = arith.index_cast %swap3A_744 : i32 to index
        %swap3A_746 = arith.constant 32 : index
        %swap3A_747 = tpu.vector_load %arg9[%swap3A_745, %swap3A_746] {strides = array<i32>} : memref<1x128xi32, #tpu.memory_space<vmem>>, vector<1x16xi32>,
        %swap3A_748 = vector.shape_cast %swap3A_747 : vector<1x16xi32> to vector<16xi32>
        %swap3A_749 = vector.shape_cast %get3A_743 : vector<16xi32> to vector<1x16xi32>
        tpu.vector_store %arg9[%swap3A_745, %swap3A_746], %swap3A_749 {strides = array<i32>} : memref<1x128xi32, #tpu.memory_space<vmem>>, vector<1x16xi32>,
        %get3A_750 = arith.constant 3 : i32
        %get3A_751 = arith.index_cast %get3A_750 : i32 to index
        %get3A_752 = arith.constant 0 : index
        %get3A_753 = tpu.vector_load %arg13[%get3A_751, %get3A_752] {strides = array<i32>} : memref<8x16xi32, #tpu.memory_space<vmem>>, vector<1x16xi32>,
        %get3A_754 = vector.shape_cast %get3A_753 : vector<1x16xi32> to vector<16xi32>
        %swap3A_755 = arith.constant 0 : i32
        %swap3A_756 = arith.index_cast %swap3A_755 : i32 to index
        %swap3A_757 = arith.constant 48 : index
        %swap3A_758 = tpu.vector_load %arg9[%swap3A_756, %swap3A_757] {strides = array<i32>} : memref<1x128xi32, #tpu.memory_space<vmem>>, vector<1x16xi32>,
        %swap3A_759 = vector.shape_cast %swap3A_758 : vector<1x16xi32> to vector<16xi32>
        %swap3A_760 = vector.shape_cast %get3A_754 : vector<16xi32> to vector<1x16xi32>
        tpu.vector_store %arg9[%swap3A_756, %swap3A_757], %swap3A_760 {strides = array<i32>} : memref<1x128xi32, #tpu.memory_space<vmem>>, vector<1x16xi32>,
        %get3A_761 = arith.constant 4 : i32
        %get3A_762 = arith.index_cast %get3A_761 : i32 to index
        %get3A_763 = arith.constant 0 : index
        %get3A_764 = tpu.vector_load %arg13[%get3A_762, %get3A_763] {strides = array<i32>} : memref<8x16xi32, #tpu.memory_space<vmem>>, vector<1x16xi32>,
        %get3A_765 = vector.shape_cast %get3A_764 : vector<1x16xi32> to vector<16xi32>
        %swap3A_766 = arith.constant 0 : i32
        %swap3A_767 = arith.index_cast %swap3A_766 : i32 to index
        %swap3A_768 = arith.constant 64 : index
        %swap3A_769 = tpu.vector_load %arg9[%swap3A_767, %swap3A_768] {strides = array<i32>} : memref<1x128xi32, #tpu.memory_space<vmem>>, vector<1x16xi32>,
        %swap3A_770 = vector.shape_cast %swap3A_769 : vector<1x16xi32> to vector<16xi32>
        %swap3A_771 = vector.shape_cast %get3A_765 : vector<16xi32> to vector<1x16xi32>
        tpu.vector_store %arg9[%swap3A_767, %swap3A_768], %swap3A_771 {strides = array<i32>} : memref<1x128xi32, #tpu.memory_space<vmem>>, vector<1x16xi32>,
        %get3A_772 = arith.constant 5 : i32
        %get3A_773 = arith.index_cast %get3A_772 : i32 to index
        %get3A_774 = arith.constant 0 : index
        %get3A_775 = tpu.vector_load %arg13[%get3A_773, %get3A_774] {strides = array<i32>} : memref<8x16xi32, #tpu.memory_space<vmem>>, vector<1x16xi32>,
        %get3A_776 = vector.shape_cast %get3A_775 : vector<1x16xi32> to vector<16xi32>
        %swap3A_777 = arith.constant 0 : i32
        %swap3A_778 = arith.index_cast %swap3A_777 : i32 to index
        %swap3A_779 = arith.constant 80 : index
        %swap3A_780 = tpu.vector_load %arg9[%swap3A_778, %swap3A_779] {strides = array<i32>} : memref<1x128xi32, #tpu.memory_space<vmem>>, vector<1x16xi32>,
        %swap3A_781 = vector.shape_cast %swap3A_780 : vector<1x16xi32> to vector<16xi32>
        %swap3A_782 = vector.shape_cast %get3A_776 : vector<16xi32> to vector<1x16xi32>
        tpu.vector_store %arg9[%swap3A_778, %swap3A_779], %swap3A_782 {strides = array<i32>} : memref<1x128xi32, #tpu.memory_space<vmem>>, vector<1x16xi32>,
        %get3A_783 = arith.constant 6 : i32
        %get3A_784 = arith.index_cast %get3A_783 : i32 to index
        %get3A_785 = arith.constant 0 : index
        %get3A_786 = tpu.vector_load %arg13[%get3A_784, %get3A_785] {strides = array<i32>} : memref<8x16xi32, #tpu.memory_space<vmem>>, vector<1x16xi32>,
        %get3A_787 = vector.shape_cast %get3A_786 : vector<1x16xi32> to vector<16xi32>
        %swap3A_788 = arith.constant 0 : i32
        %swap3A_789 = arith.index_cast %swap3A_788 : i32 to index
        %swap3A_790 = arith.constant 96 : index
        %swap3A_791 = tpu.vector_load %arg9[%swap3A_789, %swap3A_790] {strides = array<i32>} : memref<1x128xi32, #tpu.memory_space<vmem>>, vector<1x16xi32>,
        %swap3A_792 = vector.shape_cast %swap3A_791 : vector<1x16xi32> to vector<16xi32>
        %swap3A_793 = vector.shape_cast %get3A_787 : vector<16xi32> to vector<1x16xi32>
        tpu.vector_store %arg9[%swap3A_789, %swap3A_790], %swap3A_793 {strides = array<i32>} : memref<1x128xi32, #tpu.memory_space<vmem>>, vector<1x16xi32>,
        %get3A_794 = arith.constant 7 : i32
        %get3A_795 = arith.index_cast %get3A_794 : i32 to index
        %get3A_796 = arith.constant 0 : index
        %get3A_797 = tpu.vector_load %arg13[%get3A_795, %get3A_796] {strides = array<i32>} : memref<8x16xi32, #tpu.memory_space<vmem>>, vector<1x16xi32>,
        %get3A_798 = vector.shape_cast %get3A_797 : vector<1x16xi32> to vector<16xi32>
        %swap3A_799 = arith.constant 0 : i32
        %swap3A_800 = arith.index_cast %swap3A_799 : i32 to index
        %swap3A_801 = arith.constant 112 : index
        %swap3A_802 = tpu.vector_load %arg9[%swap3A_800, %swap3A_801] {strides = array<i32>} : memref<1x128xi32, #tpu.memory_space<vmem>>, vector<1x16xi32>,
        %swap3A_803 = vector.shape_cast %swap3A_802 : vector<1x16xi32> to vector<16xi32>
        %swap3A_804 = vector.shape_cast %get3A_798 : vector<16xi32> to vector<1x16xi32>
        tpu.vector_store %arg9[%swap3A_800, %swap3A_801], %swap3A_804 {strides = array<i32>} : memref<1x128xi32, #tpu.memory_space<vmem>>, vector<1x16xi32>,
      } else {
      }
      %parallel_loop3A_632 = arith.constant 0 : i32
      %parallel_loop3A_633 = arith.constant 64 : i32
      %parallel_loop3A_634 = arith.constant 1 : i32
      scf.for %parallel_loop3A_711 = %parallel_loop3A_632 to %parallel_loop3A_633 step %parallel_loop3A_634  : i32 {
        %parallel_loop3A_712 = arith.constant 8 : i32
        %parallel_loop3A_713 = arith.constant 0 : i32
        %parallel_loop3A_714 = arith.cmpi eq, %parallel_loop3A_712, %parallel_loop3A_713 : i32
        %parallel_loop3A_715 = arith.constant 1 : i32
        %parallel_loop3A_716 = arith.select %parallel_loop3A_714, %parallel_loop3A_715, %parallel_loop3A_712 : i32
        %parallel_loop3A_717 = arith.remsi %parallel_loop3A_711, %parallel_loop3A_716 : i32
        %parallel_loop3A_718 = arith.constant 0 : i32
        %parallel_loop3A_719 = arith.cmpi ne, %parallel_loop3A_717, %parallel_loop3A_718 : i32
        %parallel_loop3A_720 = arith.constant 0 : i32
        %parallel_loop3A_721 = arith.cmpi slt, %parallel_loop3A_717, %parallel_loop3A_720 : i32
        %parallel_loop3A_722 = arith.constant 0 : i32
        %parallel_loop3A_723 = arith.cmpi slt, %parallel_loop3A_716, %parallel_loop3A_722 : i32
        %parallel_loop3A_724 = arith.xori %parallel_loop3A_721, %parallel_loop3A_723 : i1
        %parallel_loop3A_725 = arith.andi %parallel_loop3A_724, %parallel_loop3A_719 : i1
        %parallel_loop3A_726 = arith.addi %parallel_loop3A_717, %parallel_loop3A_716 : i32
        %parallel_loop3A_727 = arith.select %parallel_loop3A_725, %parallel_loop3A_726, %parallel_loop3A_717 : i32
        %parallel_loop3A_728 = arith.constant 8 : i32
        %parallel_loop3A_729 = arith.divsi %parallel_loop3A_711, %parallel_loop3A_728 : i32
        %parallel_loop3A_730 = arith.constant 0 : i32
        %parallel_loop3A_731 = arith.cmpi sgt, %parallel_loop3A_711, %parallel_loop3A_730 : i32
        %parallel_loop3A_732 = arith.extui %parallel_loop3A_731 : i1 to i32
        %parallel_loop3A_733 = arith.constant 0 : i32
        %parallel_loop3A_734 = arith.cmpi slt, %parallel_loop3A_711, %parallel_loop3A_733 : i32
        %parallel_loop3A_735 = arith.extui %parallel_loop3A_734 : i1 to i32
        %parallel_loop3A_736 = arith.subi %parallel_loop3A_732, %parallel_loop3A_735 : i32
        %parallel_loop3A_737 = arith.constant 0 : i32
        %parallel_loop3A_738 = arith.cmpi sgt, %parallel_loop3A_728, %parallel_loop3A_737 : i32
        %parallel_loop3A_739 = arith.extui %parallel_loop3A_738 : i1 to i32
        %parallel_loop3A_740 = arith.constant 0 : i32
        %parallel_loop3A_741 = arith.cmpi slt, %parallel_loop3A_728, %parallel_loop3A_740 : i32
        %parallel_loop3A_742 = arith.extui %parallel_loop3A_741 : i1 to i32
        %parallel_loop3A_743 = arith.subi %parallel_loop3A_739, %parallel_loop3A_742 : i32
        %parallel_loop3A_744 = arith.cmpi ne, %parallel_loop3A_736, %parallel_loop3A_743 : i32
        %parallel_loop3A_745 = arith.remsi %parallel_loop3A_711, %parallel_loop3A_728 : i32
        %parallel_loop3A_746 = arith.constant 0 : i32
        %parallel_loop3A_747 = arith.cmpi ne, %parallel_loop3A_745, %parallel_loop3A_746 : i32
        %parallel_loop3A_748 = arith.andi %parallel_loop3A_744, %parallel_loop3A_747 : i1
        %parallel_loop3A_749 = arith.constant 1 : i32
        %parallel_loop3A_750 = arith.subi %parallel_loop3A_729, %parallel_loop3A_749 : i32
        %parallel_loop3A_751 = arith.select %parallel_loop3A_748, %parallel_loop3A_750, %parallel_loop3A_729 : i32
        %parallel_loop3A_752 = arith.constant 16 : i32
        %parallel_loop3A_753 = arith.muli %parallel_loop3A_727, %parallel_loop3A_752 : i32
        %parallel_loop3A_754 = arith.constant 16 : i32
        %parallel_loop3A_755 = arith.muli %parallel_loop3A_751, %parallel_loop3A_754 : i32
        %parallel_loop3A_756 = arith.constant 0 : i32
        %parallel_loop3A_757 = arith.addi %parallel_loop3A_753, %parallel_loop3A_756 : i32
        %parallel_loop3A_758 = arith.constant 2 : i32
        %parallel_loop3A_759 = arith.index_cast %parallel_loop3A_758 : i32 to index
        %parallel_loop3A_760 = arith.index_cast %parallel_loop3A_757 : i32 to index
        %parallel_loop3A_761 = arith.index_cast %parallel_loop3A_755 : i32 to index
        %parallel_loop3A_762 = tpu.vector_load %arg5[%parallel_loop3A_759, %parallel_loop3A_760, %parallel_loop3A_761] {strides = array<i32>} : memref<4x128x128xf32, #tpu.memory_space<vmem>>, vector<1x1x16xf32>,
        %parallel_loop3A_763 = vector.shape_cast %parallel_loop3A_762 : vector<1x1x16xf32> to vector<16xf32>
        %parallel_loop3A_764 = arith.constant 0 : i32
        %parallel_loop3A_765 = arith.addi %parallel_loop3A_753, %parallel_loop3A_764 : i32
        %parallel_loop3A_766 = arith.constant 1 : i32
        %parallel_loop3A_767 = arith.addi %parallel_loop3A_765, %parallel_loop3A_766 : i32
        %parallel_loop3A_768 = arith.constant 2 : i32
        %parallel_loop3A_769 = arith.index_cast %parallel_loop3A_768 : i32 to index
        %parallel_loop3A_770 = arith.index_cast %parallel_loop3A_767 : i32 to index
        %parallel_loop3A_771 = arith.index_cast %parallel_loop3A_755 : i32 to index
        %parallel_loop3A_772 = tpu.vector_load %arg5[%parallel_loop3A_769, %parallel_loop3A_770, %parallel_loop3A_771] {strides = array<i32>} : memref<4x128x128xf32, #tpu.memory_space<vmem>>, vector<1x1x16xf32>,
        %parallel_loop3A_773 = vector.shape_cast %parallel_loop3A_772 : vector<1x1x16xf32> to vector<16xf32>
        %parallel_loop3A_774 = arith.constant 0 : i32
        %parallel_loop3A_775 = arith.addi %parallel_loop3A_753, %parallel_loop3A_774 : i32
        %parallel_loop3A_776 = arith.constant 2 : i32
        %parallel_loop3A_777 = arith.addi %parallel_loop3A_775, %parallel_loop3A_776 : i32
        %parallel_loop3A_778 = arith.constant 2 : i32
        %parallel_loop3A_779 = arith.index_cast %parallel_loop3A_778 : i32 to index
        %parallel_loop3A_780 = arith.index_cast %parallel_loop3A_777 : i32 to index
        %parallel_loop3A_781 = arith.index_cast %parallel_loop3A_755 : i32 to index
        %parallel_loop3A_782 = tpu.vector_load %arg5[%parallel_loop3A_779, %parallel_loop3A_780, %parallel_loop3A_781] {strides = array<i32>} : memref<4x128x128xf32, #tpu.memory_space<vmem>>, vector<1x1x16xf32>,
        %parallel_loop3A_783 = vector.shape_cast %parallel_loop3A_782 : vector<1x1x16xf32> to vector<16xf32>
        %parallel_loop3A_784 = arith.constant 0 : i32
        %parallel_loop3A_785 = arith.addi %parallel_loop3A_753, %parallel_loop3A_784 : i32
        %parallel_loop3A_786 = arith.constant 3 : i32
        %parallel_loop3A_787 = arith.addi %parallel_loop3A_785, %parallel_loop3A_786 : i32
        %parallel_loop3A_788 = arith.constant 2 : i32
        %parallel_loop3A_789 = arith.index_cast %parallel_loop3A_788 : i32 to index
        %parallel_loop3A_790 = arith.index_cast %parallel_loop3A_787 : i32 to index
        %parallel_loop3A_791 = arith.index_cast %parallel_loop3A_755 : i32 to index
        %parallel_loop3A_792 = tpu.vector_load %arg5[%parallel_loop3A_789, %parallel_loop3A_790, %parallel_loop3A_791] {strides = array<i32>} : memref<4x128x128xf32, #tpu.memory_space<vmem>>, vector<1x1x16xf32>,
        %parallel_loop3A_793 = vector.shape_cast %parallel_loop3A_792 : vector<1x1x16xf32> to vector<16xf32>
        %parallel_loop3A_794 = arith.maximumf %parallel_loop3A_763, %parallel_loop3A_773 : vector<16xf32>
        %parallel_loop3A_795 = arith.maximumf %parallel_loop3A_783, %parallel_loop3A_793 : vector<16xf32>
        %parallel_loop3A_796 = arith.maximumf %parallel_loop3A_794, %parallel_loop3A_795 : vector<16xf32>
        %parallel_loop3A_797 = arith.constant 4 : i32
        %parallel_loop3A_798 = arith.addi %parallel_loop3A_753, %parallel_loop3A_797 : i32
        %parallel_loop3A_799 = arith.constant 2 : i32
        %parallel_loop3A_800 = arith.index_cast %parallel_loop3A_799 : i32 to index
        %parallel_loop3A_801 = arith.index_cast %parallel_loop3A_798 : i32 to index
        %parallel_loop3A_802 = arith.index_cast %parallel_loop3A_755 : i32 to index
        %parallel_loop3A_803 = tpu.vector_load %arg5[%parallel_loop3A_800, %parallel_loop3A_801, %parallel_loop3A_802] {strides = array<i32>} : memref<4x128x128xf32, #tpu.memory_space<vmem>>, vector<1x1x16xf32>,
        %parallel_loop3A_804 = vector.shape_cast %parallel_loop3A_803 : vector<1x1x16xf32> to vector<16xf32>
        %parallel_loop3A_805 = arith.constant 4 : i32
        %parallel_loop3A_806 = arith.addi %parallel_loop3A_753, %parallel_loop3A_805 : i32
        %parallel_loop3A_807 = arith.constant 1 : i32
        %parallel_loop3A_808 = arith.addi %parallel_loop3A_806, %parallel_loop3A_807 : i32
        %parallel_loop3A_809 = arith.constant 2 : i32
        %parallel_loop3A_810 = arith.index_cast %parallel_loop3A_809 : i32 to index
        %parallel_loop3A_811 = arith.index_cast %parallel_loop3A_808 : i32 to index
        %parallel_loop3A_812 = arith.index_cast %parallel_loop3A_755 : i32 to index
        %parallel_loop3A_813 = tpu.vector_load %arg5[%parallel_loop3A_810, %parallel_loop3A_811, %parallel_loop3A_812] {strides = array<i32>} : memref<4x128x128xf32, #tpu.memory_space<vmem>>, vector<1x1x16xf32>,
        %parallel_loop3A_814 = vector.shape_cast %parallel_loop3A_813 : vector<1x1x16xf32> to vector<16xf32>
        %parallel_loop3A_815 = arith.constant 4 : i32
        %parallel_loop3A_816 = arith.addi %parallel_loop3A_753, %parallel_loop3A_815 : i32
        %parallel_loop3A_817 = arith.constant 2 : i32
        %parallel_loop3A_818 = arith.addi %parallel_loop3A_816, %parallel_loop3A_817 : i32
        %parallel_loop3A_819 = arith.constant 2 : i32
        %parallel_loop3A_820 = arith.index_cast %parallel_loop3A_819 : i32 to index
        %parallel_loop3A_821 = arith.index_cast %parallel_loop3A_818 : i32 to index
        %parallel_loop3A_822 = arith.index_cast %parallel_loop3A_755 : i32 to index
        %parallel_loop3A_823 = tpu.vector_load %arg5[%parallel_loop3A_820, %parallel_loop3A_821, %parallel_loop3A_822] {strides = array<i32>} : memref<4x128x128xf32, #tpu.memory_space<vmem>>, vector<1x1x16xf32>,
        %parallel_loop3A_824 = vector.shape_cast %parallel_loop3A_823 : vector<1x1x16xf32> to vector<16xf32>
        %parallel_loop3A_825 = arith.constant 4 : i32
        %parallel_loop3A_826 = arith.addi %parallel_loop3A_753, %parallel_loop3A_825 : i32
        %parallel_loop3A_827 = arith.constant 3 : i32
        %parallel_loop3A_828 = arith.addi %parallel_loop3A_826, %parallel_loop3A_827 : i32
        %parallel_loop3A_829 = arith.constant 2 : i32
        %parallel_loop3A_830 = arith.index_cast %parallel_loop3A_829 : i32 to index
        %parallel_loop3A_831 = arith.index_cast %parallel_loop3A_828 : i32 to index
        %parallel_loop3A_832 = arith.index_cast %parallel_loop3A_755 : i32 to index
        %parallel_loop3A_833 = tpu.vector_load %arg5[%parallel_loop3A_830, %parallel_loop3A_831, %parallel_loop3A_832] {strides = array<i32>} : memref<4x128x128xf32, #tpu.memory_space<vmem>>, vector<1x1x16xf32>,
        %parallel_loop3A_834 = vector.shape_cast %parallel_loop3A_833 : vector<1x1x16xf32> to vector<16xf32>
        %parallel_loop3A_835 = arith.maximumf %parallel_loop3A_804, %parallel_loop3A_814 : vector<16xf32>
        %parallel_loop3A_836 = arith.maximumf %parallel_loop3A_824, %parallel_loop3A_834 : vector<16xf32>
        %parallel_loop3A_837 = arith.maximumf %parallel_loop3A_835, %parallel_loop3A_836 : vector<16xf32>
        %parallel_loop3A_838 = arith.maximumf %parallel_loop3A_796, %parallel_loop3A_837 : vector<16xf32>
        %parallel_loop3A_839 = arith.constant 8 : i32
        %parallel_loop3A_840 = arith.addi %parallel_loop3A_753, %parallel_loop3A_839 : i32
        %parallel_loop3A_841 = arith.constant 2 : i32
        %parallel_loop3A_842 = arith.index_cast %parallel_loop3A_841 : i32 to index
        %parallel_loop3A_843 = arith.index_cast %parallel_loop3A_840 : i32 to index
        %parallel_loop3A_844 = arith.index_cast %parallel_loop3A_755 : i32 to index
        %parallel_loop3A_845 = tpu.vector_load %arg5[%parallel_loop3A_842, %parallel_loop3A_843, %parallel_loop3A_844] {strides = array<i32>} : memref<4x128x128xf32, #tpu.memory_space<vmem>>, vector<1x1x16xf32>,
        %parallel_loop3A_846 = vector.shape_cast %parallel_loop3A_845 : vector<1x1x16xf32> to vector<16xf32>
        %parallel_loop3A_847 = arith.constant 8 : i32
        %parallel_loop3A_848 = arith.addi %parallel_loop3A_753, %parallel_loop3A_847 : i32
        %parallel_loop3A_849 = arith.constant 1 : i32
        %parallel_loop3A_850 = arith.addi %parallel_loop3A_848, %parallel_loop3A_849 : i32
        %parallel_loop3A_851 = arith.constant 2 : i32
        %parallel_loop3A_852 = arith.index_cast %parallel_loop3A_851 : i32 to index
        %parallel_loop3A_853 = arith.index_cast %parallel_loop3A_850 : i32 to index
        %parallel_loop3A_854 = arith.index_cast %parallel_loop3A_755 : i32 to index
        %parallel_loop3A_855 = tpu.vector_load %arg5[%parallel_loop3A_852, %parallel_loop3A_853, %parallel_loop3A_854] {strides = array<i32>} : memref<4x128x128xf32, #tpu.memory_space<vmem>>, vector<1x1x16xf32>,
        %parallel_loop3A_856 = vector.shape_cast %parallel_loop3A_855 : vector<1x1x16xf32> to vector<16xf32>
        %parallel_loop3A_857 = arith.constant 8 : i32
        %parallel_loop3A_858 = arith.addi %parallel_loop3A_753, %parallel_loop3A_857 : i32
        %parallel_loop3A_859 = arith.constant 2 : i32
        %parallel_loop3A_860 = arith.addi %parallel_loop3A_858, %parallel_loop3A_859 : i32
        %parallel_loop3A_861 = arith.constant 2 : i32
        %parallel_loop3A_862 = arith.index_cast %parallel_loop3A_861 : i32 to index
        %parallel_loop3A_863 = arith.index_cast %parallel_loop3A_860 : i32 to index
        %parallel_loop3A_864 = arith.index_cast %parallel_loop3A_755 : i32 to index
        %parallel_loop3A_865 = tpu.vector_load %arg5[%parallel_loop3A_862, %parallel_loop3A_863, %parallel_loop3A_864] {strides = array<i32>} : memref<4x128x128xf32, #tpu.memory_space<vmem>>, vector<1x1x16xf32>,
        %parallel_loop3A_866 = vector.shape_cast %parallel_loop3A_865 : vector<1x1x16xf32> to vector<16xf32>
        %parallel_loop3A_867 = arith.constant 8 : i32
        %parallel_loop3A_868 = arith.addi %parallel_loop3A_753, %parallel_loop3A_867 : i32
        %parallel_loop3A_869 = arith.constant 3 : i32
        %parallel_loop3A_870 = arith.addi %parallel_loop3A_868, %parallel_loop3A_869 : i32
        %parallel_loop3A_871 = arith.constant 2 : i32
        %parallel_loop3A_872 = arith.index_cast %parallel_loop3A_871 : i32 to index
        %parallel_loop3A_873 = arith.index_cast %parallel_loop3A_870 : i32 to index
        %parallel_loop3A_874 = arith.index_cast %parallel_loop3A_755 : i32 to index
        %parallel_loop3A_875 = tpu.vector_load %arg5[%parallel_loop3A_872, %parallel_loop3A_873, %parallel_loop3A_874] {strides = array<i32>} : memref<4x128x128xf32, #tpu.memory_space<vmem>>, vector<1x1x16xf32>,
        %parallel_loop3A_876 = vector.shape_cast %parallel_loop3A_875 : vector<1x1x16xf32> to vector<16xf32>
        %parallel_loop3A_877 = arith.maximumf %parallel_loop3A_846, %parallel_loop3A_856 : vector<16xf32>
        %parallel_loop3A_878 = arith.maximumf %parallel_loop3A_866, %parallel_loop3A_876 : vector<16xf32>
        %parallel_loop3A_879 = arith.maximumf %parallel_loop3A_877, %parallel_loop3A_878 : vector<16xf32>
        %parallel_loop3A_880 = arith.maximumf %parallel_loop3A_838, %parallel_loop3A_879 : vector<16xf32>
        %parallel_loop3A_881 = arith.constant 12 : i32
        %parallel_loop3A_882 = arith.addi %parallel_loop3A_753, %parallel_loop3A_881 : i32
        %parallel_loop3A_883 = arith.constant 2 : i32
        %parallel_loop3A_884 = arith.index_cast %parallel_loop3A_883 : i32 to index
        %parallel_loop3A_885 = arith.index_cast %parallel_loop3A_882 : i32 to index
        %parallel_loop3A_886 = arith.index_cast %parallel_loop3A_755 : i32 to index
        %parallel_loop3A_887 = tpu.vector_load %arg5[%parallel_loop3A_884, %parallel_loop3A_885, %parallel_loop3A_886] {strides = array<i32>} : memref<4x128x128xf32, #tpu.memory_space<vmem>>, vector<1x1x16xf32>,
        %parallel_loop3A_888 = vector.shape_cast %parallel_loop3A_887 : vector<1x1x16xf32> to vector<16xf32>
        %parallel_loop3A_889 = arith.constant 12 : i32
        %parallel_loop3A_890 = arith.addi %parallel_loop3A_753, %parallel_loop3A_889 : i32
        %parallel_loop3A_891 = arith.constant 1 : i32
        %parallel_loop3A_892 = arith.addi %parallel_loop3A_890, %parallel_loop3A_891 : i32
        %parallel_loop3A_893 = arith.constant 2 : i32
        %parallel_loop3A_894 = arith.index_cast %parallel_loop3A_893 : i32 to index
        %parallel_loop3A_895 = arith.index_cast %parallel_loop3A_892 : i32 to index
        %parallel_loop3A_896 = arith.index_cast %parallel_loop3A_755 : i32 to index
        %parallel_loop3A_897 = tpu.vector_load %arg5[%parallel_loop3A_894, %parallel_loop3A_895, %parallel_loop3A_896] {strides = array<i32>} : memref<4x128x128xf32, #tpu.memory_space<vmem>>, vector<1x1x16xf32>,
        %parallel_loop3A_898 = vector.shape_cast %parallel_loop3A_897 : vector<1x1x16xf32> to vector<16xf32>
        %parallel_loop3A_899 = arith.constant 12 : i32
        %parallel_loop3A_900 = arith.addi %parallel_loop3A_753, %parallel_loop3A_899 : i32
        %parallel_loop3A_901 = arith.constant 2 : i32
        %parallel_loop3A_902 = arith.addi %parallel_loop3A_900, %parallel_loop3A_901 : i32
        %parallel_loop3A_903 = arith.constant 2 : i32
        %parallel_loop3A_904 = arith.index_cast %parallel_loop3A_903 : i32 to index
        %parallel_loop3A_905 = arith.index_cast %parallel_loop3A_902 : i32 to index
        %parallel_loop3A_906 = arith.index_cast %parallel_loop3A_755 : i32 to index
        %parallel_loop3A_907 = tpu.vector_load %arg5[%parallel_loop3A_904, %parallel_loop3A_905, %parallel_loop3A_906] {strides = array<i32>} : memref<4x128x128xf32, #tpu.memory_space<vmem>>, vector<1x1x16xf32>,
        %parallel_loop3A_908 = vector.shape_cast %parallel_loop3A_907 : vector<1x1x16xf32> to vector<16xf32>
        %parallel_loop3A_909 = arith.constant 12 : i32
        %parallel_loop3A_910 = arith.addi %parallel_loop3A_753, %parallel_loop3A_909 : i32
        %parallel_loop3A_911 = arith.constant 3 : i32
        %parallel_loop3A_912 = arith.addi %parallel_loop3A_910, %parallel_loop3A_911 : i32
        %parallel_loop3A_913 = arith.constant 2 : i32
        %parallel_loop3A_914 = arith.index_cast %parallel_loop3A_913 : i32 to index
        %parallel_loop3A_915 = arith.index_cast %parallel_loop3A_912 : i32 to index
        %parallel_loop3A_916 = arith.index_cast %parallel_loop3A_755 : i32 to index
        %parallel_loop3A_917 = tpu.vector_load %arg5[%parallel_loop3A_914, %parallel_loop3A_915, %parallel_loop3A_916] {strides = array<i32>} : memref<4x128x128xf32, #tpu.memory_space<vmem>>, vector<1x1x16xf32>,
        %parallel_loop3A_918 = vector.shape_cast %parallel_loop3A_917 : vector<1x1x16xf32> to vector<16xf32>
        %parallel_loop3A_919 = arith.maximumf %parallel_loop3A_888, %parallel_loop3A_898 : vector<16xf32>
        %parallel_loop3A_920 = arith.maximumf %parallel_loop3A_908, %parallel_loop3A_918 : vector<16xf32>
        %parallel_loop3A_921 = arith.maximumf %parallel_loop3A_919, %parallel_loop3A_920 : vector<16xf32>
        %parallel_loop3A_922 = arith.maximumf %parallel_loop3A_880, %parallel_loop3A_921 : vector<16xf32>
        %parallel_loop3A_923 = arith.constant 0 : i32
        %parallel_loop3A_924 = arith.index_cast %parallel_loop3A_923 : i32 to index
        %parallel_loop3A_925 = arith.index_cast %parallel_loop3A_727 : i32 to index
        %parallel_loop3A_926 = arith.index_cast %parallel_loop3A_755 : i32 to index
        %parallel_loop3A_927 = tpu.vector_load %arg6[%parallel_loop3A_924, %parallel_loop3A_925, %parallel_loop3A_926] {strides = array<i32>} : memref<2x8x128xf32, #tpu.memory_space<vmem>>, vector<1x1x16xf32>,
        %parallel_loop3A_928 = vector.shape_cast %parallel_loop3A_927 : vector<1x1x16xf32> to vector<16xf32>
        %parallel_loop3A_929 = vector.shape_cast %parallel_loop3A_922 : vector<16xf32> to vector<1x1x16xf32>
        tpu.vector_store %arg6[%parallel_loop3A_924, %parallel_loop3A_925, %parallel_loop3A_926], %parallel_loop3A_929 {strides = array<i32>} : memref<2x8x128xf32, #tpu.memory_space<vmem>>, vector<1x1x16xf32>,
      } {sc.loop_unroll_factor = 2 : i64, sc.parallel_access}
      %add3A_635 = arith.addi %min3A_4, %add3A_602 : i32
      %mul3A_636 = arith.constant 8 : i32
      %mul3A_637 = arith.muli %add3A_635, %mul3A_636 : i32
      %dma_start3A_638 = arith.constant 0 : i32
      %dma_start3A_639 = arith.constant 0 : i32
      %dma_start3A_640 = arith.constant 0 : i32
      %dma_start3A_641 = tpu.memref_slice %arg6[%dma_start3A_638, %dma_start3A_639, %dma_start3A_640] : memref<2x8x128xf32, #tpu.memory_space<vmem>> -> memref<1x8x128xf32, #tpu.memory_space<vmem>>
      %dma_start3A_642 = tpu.memref_squeeze %dma_start3A_641 : memref<1x8x128xf32, #tpu.memory_space<vmem>> -> memref<8x128xf32, #tpu.memory_space<vmem>>
      %dma_start3A_643 = arith.constant 0 : i32
      %dma_start3A_644 = tpu.memref_slice %arg4[%mul3A_637, %dma_start3A_643] : memref<25000x128xf32, #tpu.memory_space<hbm>> -> memref<8x128xf32, #tpu.memory_space<hbm>>
      %dma_start3A_645 = arith.constant 0 : i32
      %dma_start3A_646 = tpu.memref_slice %arg4[%mul3A_637, %dma_start3A_645] : memref<25000x128xf32, #tpu.memory_space<hbm>> -> memref<8x128xf32, #tpu.memory_space<hbm>>
      %dma_start3A_647 = arith.constant 0 : i32
      %dma_start3A_648 = arith.constant 0 : i32
      %dma_start3A_649 = tpu.memref_slice %arg6[%dma_start3A_638, %dma_start3A_647, %dma_start3A_648] : memref<2x8x128xf32, #tpu.memory_space<vmem>> -> memref<1x8x128xf32, #tpu.memory_space<vmem>>
      %dma_start3A_650 = tpu.memref_squeeze %dma_start3A_649 : memref<1x8x128xf32, #tpu.memory_space<vmem>> -> memref<8x128xf32, #tpu.memory_space<vmem>>
      tpu.enqueue_dma source(%dma_start3A_650 : memref<8x128xf32, #tpu.memory_space<vmem>>) target(%dma_start3A_646 : memref<8x128xf32, #tpu.memory_space<hbm>>) target_semaphore(%arg23 : memref<!tpu.dma_semaphore, #tpu.memory_space<semaphore_mem>>)
      %lt3A_651 = arith.constant 100 : i32
      %lt3A_652 = arith.cmpi slt, %add3A_616, %lt3A_651 : i32
      %convert_element_type3A_653 = arith.extui %lt3A_652 : i1 to i32
      %cond3A_654 = arith.constant 0 : i32
      %cond3A_655 = arith.cmpi ne, %convert_element_type3A_653, %cond3A_654 : i32
      scf.if %cond3A_655 {
        %dma_start3A_711 = arith.constant 0 : i32
        %dma_start3A_712 = arith.constant 2 : i32
        %dma_start3A_713 = arith.constant 0 : i32
        %dma_start3A_714 = arith.constant 0 : i32
        %dma_start3A_715 = tpu.memref_slice %arg5[%dma_start3A_712, %dma_start3A_713, %dma_start3A_714] : memref<4x128x128xf32, #tpu.memory_space<vmem>> -> memref<1x128x128xf32, #tpu.memory_space<vmem>>
        %dma_start3A_716 = tpu.memref_squeeze %dma_start3A_715 : memref<1x128x128xf32, #tpu.memory_space<vmem>> -> memref<128x128xf32, #tpu.memory_space<vmem>>
        %dma_start3A_717 = arith.constant 0 : i32
        %dma_start3A_718 = tpu.memref_slice %arg9[%dma_start3A_711, %dma_start3A_717] : memref<1x128xi32, #tpu.memory_space<vmem>> -> memref<1x128xi32, #tpu.memory_space<vmem>>
        %dma_start3A_719 = tpu.memref_squeeze %dma_start3A_718 : memref<1x128xi32, #tpu.memory_space<vmem>> -> memref<128xi32, #tpu.memory_space<vmem>>
        %dma_start3A_720 = arith.constant 0 : i32
        %dma_start3A_721 = arith.constant 0 : i32
        %dma_start3A_722 = tpu.memref_slice %arg2[%dma_start3A_720, %dma_start3A_721] : memref<50000x128xf32, #tpu.memory_space<hbm>> -> memref<50000x128xf32, #tpu.memory_space<hbm>>
        tpu.enqueue_indirect_dma source(%dma_start3A_722 : memref<50000x128xf32, #tpu.memory_space<hbm>>) target(%dma_start3A_716 : memref<128x128xf32, #tpu.memory_space<vmem>>) offsets(%dma_start3A_719 : memref<128xi32, #tpu.memory_space<vmem>>) semaphore(%arg21 : memref<!tpu.dma_semaphore, #tpu.memory_space<semaphore_mem>>)
      } else {
      }
      %add3A_656 = arith.constant 3 : i32
      %add3A_657 = arith.addi %add3A_495, %add3A_656 : i32
      %dma_wait3A_658 = arith.constant 0 : i32
      %dma_wait3A_659 = arith.constant 3 : i32
      %dma_wait3A_660 = arith.constant 0 : i32
      %dma_wait3A_661 = arith.constant 0 : i32
      %dma_wait3A_662 = tpu.memref_slice %arg5[%dma_wait3A_659, %dma_wait3A_660, %dma_wait3A_661] : memref<4x128x128xf32, #tpu.memory_space<vmem>> -> memref<1x128x128xf32, #tpu.memory_space<vmem>>
      %dma_wait3A_663 = tpu.memref_squeeze %dma_wait3A_662 : memref<1x128x128xf32, #tpu.memory_space<vmem>> -> memref<128x128xf32, #tpu.memory_space<vmem>>
      %dma_wait3A_664 = arith.constant 0 : i32
      %dma_wait3A_665 = tpu.memref_slice %arg10[%dma_wait3A_658, %dma_wait3A_664] : memref<1x128xi32, #tpu.memory_space<vmem>> -> memref<1x128xi32, #tpu.memory_space<vmem>>
      %dma_wait3A_666 = tpu.memref_squeeze %dma_wait3A_665 : memref<1x128xi32, #tpu.memory_space<vmem>> -> memref<128xi32, #tpu.memory_space<vmem>>
      %dma_wait3A_667 = arith.constant 0 : i32
      %dma_wait3A_668 = arith.constant 0 : i32
      %dma_wait3A_669 = tpu.memref_slice %arg2[%dma_wait3A_667, %dma_wait3A_668] : memref<50000x128xf32, #tpu.memory_space<hbm>> -> memref<50000x128xf32, #tpu.memory_space<hbm>>
      tpu.wait_indirect_dma semaphore(%arg22 : memref<!tpu.dma_semaphore, #tpu.memory_space<semaphore_mem>>) src(%dma_wait3A_669 : memref<50000x128xf32, #tpu.memory_space<hbm>>) dst(%dma_wait3A_663 : memref<128x128xf32, #tpu.memory_space<vmem>>)
      %add3A_670 = arith.constant 4 : i32
      %add3A_671 = arith.addi %add3A_657, %add3A_670 : i32
      %lt3A_672 = arith.constant 100 : i32
      %lt3A_673 = arith.cmpi slt, %add3A_671, %lt3A_672 : i32
      %convert_element_type3A_674 = arith.extui %lt3A_673 : i1 to i32
      %cond3A_675 = arith.constant 0 : i32
      %cond3A_676 = arith.cmpi ne, %convert_element_type3A_674, %cond3A_675 : i32
      scf.if %cond3A_676 {
        %add3A_711 = arith.addi %min3A_4, %add3A_671 : i32
        %mul3A_712 = arith.constant 8 : i32
        %mul3A_713 = arith.muli %add3A_711, %mul3A_712 : i32
        %dma_start3A_714 = arith.constant 0 : i32
        %dma_start3A_715 = tpu.memref_slice %arg3[%mul3A_713, %dma_start3A_714] : memref<25000x16xi32, #tpu.memory_space<hbm>> -> memref<8x16xi32, #tpu.memory_space<hbm>>
        %dma_start3A_716 = arith.constant 0 : i32
        %dma_start3A_717 = tpu.memref_slice %arg3[%mul3A_713, %dma_start3A_716] : memref<25000x16xi32, #tpu.memory_space<hbm>> -> memref<8x16xi32, #tpu.memory_space<hbm>>
        tpu.enqueue_dma source(%dma_start3A_717 : memref<8x16xi32, #tpu.memory_space<hbm>>) target(%arg14 : memref<8x16xi32, #tpu.memory_space<vmem>>) target_semaphore(%arg18 : memref<!tpu.dma_semaphore, #tpu.memory_space<semaphore_mem>>)
      } else {
      }
      %ge3A_677 = arith.constant 2 : i32
      %ge3A_678 = arith.cmpi sge, %add3A_657, %ge3A_677 : i32
      %convert_element_type3A_679 = arith.extui %ge3A_678 : i1 to i32
      %cond3A_680 = arith.constant 0 : i32
      %cond3A_681 = arith.cmpi ne, %convert_element_type3A_679, %cond3A_680 : i32
      scf.if %cond3A_681 {
        %dma_wait3A_711 = arith.constant 1 : i32
        %dma_wait3A_712 = arith.constant 0 : i32
        %dma_wait3A_713 = arith.constant 0 : i32
        %dma_wait3A_714 = tpu.memref_slice %arg6[%dma_wait3A_711, %dma_wait3A_712, %dma_wait3A_713] : memref<2x8x128xf32, #tpu.memory_space<vmem>> -> memref<1x8x128xf32, #tpu.memory_space<vmem>>
        %dma_wait3A_715 = tpu.memref_squeeze %dma_wait3A_714 : memref<1x8x128xf32, #tpu.memory_space<vmem>> -> memref<8x128xf32, #tpu.memory_space<vmem>>
        %dma_wait3A_716 = arith.constant 0 : i32
        %dma_wait3A_717 = arith.constant 0 : i32
        %dma_wait3A_718 = tpu.memref_slice %arg4[%dma_wait3A_716, %dma_wait3A_717] : memref<25000x128xf32, #tpu.memory_space<hbm>> -> memref<8x128xf32, #tpu.memory_space<hbm>>
        %dma_wait3A_719 = arith.constant 0 : i32
        %dma_wait3A_720 = arith.constant 0 : i32
        %dma_wait3A_721 = tpu.memref_slice %arg4[%dma_wait3A_719, %dma_wait3A_720] : memref<25000x128xf32, #tpu.memory_space<hbm>> -> memref<8x128xf32, #tpu.memory_space<hbm>>
        %dma_wait3A_722 = arith.constant 0 : i32
        %dma_wait3A_723 = arith.constant 0 : i32
        %dma_wait3A_724 = tpu.memref_slice %arg6[%dma_wait3A_711, %dma_wait3A_722, %dma_wait3A_723] : memref<2x8x128xf32, #tpu.memory_space<vmem>> -> memref<1x8x128xf32, #tpu.memory_space<vmem>>
        %dma_wait3A_725 = tpu.memref_squeeze %dma_wait3A_724 : memref<1x8x128xf32, #tpu.memory_space<vmem>> -> memref<8x128xf32, #tpu.memory_space<vmem>>
        tpu.wait_dma2 semaphore(%arg24 : memref<!tpu.dma_semaphore, #tpu.memory_space<semaphore_mem>>) src(%dma_wait3A_725 : memref<8x128xf32, #tpu.memory_space<vmem>>) dst(%dma_wait3A_721 : memref<8x128xf32, #tpu.memory_space<hbm>>)
      } else {
      }
      %lt3A_682 = arith.constant 100 : i32
      %lt3A_683 = arith.cmpi slt, %add3A_671, %lt3A_682 : i32
      %convert_element_type3A_684 = arith.extui %lt3A_683 : i1 to i32
      %cond3A_685 = arith.constant 0 : i32
      %cond3A_686 = arith.cmpi ne, %convert_element_type3A_684, %cond3A_685 : i32
      scf.if %cond3A_686 {
        %dma_wait3A_711 = arith.constant 0 : i32
        %dma_wait3A_712 = arith.constant 0 : i32
        %dma_wait3A_713 = tpu.memref_slice %arg3[%dma_wait3A_711, %dma_wait3A_712] : memref<25000x16xi32, #tpu.memory_space<hbm>> -> memref<8x16xi32, #tpu.memory_space<hbm>>
        %dma_wait3A_714 = arith.constant 0 : i32
        %dma_wait3A_715 = arith.constant 0 : i32
        %dma_wait3A_716 = tpu.memref_slice %arg3[%dma_wait3A_714, %dma_wait3A_715] : memref<25000x16xi32, #tpu.memory_space<hbm>> -> memref<8x16xi32, #tpu.memory_space<hbm>>
        tpu.wait_dma2 semaphore(%arg18 : memref<!tpu.dma_semaphore, #tpu.memory_space<semaphore_mem>>) src(%dma_wait3A_716 : memref<8x16xi32, #tpu.memory_space<hbm>>) dst(%arg14 : memref<8x16xi32, #tpu.memory_space<vmem>>)
        %get3A_717 = arith.constant 0 : i32
        %get3A_718 = arith.index_cast %get3A_717 : i32 to index
        %get3A_719 = arith.constant 0 : index
        %get3A_720 = tpu.vector_load %arg14[%get3A_718, %get3A_719] {strides = array<i32>} : memref<8x16xi32, #tpu.memory_space<vmem>>, vector<1x16xi32>,
        %get3A_721 = vector.shape_cast %get3A_720 : vector<1x16xi32> to vector<16xi32>
        %swap3A_722 = arith.constant 0 : i32
        %swap3A_723 = arith.index_cast %swap3A_722 : i32 to index
        %swap3A_724 = arith.constant 0 : index
        %swap3A_725 = tpu.vector_load %arg10[%swap3A_723, %swap3A_724] {strides = array<i32>} : memref<1x128xi32, #tpu.memory_space<vmem>>, vector<1x16xi32>,
        %swap3A_726 = vector.shape_cast %swap3A_725 : vector<1x16xi32> to vector<16xi32>
        %swap3A_727 = vector.shape_cast %get3A_721 : vector<16xi32> to vector<1x16xi32>
        tpu.vector_store %arg10[%swap3A_723, %swap3A_724], %swap3A_727 {strides = array<i32>} : memref<1x128xi32, #tpu.memory_space<vmem>>, vector<1x16xi32>,
        %get3A_728 = arith.constant 1 : i32
        %get3A_729 = arith.index_cast %get3A_728 : i32 to index
        %get3A_730 = arith.constant 0 : index
        %get3A_731 = tpu.vector_load %arg14[%get3A_729, %get3A_730] {strides = array<i32>} : memref<8x16xi32, #tpu.memory_space<vmem>>, vector<1x16xi32>,
        %get3A_732 = vector.shape_cast %get3A_731 : vector<1x16xi32> to vector<16xi32>
        %swap3A_733 = arith.constant 0 : i32
        %swap3A_734 = arith.index_cast %swap3A_733 : i32 to index
        %swap3A_735 = arith.constant 16 : index
        %swap3A_736 = tpu.vector_load %arg10[%swap3A_734, %swap3A_735] {strides = array<i32>} : memref<1x128xi32, #tpu.memory_space<vmem>>, vector<1x16xi32>,
        %swap3A_737 = vector.shape_cast %swap3A_736 : vector<1x16xi32> to vector<16xi32>
        %swap3A_738 = vector.shape_cast %get3A_732 : vector<16xi32> to vector<1x16xi32>
        tpu.vector_store %arg10[%swap3A_734, %swap3A_735], %swap3A_738 {strides = array<i32>} : memref<1x128xi32, #tpu.memory_space<vmem>>, vector<1x16xi32>,
        %get3A_739 = arith.constant 2 : i32
        %get3A_740 = arith.index_cast %get3A_739 : i32 to index
        %get3A_741 = arith.constant 0 : index
        %get3A_742 = tpu.vector_load %arg14[%get3A_740, %get3A_741] {strides = array<i32>} : memref<8x16xi32, #tpu.memory_space<vmem>>, vector<1x16xi32>,
        %get3A_743 = vector.shape_cast %get3A_742 : vector<1x16xi32> to vector<16xi32>
        %swap3A_744 = arith.constant 0 : i32
        %swap3A_745 = arith.index_cast %swap3A_744 : i32 to index
        %swap3A_746 = arith.constant 32 : index
        %swap3A_747 = tpu.vector_load %arg10[%swap3A_745, %swap3A_746] {strides = array<i32>} : memref<1x128xi32, #tpu.memory_space<vmem>>, vector<1x16xi32>,
        %swap3A_748 = vector.shape_cast %swap3A_747 : vector<1x16xi32> to vector<16xi32>
        %swap3A_749 = vector.shape_cast %get3A_743 : vector<16xi32> to vector<1x16xi32>
        tpu.vector_store %arg10[%swap3A_745, %swap3A_746], %swap3A_749 {strides = array<i32>} : memref<1x128xi32, #tpu.memory_space<vmem>>, vector<1x16xi32>,
        %get3A_750 = arith.constant 3 : i32
        %get3A_751 = arith.index_cast %get3A_750 : i32 to index
        %get3A_752 = arith.constant 0 : index
        %get3A_753 = tpu.vector_load %arg14[%get3A_751, %get3A_752] {strides = array<i32>} : memref<8x16xi32, #tpu.memory_space<vmem>>, vector<1x16xi32>,
        %get3A_754 = vector.shape_cast %get3A_753 : vector<1x16xi32> to vector<16xi32>
        %swap3A_755 = arith.constant 0 : i32
        %swap3A_756 = arith.index_cast %swap3A_755 : i32 to index
        %swap3A_757 = arith.constant 48 : index
        %swap3A_758 = tpu.vector_load %arg10[%swap3A_756, %swap3A_757] {strides = array<i32>} : memref<1x128xi32, #tpu.memory_space<vmem>>, vector<1x16xi32>,
        %swap3A_759 = vector.shape_cast %swap3A_758 : vector<1x16xi32> to vector<16xi32>
        %swap3A_760 = vector.shape_cast %get3A_754 : vector<16xi32> to vector<1x16xi32>
        tpu.vector_store %arg10[%swap3A_756, %swap3A_757], %swap3A_760 {strides = array<i32>} : memref<1x128xi32, #tpu.memory_space<vmem>>, vector<1x16xi32>,
        %get3A_761 = arith.constant 4 : i32
        %get3A_762 = arith.index_cast %get3A_761 : i32 to index
        %get3A_763 = arith.constant 0 : index
        %get3A_764 = tpu.vector_load %arg14[%get3A_762, %get3A_763] {strides = array<i32>} : memref<8x16xi32, #tpu.memory_space<vmem>>, vector<1x16xi32>,
        %get3A_765 = vector.shape_cast %get3A_764 : vector<1x16xi32> to vector<16xi32>
        %swap3A_766 = arith.constant 0 : i32
        %swap3A_767 = arith.index_cast %swap3A_766 : i32 to index
        %swap3A_768 = arith.constant 64 : index
        %swap3A_769 = tpu.vector_load %arg10[%swap3A_767, %swap3A_768] {strides = array<i32>} : memref<1x128xi32, #tpu.memory_space<vmem>>, vector<1x16xi32>,
        %swap3A_770 = vector.shape_cast %swap3A_769 : vector<1x16xi32> to vector<16xi32>
        %swap3A_771 = vector.shape_cast %get3A_765 : vector<16xi32> to vector<1x16xi32>
        tpu.vector_store %arg10[%swap3A_767, %swap3A_768], %swap3A_771 {strides = array<i32>} : memref<1x128xi32, #tpu.memory_space<vmem>>, vector<1x16xi32>,
        %get3A_772 = arith.constant 5 : i32
        %get3A_773 = arith.index_cast %get3A_772 : i32 to index
        %get3A_774 = arith.constant 0 : index
        %get3A_775 = tpu.vector_load %arg14[%get3A_773, %get3A_774] {strides = array<i32>} : memref<8x16xi32, #tpu.memory_space<vmem>>, vector<1x16xi32>,
        %get3A_776 = vector.shape_cast %get3A_775 : vector<1x16xi32> to vector<16xi32>
        %swap3A_777 = arith.constant 0 : i32
        %swap3A_778 = arith.index_cast %swap3A_777 : i32 to index
        %swap3A_779 = arith.constant 80 : index
        %swap3A_780 = tpu.vector_load %arg10[%swap3A_778, %swap3A_779] {strides = array<i32>} : memref<1x128xi32, #tpu.memory_space<vmem>>, vector<1x16xi32>,
        %swap3A_781 = vector.shape_cast %swap3A_780 : vector<1x16xi32> to vector<16xi32>
        %swap3A_782 = vector.shape_cast %get3A_776 : vector<16xi32> to vector<1x16xi32>
        tpu.vector_store %arg10[%swap3A_778, %swap3A_779], %swap3A_782 {strides = array<i32>} : memref<1x128xi32, #tpu.memory_space<vmem>>, vector<1x16xi32>,
        %get3A_783 = arith.constant 6 : i32
        %get3A_784 = arith.index_cast %get3A_783 : i32 to index
        %get3A_785 = arith.constant 0 : index
        %get3A_786 = tpu.vector_load %arg14[%get3A_784, %get3A_785] {strides = array<i32>} : memref<8x16xi32, #tpu.memory_space<vmem>>, vector<1x16xi32>,
        %get3A_787 = vector.shape_cast %get3A_786 : vector<1x16xi32> to vector<16xi32>
        %swap3A_788 = arith.constant 0 : i32
        %swap3A_789 = arith.index_cast %swap3A_788 : i32 to index
        %swap3A_790 = arith.constant 96 : index
        %swap3A_791 = tpu.vector_load %arg10[%swap3A_789, %swap3A_790] {strides = array<i32>} : memref<1x128xi32, #tpu.memory_space<vmem>>, vector<1x16xi32>,
        %swap3A_792 = vector.shape_cast %swap3A_791 : vector<1x16xi32> to vector<16xi32>
        %swap3A_793 = vector.shape_cast %get3A_787 : vector<16xi32> to vector<1x16xi32>
        tpu.vector_store %arg10[%swap3A_789, %swap3A_790], %swap3A_793 {strides = array<i32>} : memref<1x128xi32, #tpu.memory_space<vmem>>, vector<1x16xi32>,
        %get3A_794 = arith.constant 7 : i32
        %get3A_795 = arith.index_cast %get3A_794 : i32 to index
        %get3A_796 = arith.constant 0 : index
        %get3A_797 = tpu.vector_load %arg14[%get3A_795, %get3A_796] {strides = array<i32>} : memref<8x16xi32, #tpu.memory_space<vmem>>, vector<1x16xi32>,
        %get3A_798 = vector.shape_cast %get3A_797 : vector<1x16xi32> to vector<16xi32>
        %swap3A_799 = arith.constant 0 : i32
        %swap3A_800 = arith.index_cast %swap3A_799 : i32 to index
        %swap3A_801 = arith.constant 112 : index
        %swap3A_802 = tpu.vector_load %arg10[%swap3A_800, %swap3A_801] {strides = array<i32>} : memref<1x128xi32, #tpu.memory_space<vmem>>, vector<1x16xi32>,
        %swap3A_803 = vector.shape_cast %swap3A_802 : vector<1x16xi32> to vector<16xi32>
        %swap3A_804 = vector.shape_cast %get3A_798 : vector<16xi32> to vector<1x16xi32>
        tpu.vector_store %arg10[%swap3A_800, %swap3A_801], %swap3A_804 {strides = array<i32>} : memref<1x128xi32, #tpu.memory_space<vmem>>, vector<1x16xi32>,
      } else {
      }
      %parallel_loop3A_687 = arith.constant 0 : i32
      %parallel_loop3A_688 = arith.constant 64 : i32
      %parallel_loop3A_689 = arith.constant 1 : i32
      scf.for %parallel_loop3A_711 = %parallel_loop3A_687 to %parallel_loop3A_688 step %parallel_loop3A_689  : i32 {
        %parallel_loop3A_712 = arith.constant 8 : i32
        %parallel_loop3A_713 = arith.constant 0 : i32
        %parallel_loop3A_714 = arith.cmpi eq, %parallel_loop3A_712, %parallel_loop3A_713 : i32
        %parallel_loop3A_715 = arith.constant 1 : i32
        %parallel_loop3A_716 = arith.select %parallel_loop3A_714, %parallel_loop3A_715, %parallel_loop3A_712 : i32
        %parallel_loop3A_717 = arith.remsi %parallel_loop3A_711, %parallel_loop3A_716 : i32
        %parallel_loop3A_718 = arith.constant 0 : i32
        %parallel_loop3A_719 = arith.cmpi ne, %parallel_loop3A_717, %parallel_loop3A_718 : i32
        %parallel_loop3A_720 = arith.constant 0 : i32
        %parallel_loop3A_721 = arith.cmpi slt, %parallel_loop3A_717, %parallel_loop3A_720 : i32
        %parallel_loop3A_722 = arith.constant 0 : i32
        %parallel_loop3A_723 = arith.cmpi slt, %parallel_loop3A_716, %parallel_loop3A_722 : i32
        %parallel_loop3A_724 = arith.xori %parallel_loop3A_721, %parallel_loop3A_723 : i1
        %parallel_loop3A_725 = arith.andi %parallel_loop3A_724, %parallel_loop3A_719 : i1
        %parallel_loop3A_726 = arith.addi %parallel_loop3A_717, %parallel_loop3A_716 : i32
        %parallel_loop3A_727 = arith.select %parallel_loop3A_725, %parallel_loop3A_726, %parallel_loop3A_717 : i32
        %parallel_loop3A_728 = arith.constant 8 : i32
        %parallel_loop3A_729 = arith.divsi %parallel_loop3A_711, %parallel_loop3A_728 : i32
        %parallel_loop3A_730 = arith.constant 0 : i32
        %parallel_loop3A_731 = arith.cmpi sgt, %parallel_loop3A_711, %parallel_loop3A_730 : i32
        %parallel_loop3A_732 = arith.extui %parallel_loop3A_731 : i1 to i32
        %parallel_loop3A_733 = arith.constant 0 : i32
        %parallel_loop3A_734 = arith.cmpi slt, %parallel_loop3A_711, %parallel_loop3A_733 : i32
        %parallel_loop3A_735 = arith.extui %parallel_loop3A_734 : i1 to i32
        %parallel_loop3A_736 = arith.subi %parallel_loop3A_732, %parallel_loop3A_735 : i32
        %parallel_loop3A_737 = arith.constant 0 : i32
        %parallel_loop3A_738 = arith.cmpi sgt, %parallel_loop3A_728, %parallel_loop3A_737 : i32
        %parallel_loop3A_739 = arith.extui %parallel_loop3A_738 : i1 to i32
        %parallel_loop3A_740 = arith.constant 0 : i32
        %parallel_loop3A_741 = arith.cmpi slt, %parallel_loop3A_728, %parallel_loop3A_740 : i32
        %parallel_loop3A_742 = arith.extui %parallel_loop3A_741 : i1 to i32
        %parallel_loop3A_743 = arith.subi %parallel_loop3A_739, %parallel_loop3A_742 : i32
        %parallel_loop3A_744 = arith.cmpi ne, %parallel_loop3A_736, %parallel_loop3A_743 : i32
        %parallel_loop3A_745 = arith.remsi %parallel_loop3A_711, %parallel_loop3A_728 : i32
        %parallel_loop3A_746 = arith.constant 0 : i32
        %parallel_loop3A_747 = arith.cmpi ne, %parallel_loop3A_745, %parallel_loop3A_746 : i32
        %parallel_loop3A_748 = arith.andi %parallel_loop3A_744, %parallel_loop3A_747 : i1
        %parallel_loop3A_749 = arith.constant 1 : i32
        %parallel_loop3A_750 = arith.subi %parallel_loop3A_729, %parallel_loop3A_749 : i32
        %parallel_loop3A_751 = arith.select %parallel_loop3A_748, %parallel_loop3A_750, %parallel_loop3A_729 : i32
        %parallel_loop3A_752 = arith.constant 16 : i32
        %parallel_loop3A_753 = arith.muli %parallel_loop3A_727, %parallel_loop3A_752 : i32
        %parallel_loop3A_754 = arith.constant 16 : i32
        %parallel_loop3A_755 = arith.muli %parallel_loop3A_751, %parallel_loop3A_754 : i32
        %parallel_loop3A_756 = arith.constant 0 : i32
        %parallel_loop3A_757 = arith.addi %parallel_loop3A_753, %parallel_loop3A_756 : i32
        %parallel_loop3A_758 = arith.constant 3 : i32
        %parallel_loop3A_759 = arith.index_cast %parallel_loop3A_758 : i32 to index
        %parallel_loop3A_760 = arith.index_cast %parallel_loop3A_757 : i32 to index
        %parallel_loop3A_761 = arith.index_cast %parallel_loop3A_755 : i32 to index
        %parallel_loop3A_762 = tpu.vector_load %arg5[%parallel_loop3A_759, %parallel_loop3A_760, %parallel_loop3A_761] {strides = array<i32>} : memref<4x128x128xf32, #tpu.memory_space<vmem>>, vector<1x1x16xf32>,
        %parallel_loop3A_763 = vector.shape_cast %parallel_loop3A_762 : vector<1x1x16xf32> to vector<16xf32>
        %parallel_loop3A_764 = arith.constant 0 : i32
        %parallel_loop3A_765 = arith.addi %parallel_loop3A_753, %parallel_loop3A_764 : i32
        %parallel_loop3A_766 = arith.constant 1 : i32
        %parallel_loop3A_767 = arith.addi %parallel_loop3A_765, %parallel_loop3A_766 : i32
        %parallel_loop3A_768 = arith.constant 3 : i32
        %parallel_loop3A_769 = arith.index_cast %parallel_loop3A_768 : i32 to index
        %parallel_loop3A_770 = arith.index_cast %parallel_loop3A_767 : i32 to index
        %parallel_loop3A_771 = arith.index_cast %parallel_loop3A_755 : i32 to index
        %parallel_loop3A_772 = tpu.vector_load %arg5[%parallel_loop3A_769, %parallel_loop3A_770, %parallel_loop3A_771] {strides = array<i32>} : memref<4x128x128xf32, #tpu.memory_space<vmem>>, vector<1x1x16xf32>,
        %parallel_loop3A_773 = vector.shape_cast %parallel_loop3A_772 : vector<1x1x16xf32> to vector<16xf32>
        %parallel_loop3A_774 = arith.constant 0 : i32
        %parallel_loop3A_775 = arith.addi %parallel_loop3A_753, %parallel_loop3A_774 : i32
        %parallel_loop3A_776 = arith.constant 2 : i32
        %parallel_loop3A_777 = arith.addi %parallel_loop3A_775, %parallel_loop3A_776 : i32
        %parallel_loop3A_778 = arith.constant 3 : i32
        %parallel_loop3A_779 = arith.index_cast %parallel_loop3A_778 : i32 to index
        %parallel_loop3A_780 = arith.index_cast %parallel_loop3A_777 : i32 to index
        %parallel_loop3A_781 = arith.index_cast %parallel_loop3A_755 : i32 to index
        %parallel_loop3A_782 = tpu.vector_load %arg5[%parallel_loop3A_779, %parallel_loop3A_780, %parallel_loop3A_781] {strides = array<i32>} : memref<4x128x128xf32, #tpu.memory_space<vmem>>, vector<1x1x16xf32>,
        %parallel_loop3A_783 = vector.shape_cast %parallel_loop3A_782 : vector<1x1x16xf32> to vector<16xf32>
        %parallel_loop3A_784 = arith.constant 0 : i32
        %parallel_loop3A_785 = arith.addi %parallel_loop3A_753, %parallel_loop3A_784 : i32
        %parallel_loop3A_786 = arith.constant 3 : i32
        %parallel_loop3A_787 = arith.addi %parallel_loop3A_785, %parallel_loop3A_786 : i32
        %parallel_loop3A_788 = arith.constant 3 : i32
        %parallel_loop3A_789 = arith.index_cast %parallel_loop3A_788 : i32 to index
        %parallel_loop3A_790 = arith.index_cast %parallel_loop3A_787 : i32 to index
        %parallel_loop3A_791 = arith.index_cast %parallel_loop3A_755 : i32 to index
        %parallel_loop3A_792 = tpu.vector_load %arg5[%parallel_loop3A_789, %parallel_loop3A_790, %parallel_loop3A_791] {strides = array<i32>} : memref<4x128x128xf32, #tpu.memory_space<vmem>>, vector<1x1x16xf32>,
        %parallel_loop3A_793 = vector.shape_cast %parallel_loop3A_792 : vector<1x1x16xf32> to vector<16xf32>
        %parallel_loop3A_794 = arith.maximumf %parallel_loop3A_763, %parallel_loop3A_773 : vector<16xf32>
        %parallel_loop3A_795 = arith.maximumf %parallel_loop3A_783, %parallel_loop3A_793 : vector<16xf32>
        %parallel_loop3A_796 = arith.maximumf %parallel_loop3A_794, %parallel_loop3A_795 : vector<16xf32>
        %parallel_loop3A_797 = arith.constant 4 : i32
        %parallel_loop3A_798 = arith.addi %parallel_loop3A_753, %parallel_loop3A_797 : i32
        %parallel_loop3A_799 = arith.constant 3 : i32
        %parallel_loop3A_800 = arith.index_cast %parallel_loop3A_799 : i32 to index
        %parallel_loop3A_801 = arith.index_cast %parallel_loop3A_798 : i32 to index
        %parallel_loop3A_802 = arith.index_cast %parallel_loop3A_755 : i32 to index
        %parallel_loop3A_803 = tpu.vector_load %arg5[%parallel_loop3A_800, %parallel_loop3A_801, %parallel_loop3A_802] {strides = array<i32>} : memref<4x128x128xf32, #tpu.memory_space<vmem>>, vector<1x1x16xf32>,
        %parallel_loop3A_804 = vector.shape_cast %parallel_loop3A_803 : vector<1x1x16xf32> to vector<16xf32>
        %parallel_loop3A_805 = arith.constant 4 : i32
        %parallel_loop3A_806 = arith.addi %parallel_loop3A_753, %parallel_loop3A_805 : i32
        %parallel_loop3A_807 = arith.constant 1 : i32
        %parallel_loop3A_808 = arith.addi %parallel_loop3A_806, %parallel_loop3A_807 : i32
        %parallel_loop3A_809 = arith.constant 3 : i32
        %parallel_loop3A_810 = arith.index_cast %parallel_loop3A_809 : i32 to index
        %parallel_loop3A_811 = arith.index_cast %parallel_loop3A_808 : i32 to index
        %parallel_loop3A_812 = arith.index_cast %parallel_loop3A_755 : i32 to index
        %parallel_loop3A_813 = tpu.vector_load %arg5[%parallel_loop3A_810, %parallel_loop3A_811, %parallel_loop3A_812] {strides = array<i32>} : memref<4x128x128xf32, #tpu.memory_space<vmem>>, vector<1x1x16xf32>,
        %parallel_loop3A_814 = vector.shape_cast %parallel_loop3A_813 : vector<1x1x16xf32> to vector<16xf32>
        %parallel_loop3A_815 = arith.constant 4 : i32
        %parallel_loop3A_816 = arith.addi %parallel_loop3A_753, %parallel_loop3A_815 : i32
        %parallel_loop3A_817 = arith.constant 2 : i32
        %parallel_loop3A_818 = arith.addi %parallel_loop3A_816, %parallel_loop3A_817 : i32
        %parallel_loop3A_819 = arith.constant 3 : i32
        %parallel_loop3A_820 = arith.index_cast %parallel_loop3A_819 : i32 to index
        %parallel_loop3A_821 = arith.index_cast %parallel_loop3A_818 : i32 to index
        %parallel_loop3A_822 = arith.index_cast %parallel_loop3A_755 : i32 to index
        %parallel_loop3A_823 = tpu.vector_load %arg5[%parallel_loop3A_820, %parallel_loop3A_821, %parallel_loop3A_822] {strides = array<i32>} : memref<4x128x128xf32, #tpu.memory_space<vmem>>, vector<1x1x16xf32>,
        %parallel_loop3A_824 = vector.shape_cast %parallel_loop3A_823 : vector<1x1x16xf32> to vector<16xf32>
        %parallel_loop3A_825 = arith.constant 4 : i32
        %parallel_loop3A_826 = arith.addi %parallel_loop3A_753, %parallel_loop3A_825 : i32
        %parallel_loop3A_827 = arith.constant 3 : i32
        %parallel_loop3A_828 = arith.addi %parallel_loop3A_826, %parallel_loop3A_827 : i32
        %parallel_loop3A_829 = arith.constant 3 : i32
        %parallel_loop3A_830 = arith.index_cast %parallel_loop3A_829 : i32 to index
        %parallel_loop3A_831 = arith.index_cast %parallel_loop3A_828 : i32 to index
        %parallel_loop3A_832 = arith.index_cast %parallel_loop3A_755 : i32 to index
        %parallel_loop3A_833 = tpu.vector_load %arg5[%parallel_loop3A_830, %parallel_loop3A_831, %parallel_loop3A_832] {strides = array<i32>} : memref<4x128x128xf32, #tpu.memory_space<vmem>>, vector<1x1x16xf32>,
        %parallel_loop3A_834 = vector.shape_cast %parallel_loop3A_833 : vector<1x1x16xf32> to vector<16xf32>
        %parallel_loop3A_835 = arith.maximumf %parallel_loop3A_804, %parallel_loop3A_814 : vector<16xf32>
        %parallel_loop3A_836 = arith.maximumf %parallel_loop3A_824, %parallel_loop3A_834 : vector<16xf32>
        %parallel_loop3A_837 = arith.maximumf %parallel_loop3A_835, %parallel_loop3A_836 : vector<16xf32>
        %parallel_loop3A_838 = arith.maximumf %parallel_loop3A_796, %parallel_loop3A_837 : vector<16xf32>
        %parallel_loop3A_839 = arith.constant 8 : i32
        %parallel_loop3A_840 = arith.addi %parallel_loop3A_753, %parallel_loop3A_839 : i32
        %parallel_loop3A_841 = arith.constant 3 : i32
        %parallel_loop3A_842 = arith.index_cast %parallel_loop3A_841 : i32 to index
        %parallel_loop3A_843 = arith.index_cast %parallel_loop3A_840 : i32 to index
        %parallel_loop3A_844 = arith.index_cast %parallel_loop3A_755 : i32 to index
        %parallel_loop3A_845 = tpu.vector_load %arg5[%parallel_loop3A_842, %parallel_loop3A_843, %parallel_loop3A_844] {strides = array<i32>} : memref<4x128x128xf32, #tpu.memory_space<vmem>>, vector<1x1x16xf32>,
        %parallel_loop3A_846 = vector.shape_cast %parallel_loop3A_845 : vector<1x1x16xf32> to vector<16xf32>
        %parallel_loop3A_847 = arith.constant 8 : i32
        %parallel_loop3A_848 = arith.addi %parallel_loop3A_753, %parallel_loop3A_847 : i32
        %parallel_loop3A_849 = arith.constant 1 : i32
        %parallel_loop3A_850 = arith.addi %parallel_loop3A_848, %parallel_loop3A_849 : i32
        %parallel_loop3A_851 = arith.constant 3 : i32
        %parallel_loop3A_852 = arith.index_cast %parallel_loop3A_851 : i32 to index
        %parallel_loop3A_853 = arith.index_cast %parallel_loop3A_850 : i32 to index
        %parallel_loop3A_854 = arith.index_cast %parallel_loop3A_755 : i32 to index
        %parallel_loop3A_855 = tpu.vector_load %arg5[%parallel_loop3A_852, %parallel_loop3A_853, %parallel_loop3A_854] {strides = array<i32>} : memref<4x128x128xf32, #tpu.memory_space<vmem>>, vector<1x1x16xf32>,
        %parallel_loop3A_856 = vector.shape_cast %parallel_loop3A_855 : vector<1x1x16xf32> to vector<16xf32>
        %parallel_loop3A_857 = arith.constant 8 : i32
        %parallel_loop3A_858 = arith.addi %parallel_loop3A_753, %parallel_loop3A_857 : i32
        %parallel_loop3A_859 = arith.constant 2 : i32
        %parallel_loop3A_860 = arith.addi %parallel_loop3A_858, %parallel_loop3A_859 : i32
        %parallel_loop3A_861 = arith.constant 3 : i32
        %parallel_loop3A_862 = arith.index_cast %parallel_loop3A_861 : i32 to index
        %parallel_loop3A_863 = arith.index_cast %parallel_loop3A_860 : i32 to index
        %parallel_loop3A_864 = arith.index_cast %parallel_loop3A_755 : i32 to index
        %parallel_loop3A_865 = tpu.vector_load %arg5[%parallel_loop3A_862, %parallel_loop3A_863, %parallel_loop3A_864] {strides = array<i32>} : memref<4x128x128xf32, #tpu.memory_space<vmem>>, vector<1x1x16xf32>,
        %parallel_loop3A_866 = vector.shape_cast %parallel_loop3A_865 : vector<1x1x16xf32> to vector<16xf32>
        %parallel_loop3A_867 = arith.constant 8 : i32
        %parallel_loop3A_868 = arith.addi %parallel_loop3A_753, %parallel_loop3A_867 : i32
        %parallel_loop3A_869 = arith.constant 3 : i32
        %parallel_loop3A_870 = arith.addi %parallel_loop3A_868, %parallel_loop3A_869 : i32
        %parallel_loop3A_871 = arith.constant 3 : i32
        %parallel_loop3A_872 = arith.index_cast %parallel_loop3A_871 : i32 to index
        %parallel_loop3A_873 = arith.index_cast %parallel_loop3A_870 : i32 to index
        %parallel_loop3A_874 = arith.index_cast %parallel_loop3A_755 : i32 to index
        %parallel_loop3A_875 = tpu.vector_load %arg5[%parallel_loop3A_872, %parallel_loop3A_873, %parallel_loop3A_874] {strides = array<i32>} : memref<4x128x128xf32, #tpu.memory_space<vmem>>, vector<1x1x16xf32>,
        %parallel_loop3A_876 = vector.shape_cast %parallel_loop3A_875 : vector<1x1x16xf32> to vector<16xf32>
        %parallel_loop3A_877 = arith.maximumf %parallel_loop3A_846, %parallel_loop3A_856 : vector<16xf32>
        %parallel_loop3A_878 = arith.maximumf %parallel_loop3A_866, %parallel_loop3A_876 : vector<16xf32>
        %parallel_loop3A_879 = arith.maximumf %parallel_loop3A_877, %parallel_loop3A_878 : vector<16xf32>
        %parallel_loop3A_880 = arith.maximumf %parallel_loop3A_838, %parallel_loop3A_879 : vector<16xf32>
        %parallel_loop3A_881 = arith.constant 12 : i32
        %parallel_loop3A_882 = arith.addi %parallel_loop3A_753, %parallel_loop3A_881 : i32
        %parallel_loop3A_883 = arith.constant 3 : i32
        %parallel_loop3A_884 = arith.index_cast %parallel_loop3A_883 : i32 to index
        %parallel_loop3A_885 = arith.index_cast %parallel_loop3A_882 : i32 to index
        %parallel_loop3A_886 = arith.index_cast %parallel_loop3A_755 : i32 to index
        %parallel_loop3A_887 = tpu.vector_load %arg5[%parallel_loop3A_884, %parallel_loop3A_885, %parallel_loop3A_886] {strides = array<i32>} : memref<4x128x128xf32, #tpu.memory_space<vmem>>, vector<1x1x16xf32>,
        %parallel_loop3A_888 = vector.shape_cast %parallel_loop3A_887 : vector<1x1x16xf32> to vector<16xf32>
        %parallel_loop3A_889 = arith.constant 12 : i32
        %parallel_loop3A_890 = arith.addi %parallel_loop3A_753, %parallel_loop3A_889 : i32
        %parallel_loop3A_891 = arith.constant 1 : i32
        %parallel_loop3A_892 = arith.addi %parallel_loop3A_890, %parallel_loop3A_891 : i32
        %parallel_loop3A_893 = arith.constant 3 : i32
        %parallel_loop3A_894 = arith.index_cast %parallel_loop3A_893 : i32 to index
        %parallel_loop3A_895 = arith.index_cast %parallel_loop3A_892 : i32 to index
        %parallel_loop3A_896 = arith.index_cast %parallel_loop3A_755 : i32 to index
        %parallel_loop3A_897 = tpu.vector_load %arg5[%parallel_loop3A_894, %parallel_loop3A_895, %parallel_loop3A_896] {strides = array<i32>} : memref<4x128x128xf32, #tpu.memory_space<vmem>>, vector<1x1x16xf32>,
        %parallel_loop3A_898 = vector.shape_cast %parallel_loop3A_897 : vector<1x1x16xf32> to vector<16xf32>
        %parallel_loop3A_899 = arith.constant 12 : i32
        %parallel_loop3A_900 = arith.addi %parallel_loop3A_753, %parallel_loop3A_899 : i32
        %parallel_loop3A_901 = arith.constant 2 : i32
        %parallel_loop3A_902 = arith.addi %parallel_loop3A_900, %parallel_loop3A_901 : i32
        %parallel_loop3A_903 = arith.constant 3 : i32
        %parallel_loop3A_904 = arith.index_cast %parallel_loop3A_903 : i32 to index
        %parallel_loop3A_905 = arith.index_cast %parallel_loop3A_902 : i32 to index
        %parallel_loop3A_906 = arith.index_cast %parallel_loop3A_755 : i32 to index
        %parallel_loop3A_907 = tpu.vector_load %arg5[%parallel_loop3A_904, %parallel_loop3A_905, %parallel_loop3A_906] {strides = array<i32>} : memref<4x128x128xf32, #tpu.memory_space<vmem>>, vector<1x1x16xf32>,
        %parallel_loop3A_908 = vector.shape_cast %parallel_loop3A_907 : vector<1x1x16xf32> to vector<16xf32>
        %parallel_loop3A_909 = arith.constant 12 : i32
        %parallel_loop3A_910 = arith.addi %parallel_loop3A_753, %parallel_loop3A_909 : i32
        %parallel_loop3A_911 = arith.constant 3 : i32
        %parallel_loop3A_912 = arith.addi %parallel_loop3A_910, %parallel_loop3A_911 : i32
        %parallel_loop3A_913 = arith.constant 3 : i32
        %parallel_loop3A_914 = arith.index_cast %parallel_loop3A_913 : i32 to index
        %parallel_loop3A_915 = arith.index_cast %parallel_loop3A_912 : i32 to index
        %parallel_loop3A_916 = arith.index_cast %parallel_loop3A_755 : i32 to index
        %parallel_loop3A_917 = tpu.vector_load %arg5[%parallel_loop3A_914, %parallel_loop3A_915, %parallel_loop3A_916] {strides = array<i32>} : memref<4x128x128xf32, #tpu.memory_space<vmem>>, vector<1x1x16xf32>,
        %parallel_loop3A_918 = vector.shape_cast %parallel_loop3A_917 : vector<1x1x16xf32> to vector<16xf32>
        %parallel_loop3A_919 = arith.maximumf %parallel_loop3A_888, %parallel_loop3A_898 : vector<16xf32>
        %parallel_loop3A_920 = arith.maximumf %parallel_loop3A_908, %parallel_loop3A_918 : vector<16xf32>
        %parallel_loop3A_921 = arith.maximumf %parallel_loop3A_919, %parallel_loop3A_920 : vector<16xf32>
        %parallel_loop3A_922 = arith.maximumf %parallel_loop3A_880, %parallel_loop3A_921 : vector<16xf32>
        %parallel_loop3A_923 = arith.constant 1 : i32
        %parallel_loop3A_924 = arith.index_cast %parallel_loop3A_923 : i32 to index
        %parallel_loop3A_925 = arith.index_cast %parallel_loop3A_727 : i32 to index
        %parallel_loop3A_926 = arith.index_cast %parallel_loop3A_755 : i32 to index
        %parallel_loop3A_927 = tpu.vector_load %arg6[%parallel_loop3A_924, %parallel_loop3A_925, %parallel_loop3A_926] {strides = array<i32>} : memref<2x8x128xf32, #tpu.memory_space<vmem>>, vector<1x1x16xf32>,
        %parallel_loop3A_928 = vector.shape_cast %parallel_loop3A_927 : vector<1x1x16xf32> to vector<16xf32>
        %parallel_loop3A_929 = vector.shape_cast %parallel_loop3A_922 : vector<16xf32> to vector<1x1x16xf32>
        tpu.vector_store %arg6[%parallel_loop3A_924, %parallel_loop3A_925, %parallel_loop3A_926], %parallel_loop3A_929 {strides = array<i32>} : memref<2x8x128xf32, #tpu.memory_space<vmem>>, vector<1x1x16xf32>,
      } {sc.loop_unroll_factor = 2 : i64, sc.parallel_access}
      %add3A_690 = arith.addi %min3A_4, %add3A_657 : i32
      %mul3A_691 = arith.constant 8 : i32
      %mul3A_692 = arith.muli %add3A_690, %mul3A_691 : i32
      %dma_start3A_693 = arith.constant 1 : i32
      %dma_start3A_694 = arith.constant 0 : i32
      %dma_start3A_695 = arith.constant 0 : i32
      %dma_start3A_696 = tpu.memref_slice %arg6[%dma_start3A_693, %dma_start3A_694, %dma_start3A_695] : memref<2x8x128xf32, #tpu.memory_space<vmem>> -> memref<1x8x128xf32, #tpu.memory_space<vmem>>
      %dma_start3A_697 = tpu.memref_squeeze %dma_start3A_696 : memref<1x8x128xf32, #tpu.memory_space<vmem>> -> memref<8x128xf32, #tpu.memory_space<vmem>>
      %dma_start3A_698 = arith.constant 0 : i32
      %dma_start3A_699 = tpu.memref_slice %arg4[%mul3A_692, %dma_start3A_698] : memref<25000x128xf32, #tpu.memory_space<hbm>> -> memref<8x128xf32, #tpu.memory_space<hbm>>
      %dma_start3A_700 = arith.constant 0 : i32
      %dma_start3A_701 = tpu.memref_slice %arg4[%mul3A_692, %dma_start3A_700] : memref<25000x128xf32, #tpu.memory_space<hbm>> -> memref<8x128xf32, #tpu.memory_space<hbm>>
      %dma_start3A_702 = arith.constant 0 : i32
      %dma_start3A_703 = arith.constant 0 : i32
      %dma_start3A_704 = tpu.memref_slice %arg6[%dma_start3A_693, %dma_start3A_702, %dma_start3A_703] : memref<2x8x128xf32, #tpu.memory_space<vmem>> -> memref<1x8x128xf32, #tpu.memory_space<vmem>>
      %dma_start3A_705 = tpu.memref_squeeze %dma_start3A_704 : memref<1x8x128xf32, #tpu.memory_space<vmem>> -> memref<8x128xf32, #tpu.memory_space<vmem>>
      tpu.enqueue_dma source(%dma_start3A_705 : memref<8x128xf32, #tpu.memory_space<vmem>>) target(%dma_start3A_701 : memref<8x128xf32, #tpu.memory_space<hbm>>) target_semaphore(%arg24 : memref<!tpu.dma_semaphore, #tpu.memory_space<semaphore_mem>>)
      %lt3A_706 = arith.constant 100 : i32
      %lt3A_707 = arith.cmpi slt, %add3A_671, %lt3A_706 : i32
      %convert_element_type3A_708 = arith.extui %lt3A_707 : i1 to i32
      %cond3A_709 = arith.constant 0 : i32
      %cond3A_710 = arith.cmpi ne, %convert_element_type3A_708, %cond3A_709 : i32
      scf.if %cond3A_710 {
        %dma_start3A_711 = arith.constant 0 : i32
        %dma_start3A_712 = arith.constant 3 : i32
        %dma_start3A_713 = arith.constant 0 : i32
        %dma_start3A_714 = arith.constant 0 : i32
        %dma_start3A_715 = tpu.memref_slice %arg5[%dma_start3A_712, %dma_start3A_713, %dma_start3A_714] : memref<4x128x128xf32, #tpu.memory_space<vmem>> -> memref<1x128x128xf32, #tpu.memory_space<vmem>>
        %dma_start3A_716 = tpu.memref_squeeze %dma_start3A_715 : memref<1x128x128xf32, #tpu.memory_space<vmem>> -> memref<128x128xf32, #tpu.memory_space<vmem>>
        %dma_start3A_717 = arith.constant 0 : i32
        %dma_start3A_718 = tpu.memref_slice %arg10[%dma_start3A_711, %dma_start3A_717] : memref<1x128xi32, #tpu.memory_space<vmem>> -> memref<1x128xi32, #tpu.memory_space<vmem>>
        %dma_start3A_719 = tpu.memref_squeeze %dma_start3A_718 : memref<1x128xi32, #tpu.memory_space<vmem>> -> memref<128xi32, #tpu.memory_space<vmem>>
        %dma_start3A_720 = arith.constant 0 : i32
        %dma_start3A_721 = arith.constant 0 : i32
        %dma_start3A_722 = tpu.memref_slice %arg2[%dma_start3A_720, %dma_start3A_721] : memref<50000x128xf32, #tpu.memory_space<hbm>> -> memref<50000x128xf32, #tpu.memory_space<hbm>>
        tpu.enqueue_indirect_dma source(%dma_start3A_722 : memref<50000x128xf32, #tpu.memory_space<hbm>>) target(%dma_start3A_716 : memref<128x128xf32, #tpu.memory_space<vmem>>) offsets(%dma_start3A_719 : memref<128xi32, #tpu.memory_space<vmem>>) semaphore(%arg22 : memref<!tpu.dma_semaphore, #tpu.memory_space<semaphore_mem>>)
      } else {
      }
    }
    %scan3A_460 = arith.constant 25 : i32
    %dma_wait3A_461 = arith.constant 0 : i32
    %dma_wait3A_462 = arith.constant 0 : i32
    %dma_wait3A_463 = arith.constant 0 : i32
    %dma_wait3A_464 = tpu.memref_slice %arg6[%dma_wait3A_461, %dma_wait3A_462, %dma_wait3A_463] : memref<2x8x128xf32, #tpu.memory_space<vmem>> -> memref<1x8x128xf32, #tpu.memory_space<vmem>>
    %dma_wait3A_465 = tpu.memref_squeeze %dma_wait3A_464 : memref<1x8x128xf32, #tpu.memory_space<vmem>> -> memref<8x128xf32, #tpu.memory_space<vmem>>
    %dma_wait3A_466 = arith.constant 0 : i32
    %dma_wait3A_467 = arith.constant 0 : i32
    %dma_wait3A_468 = tpu.memref_slice %arg4[%dma_wait3A_466, %dma_wait3A_467] : memref<25000x128xf32, #tpu.memory_space<hbm>> -> memref<8x128xf32, #tpu.memory_space<hbm>>
    %dma_wait3A_469 = arith.constant 0 : i32
    %dma_wait3A_470 = arith.constant 0 : i32
    %dma_wait3A_471 = tpu.memref_slice %arg4[%dma_wait3A_469, %dma_wait3A_470] : memref<25000x128xf32, #tpu.memory_space<hbm>> -> memref<8x128xf32, #tpu.memory_space<hbm>>
    %dma_wait3A_472 = arith.constant 0 : i32
    %dma_wait3A_473 = arith.constant 0 : i32
    %dma_wait3A_474 = tpu.memref_slice %arg6[%dma_wait3A_461, %dma_wait3A_472, %dma_wait3A_473] : memref<2x8x128xf32, #tpu.memory_space<vmem>> -> memref<1x8x128xf32, #tpu.memory_space<vmem>>
    %dma_wait3A_475 = tpu.memref_squeeze %dma_wait3A_474 : memref<1x8x128xf32, #tpu.memory_space<vmem>> -> memref<8x128xf32, #tpu.memory_space<vmem>>
    tpu.wait_dma2 semaphore(%arg23 : memref<!tpu.dma_semaphore, #tpu.memory_space<semaphore_mem>>) src(%dma_wait3A_475 : memref<8x128xf32, #tpu.memory_space<vmem>>) dst(%dma_wait3A_471 : memref<8x128xf32, #tpu.memory_space<hbm>>)
    %dma_wait3A_476 = arith.constant 1 : i32
    %dma_wait3A_477 = arith.constant 0 : i32
    %dma_wait3A_478 = arith.constant 0 : i32
    %dma_wait3A_479 = tpu.memref_slice %arg6[%dma_wait3A_476, %dma_wait3A_477, %dma_wait3A_478] : memref<2x8x128xf32, #tpu.memory_space<vmem>> -> memref<1x8x128xf32, #tpu.memory_space<vmem>>
    %dma_wait3A_480 = tpu.memref_squeeze %dma_wait3A_479 : memref<1x8x128xf32, #tpu.memory_space<vmem>> -> memref<8x128xf32, #tpu.memory_space<vmem>>
    %dma_wait3A_481 = arith.constant 0 : i32
    %dma_wait3A_482 = arith.constant 0 : i32
    %dma_wait3A_483 = tpu.memref_slice %arg4[%dma_wait3A_481, %dma_wait3A_482] : memref<25000x128xf32, #tpu.memory_space<hbm>> -> memref<8x128xf32, #tpu.memory_space<hbm>>
    %dma_wait3A_484 = arith.constant 0 : i32
    %dma_wait3A_485 = arith.constant 0 : i32
    %dma_wait3A_486 = tpu.memref_slice %arg4[%dma_wait3A_484, %dma_wait3A_485] : memref<25000x128xf32, #tpu.memory_space<hbm>> -> memref<8x128xf32, #tpu.memory_space<hbm>>
    %dma_wait3A_487 = arith.constant 0 : i32
    %dma_wait3A_488 = arith.constant 0 : i32
    %dma_wait3A_489 = tpu.memref_slice %arg6[%dma_wait3A_476, %dma_wait3A_487, %dma_wait3A_488] : memref<2x8x128xf32, #tpu.memory_space<vmem>> -> memref<1x8x128xf32, #tpu.memory_space<vmem>>
    %dma_wait3A_490 = tpu.memref_squeeze %dma_wait3A_489 : memref<1x8x128xf32, #tpu.memory_space<vmem>> -> memref<8x128xf32, #tpu.memory_space<vmem>>
    tpu.wait_dma2 semaphore(%arg24 : memref<!tpu.dma_semaphore, #tpu.memory_space<semaphore_mem>>) src(%dma_wait3A_490 : memref<8x128xf32, #tpu.memory_space<vmem>>) dst(%dma_wait3A_486 : memref<8x128xf32, #tpu.memory_space<hbm>>)
    return
  }
}

</mosaic_0001>

<sc_bundles>
// kernel: kernel.3.cloned.1.call-start
scs
__scs_entry_jumppad:
0x0: {  	(pc) =	sbr.rel $0x88, $3  }
0x1: {  	(tag) =	ssettag $0x0;
	lr =	simm.s32 $0x1  }
0x2: {  	[smem:$0x3F9F] =	sst lr;
	_ =	strace $0xD0000000  }
0x3: {  	_ = 	snop  }
0x4: {  	_ = 	snop  }
0x5: {  	_ = 	snop  }
0x6: {  	_ = 	snop  }
0x7: {  	_ = 	snop  }
__scs_overlays_trampoline_lowered:
0x8: {  	[smem:$0x3FAE] =	sst s0  }
0x9: {  	[smem:$0x3FAF] =	sst s1  }
0xa: {  	[smem:$0x3FB0] =	sst s2  }
0xb: {  	[smem:$0x3FB1] =	sst s3  }
0xc: {  	[smem:$0x3FB2] =	sst s4  }
0xd: {  	[smem:$0x3FB3] =	sst s5  }
0xe: {  	[smem:$0x3FB4] =	sst s6  }
0xf: {  	[smem:$0x3FB5] =	sst s7  }
0x10: {  	[smem:$0x3FB6] =	sst s8  }
0x11: {  	[smem:$0x3FB7] =	sst s9;
	s0 =	simm.s32 @!p0 $0x0  }
0x12: {  	s1 =	sld [smem:$0x3F9D];
	s0 =	simm.s32 @p0 $0x1  }
0x13: {  	[smem:$0x3FB8] =	sst s0;
	s0 =	simm.s32 @!p1 $0x0  }
0x14: {  	s2 =	sld [smem:$0x3F9C];
	s0 =	simm.s32 @p1 $0x1  }
0x15: {  	[smem:$0x3FB9] =	sst s0;
	s0 =	simm.s32 @!p2 $0x0  }
0x16: {  	s3 =	sld [smem:$0x3FDB];
	s0 =	simm.s32 @p2 $0x1  }
0x17: {  	s4 =	simm.s32 $0x1BF5;
	[smem:$0x3FBB] =	sst s0  }
0x18: {  	s0 =	sld [smem:$0x3F9E];
	_ =	swait.ge [sflag:s4], $0x0  }
0x19: {  	s7 =	sld [smem:$0x3F9F]  }
0x1a: {  	s8 =	sadd.s32 $0xFFFFE003, lr  }
0x1b: {  	s9 =	sadd.s32 $0xFFFFFEF7, lr;
	s5 =	simm.s32 $0xFFFFFFFF;
	p2 =	slt.u32 s8, $0xFFFFF086  }
0x1c: {  	p1 =	slt.u32 s9, $0xF7A;
	s5 =	simm.s32 @!p2 $0x0  }
0x1d: {  	s5 =	simm.s32 @p1 $0x1;
	p0 =	seq.s32 s7, s2  }
0x1e: {  	s7 =	smul.u32 @!p0 $0xF7A, s2;
	p2 =	seq.s32 @!p0 s5, $0x0  }
0x1f: {  	s9 =	smul.u32 $0xF7A, s1;
	s8 =	simm.s32 @!p0 $0x1BF5;
	p2 =	por !p2, p0  }
0x20: {  	[sflag:s8] =	ssyncset.s32 @!p0 $0xFFFFF086;
	s6 =	sadd.s32 @!p0 s3, s7;
	s7 =	simm.s32 @!p0 $0x108  }
0x21: {  	s3 =	sadd.s32 s3, s9;
	s6 =	sadd.s32 @!p0 $0x88, s6;
	s7 =	simm.s32 @p2 $0x1082  }
0x22: {  	[simem:s7], [sflag:s8] =	dma.local @!p0 [hbm:s6], $0xF7A  }
0x23: {  	s9 =	sor.u32 $0xD0000000, s2;
	s6 =	simm.s32 $0x108;
	_ =	swait.ge @!p0 [sflag:s8], $0x0  }
0x24: {  	s3 =	sadd.s32 $0x88, s3;
	s6 =	simm.s32 @!p1 $0x1082;
	[sflag:s4] =	ssyncset.s32 $0xFFFFF086  }
0x25: {  	[simem:s6], [sflag:s4] =	dma.local [hbm:s3], $0xF7A  }
0x26: {  	[smem:$0x3F9F] =	sst s1;
	(tag) =	ssettag s2;
	_ =	strace s9  }
0x27: {  	s1 =	sld [smem:$0x3FAF]  }
0x28: {  	s2 =	sld [smem:$0x3FB0]  }
0x29: {  	s4 =	sld [smem:$0x3FB2]  }
0x2a: {  	p0 =	seq.s32 s5, $0x0;
	s5 =	sld [smem:$0x3FB3]  }
0x2b: {  	s6 =	sld [smem:$0x3FB4]  }
0x2c: {  	s7 =	sld [smem:$0x3FB5]  }
0x2d: {  	s3 =	simm.s32 $0x108;
	s8 =	sld [smem:$0x3FB6]  }
0x2e: {  	s3 =	simm.s32 @!p0 $0x1082;
	s9 =	sld [smem:$0x3FB7]  }
0x2f: {  	lr =	sadd.s32 s0, s3;
	s0 =	sld [smem:$0x3FAE]  }
0x30: {  	s3 =	sld [smem:$0x3FB1]  }
0x31: {  	[smem:$0x3FBA] =	sst s10  }
0x32: {  	s10 =	sld [smem:$0x3FB8];
	_ =	sdelay $0x3  }
0x33: {  	p0 =	seq.s32 s10, $0x1;
	s10 =	sld [smem:$0x3FBA];
	_ =	sdelay $0x3  }
0x34: {  	[smem:$0x3FBA] =	sst s10  }
0x35: {  	s10 =	sld [smem:$0x3FB9];
	_ =	sdelay $0x3  }
0x36: {  	p1 =	seq.s32 s10, $0x1;
	s10 =	sld [smem:$0x3FBA];
	_ =	sdelay $0x3  }
0x37: {  	[smem:$0x3FBA] =	sst s10  }
0x38: {  	s10 =	sld [smem:$0x3FBB]  }
0x39: {  	_ = 	snop;
	(pc) =	sbr.ind lr, $3  }
0x3a: {  	_ = 	snop  }
0x3b: {  	_ = 	snop  }
0x3c: {  	p2 =	seq.s32 s10, $0x1;
	s10 =	sld [smem:$0x3FBA]  }
0x3d: {  	_ =	shalt  }
0x3e: {  	_ =	shalt  }
0x3f: {  	_ =	shalt  }
0x40: {  	_ =	shalt  }
0x41: {  	_ =	shalt  }
0x42: {  	_ =	shalt  }
0x43: {  	_ =	shalt  }
0x44: {  	_ =	shalt  }
0x45: {  	_ =	shalt  }
0x46: {  	_ =	shalt  }
0x47: {  	_ =	shalt  }
0x48: {  	_ =	shalt  }
0x49: {  	_ =	shalt  }
0x4a: {  	_ =	shalt  }
0x4b: {  	_ =	shalt  }
0x4c: {  	_ =	shalt  }
0x4d: {  	_ =	shalt  }
0x4e: {  	_ =	shalt  }
0x4f: {  	_ =	shalt  }
0x50: {  	_ =	shalt  }
0x51: {  	_ =	shalt  }
0x52: {  	_ =	shalt  }
0x53: {  	_ =	shalt  }
0x54: {  	_ =	shalt  }
0x55: {  	_ =	shalt  }
0x56: {  	_ =	shalt  }
0x57: {  	_ =	shalt  }
0x58: {  	_ =	shalt  }
0x59: {  	_ =	shalt  }
0x5a: {  	_ =	shalt  }
0x5b: {  	_ =	shalt  }
0x5c: {  	_ =	shalt  }
0x5d: {  	_ =	shalt  }
0x5e: {  	_ =	shalt  }
0x5f: {  	_ =	shalt  }
0x60: {  	_ =	shalt  }
0x61: {  	_ =	shalt  }
0x62: {  	_ =	shalt  }
0x63: {  	_ =	shalt  }
0x64: {  	_ =	shalt  }
0x65: {  	_ =	shalt  }
0x66: {  	_ =	shalt  }
0x67: {  	_ =	shalt  }
0x68: {  	_ =	shalt  }
0x69: {  	_ =	shalt  }
0x6a: {  	_ =	shalt  }
0x6b: {  	_ =	shalt  }
0x6c: {  	_ =	shalt  }
0x6d: {  	_ =	shalt  }
0x6e: {  	_ =	shalt  }
0x6f: {  	_ =	shalt  }
0x70: {  	_ =	shalt  }
0x71: {  	_ =	shalt  }
0x72: {  	_ =	shalt  }
0x73: {  	_ =	shalt  }
0x74: {  	_ =	shalt  }
0x75: {  	_ =	shalt  }
0x76: {  	_ =	shalt  }
0x77: {  	_ =	shalt  }
0x78: {  	_ =	shalt  }
0x79: {  	_ =	shalt  }
0x7a: {  	_ =	shalt  }
0x7b: {  	_ =	shalt  }
0x7c: {  	_ =	shalt  }
0x7d: {  	_ =	shalt  }
0x7e: {  	_ =	shalt  }
0x7f: {  	_ =	shalt  }
0x80: {  	_ =	shalt  }
0x81: {  	_ =	shalt  }
0x82: {  	_ =	shalt  }
0x83: {  	_ =	shalt  }
0x84: {  	_ =	shalt  }
0x85: {  	_ =	shalt  }
0x86: {  	_ =	shalt  }
0x87: {  	_ =	shalt  }
.Lfunc_end0:
.L_simem_size_0:
called_computation_lowered:
.L_overlay_start_0:
0x88: {  	s2 =	sld [smem:$0x3FD9]  }
0x89: {  	s3 =	sld [smem:$0x3FFE];
	_ =	sdelay $0x1  }
0x8a: {  	s1 =	srdreg.scid  }
0x8b: {  	s0 =	sand.u32 $0x1, s1  }
0x8c: {  	s17 =	sshll.u32 s0, $0xA;
	s2 =	sadd.s32 s3, s2  }
0x8d: {  	s2 =	sadd.s32 s2, s17  }
0x8e: {  	[smem:$0x3FC6] =	sst s2  }
0x8f: {  	_ = 	snop  }
0x90: {  	s2 =	sld [smem:$0x3FC9]  }
0x91: {  	s18 =	sld [smem:$0x3FD0];
	(tm) =	ssettm $0x1  }
0x92: {  	s4 =	sld [smem:$0x3FFB];
	_ =	sdelay $0x3  }
0x93: {  	_ =	strace s4  }
0x94: {  	s4 =	sld [smem:$0x3FFC];
	_ =	sdelay $0x3  }
0x95: {  	_ =	strace s4  }
0x96: {  	s4 =	sld [smem:$0x3FFD];
	_ =	sdelay $0x3  }
0x97: {  	_ =	strace s4  }
0x98: {  	_ =	strace $0x8FFFFFFF  }
0x99: {  	s19 =	sld [smem:$0x3FDB];
	_ =	sdelay $0x1  }
0x9a: {  	s5 =	simm.s32 $_scs_section_size  }
0x9b: {  	s6 =	simm.s32 $_size__tile_overlayer_lowered;
	s7 =	simm.s32 $_tile_overlayer_lowered  }
0x9c: {  	s22 =	simm.s32 $0x1BFF;
	s21 =	sshll.u32 s7, $0x1;
	s4 =	sadd.s32 s5, s19  }
0x9d: {  	s8 =	simm.s32 $0x0;
	s20 =	sshll.u32 s6, $0x1;
	s6 =	sadd.s32 s21, s4  }
0x9e: {  	[timem:s8], [sflag:s22] =	dma.local [hbm:s6], s20  }
0x9f: {  	_ =	swait.ge [sflag:s22], s20  }
0xa0: {  	s5 =	ssub.s32 $0x0, s20;
	[sflag:s22] =	ssyncset.done $0x0  }
0xa1: {  	[sflag:s22] =	ssyncadd.s32 s5;
	_ =	sdelay $0x1  }
0xa2: {  	s23 =	simm.s32 $0x1B8B  }
0xa3: {  	_ =	swait.ge [sflag:s23], $0x1  }
0xa4: {  	[sflag:s23] =	ssyncset.done $0x0  }
0xa5: {  	s25 =	simm.s32 $0x1B8E;
	s24 =	sld [smem:$0x3FFE];
	[sflag:s23] =	ssyncadd.s32 $0xFFFFFFFF  }
0xa6: {  	s26 =	simm.s32 $execute0_lowered;
	[smem:$0x3FD2] =	sst s25  }
0xa7: {  	s6 =	sshll.u32 s26, $0x1;
	_ =	strace $0x80000046;
	[dreg:$0x1] =	wrdreg $0xFFFFFFFF  }
0xa8: {  	s28 =	simm.s32 $_size_execute0_lowered;
	s4 =	sadd.s32 s4, s6;
	[dreg:$0x0] =	wrdreg $0x0  }
0xa9: {  	s6 =	sshll.u32 s28, $0x1;
	[dreg:$0x2] =	wrdreg s4  }
0xaa: {  	[dreg:$0x3] =	wrdreg s6  }
0xab: {  	[dreg:$0x4] =	wrdreg $0xC0  }
0xac: {  	_ =	task [dreg:s8], $0x5FFFF  }
0xad: {  	[dreg:$0x1] =	wrdreg $0xFFFFFFFF  }
0xae: {  	[dreg:$0x0] =	wrdreg $0x60  }
0xaf: {  	[dreg:$0x2] =	wrdreg s2  }
0xb0: {  	[dreg:$0x3] =	wrdreg s24  }
0xb1: {  	[dreg:$0x4] =	wrdreg s18  }
0xb2: {  	[dreg:$0x5] =	wrdreg $0x9  }
0xb3: {  	_ =	task.clear_ibuf [dreg:s8], $0x6FFFF;
	_ =	strace $0x90000046  }
0xb4: {  	s29 =	simm.s32 $0x9;
	_ =	strace $0x80000048  }
0xb5: {  	_ =	swait.ge [sflag:s29], $0x1  }
0xb6: {  	[sflag:s29] =	ssyncadd.s32 $0xFFFFFFFF  }
0xb7: {  	_ =	strace $0x90000048  }
0xb8: {  	_ =	sfence  }
0xb9: {  	s30 =	sld [smem:$0x0];
	_ =	sdelay $0x2  }
0xba: {  	s31 =	sshll.u32 s1, $0xD;
	s1 =	sshrl.u32 s1, $0x2  }
0xbb: {  	s3 =	sand.u32 $0x4000, s31;
	s1 =	sadd.s32 s1, s30  }
0xbc: {  	s0 =	sor.u32 s3, s0;
	s1 =	sshll.u32 s1, $0x11  }
0xbd: {  	s0 =	sor.u32 s1, s0  }
0xbe: {  	s0 =	sadd.s32 $0x8F2B, s0  }
0xbf: {  	[sflag:s0] =	ssyncadd.remote.s32 $0x1  }
0xc0: {  	_ =	sfence.sel $0xFFFF  }
0xc1: {  	[dreg:$0x0] =	wrdreg $0xFFFFFFFF;
	(pc) =	sbr.abs _section_cstart, $3  }
0xc2: {  	[dreg:$0x1] =	wrdreg $0xFFFFFFFF  }
0xc3: {  	_ =	task.clear_ibuf [dreg:s8], $0x2FFFF;
	_ =	strace $0x9FFFFFFF  }
0xc4: {  	(tm) =	ssettm $0x7FFFFFFF  }
0xc5: {  	_ =	shalt  }
tec
execute0_lowered:
.L_overlay_start_1:
0x0: {  	(tag) =	ssettag $0x1  }
0x1: {  	s2 =	rddreg [dreg:$0x0]  }
0x2: {  	s0 =	srdreg.scid;
	s6 =	rddreg [dreg:$0x1]  }
0x3: {  	s1 =	stileid.u32;
	s3 =	rddreg [dreg:$0x2];
	s4 =	simm.s32 $0x0  }
0x4: {  	s24 =	simm.s32 $0x80;
	s19 =	simm.s32 $0x10980;
	s20 =	simm.s32 $0xC000  }
0x5: {  	s21 =	simm.s32 $0x5;
	s0 =	sand.u32 $0x1, s0;
	s1 =	sshll.u32 s1, $0x1  }
0x6: {  	s22 =	simm.s32 $0x10000;
	s25 =	simm.s32 $0x10400;
	s1 =	sor.u32 s0, s1  }
0x7: {  	s29 =	simm.s32 $0xA;
	s0 =	ssub.s32 $0x2, s0;
	s1 =	smul.u32 $0x186A, s1  }
0x8: {  	s31 =	simm.s32 $0x0;
	[smem:$0x7FF] =	sst s4;
	s26 =	sshrl.u32 s0, $0x1  }
0x9: {  	s6 =	sadd.s32 $0x400, s6;
	s0 =	ssub.s32 s0, s26;
	s1 =	sshrl.u32 s1, $0x6  }
0xa: {  	_ =	strace $0x80000047;
	s0 =	smax.u32 s0, $0x1;
	s5 =	smin.u32 s1, $0xBD1  }
0xb: {  	[dreg:$0x8] =	wrdreg s0;
	s7 =	sshll.u32 s5, $0x7;
	s11 =	sadd.s32 $0x4, s5  }
.Ltmp0:
0xc: {  	s12 =	sadd.s32 $0x5, s5;
	s28 =	sadd.s32 s6, s7;
	(pc) =	sbr.rel .LBB2_1-.Ltmp0, $4  }
0xd: {  	s13 =	sadd.s32 $0x1, s5;
	s7 =	sadd.s32 $0x80, s28;
	[dreg:$0x4] =	wrdreg s28  }
0xe: {  	s14 =	sadd.s32 $0x6, s5;
	s30 =	sadd.s32 $0x100, s28;
	[dreg:$0x5] =	wrdreg s7  }
0xf: {  	s15 =	sadd.s32 $0x2, s5;
	s1 =	sadd.s32 $0x180, s28;
	[dreg:$0x6] =	wrdreg s30  }
0x10: {  	s16 =	sadd.s32 $0x7, s5;
	s17 =	sadd.s32 $0x3, s5;
	[dreg:$0x7] =	wrdreg s1  }
.LBB2_12:
0x11: {  	s0 =	simm.s32 $0x9  }
0x12: {  	_ =	swait.ge [sflag:s0], $0x400  }
0x13: {  	[sflag:s0] =	ssyncset.done $0x0  }
0x14: {  	[sflag:s0] =	ssyncadd.s32 $0xFFFFFC00  }
0x15: {  	_ =	swait.ge [sflag:s29], $0x400  }
0x16: {  	s31 =	sadd.s32 $0x1, s31;
	s30 =	rddreg [dreg:$0x8]  }
0x17: {  	p0 =	sne.s32 s31, s30  }
.Ltmp1:
0x18: {  	_ = 	snop;
	(pc) =	sbr.rel @!p0 .LBB2_13-.Ltmp1, $3  }
0x19: {  	_ =	sdelay $0x1  }
0x1a: {  	[sflag:s29] =	ssyncset.done $0x0  }
0x1b: {  	[sflag:s29] =	ssyncadd.s32 $0xFFFFFC00  }
.LBB2_1:
0x1c: {  	s0 =	rddreg [dreg:$0x4];
	s1 =	simm.s32 $0x10A00  }
0x1d: {  	[tilespmem:s1], [sflag:$0x1] =	stream.linear.gather [hbm4b:s0+s4], $0x400, $0x38;
	[tilespmem:$0x11A00] =	vst v63  }
0x1e: {  	s10 =	rddreg [dreg:$0x5];
	s18 =	simm.s32 $0x10E00  }
0x1f: {  	[tilespmem:s18], [sflag:$0x2] =	stream.linear.gather [hbm4b:s10+s4], $0x400, $0x38;
	[tilespmem:$0x11A00] =	vst v63  }
0x20: {  	s23 =	rddreg [dreg:$0x6];
	s26 =	simm.s32 $0x11200  }
0x21: {  	[tilespmem:s26], [sflag:$0x3] =	stream.linear.gather [hbm4b:s23+s4], $0x400, $0x38;
	[tilespmem:$0x11A00] =	vst v63  }
0x22: {  	s28 =	rddreg [dreg:$0x7];
	s30 =	simm.s32 $0x11600;
	s7 =	simm.s32 $0x1  }
0x23: {  	[tilespmem:s30], [sflag:$0x4] =	stream.linear.gather [hbm4b:s28+s4], $0x400, $0x38;
	[tilespmem:$0x11A00] =	vst v63  }
0x24: {  	_ =	swait.ge [sflag:s7], $0x400  }
0x25: {  	[sflag:s7] =	ssyncset.done $0x0  }
0x26: {  	[sflag:s7] =	ssyncadd.s32 $0xFFFFFC00  }
0x27: {  	v0 =	vld [tilespmem:$0x10A00]  }
0x28: {  	v1 =	vld [tilespmem:$0x10A80]  }
0x29: {  	v2 =	vld [tilespmem:$0x10B00]  }
0x2a: {  	v3 =	vld [tilespmem:$0x10B80]  }
0x2b: {  	v4 =	vld [tilespmem:$0x10C00]  }
0x2c: {  	v37 =	vld [tilespmem:$0x10C80];
	[tilespmem:$0x10800] =	vst v0  }
0x2d: {  	v38 =	vld [tilespmem:$0x10D00];
	[tilespmem:$0x10810] =	vst v1  }
0x2e: {  	v39 =	vld [tilespmem:$0x10D80];
	[tilespmem:$0x10820] =	vst v2  }
0x2f: {  	[tilespmem:$0x10830] =	vst v3  }
0x30: {  	[tilespmem:$0x10840] =	vst v4  }
0x31: {  	[tilespmem:$0x10850] =	vst v37  }
0x32: {  	[tilespmem:$0x10860] =	vst v38  }
0x33: {  	s8 =	simm.s32 $0x10800;
	s9 =	simm.s32 $0x2;
	[tilespmem:$0x10870] =	vst v39  }
0x34: {  	[tilespmem:s4], [sflag:$0x5] =	stream.indirect.gather [hbm4b:s2+s24], $0x80, s8, s24, $0xb8;
	[tilespmem:$0x11A00] =	vst v63  }
0x35: {  	_ =	swait.ge [sflag:s9], $0x400  }
0x36: {  	[sflag:s9] =	ssyncset.done $0x0  }
0x37: {  	[sflag:s9] =	ssyncadd.s32 $0xFFFFFC00  }
0x38: {  	v40 =	vld [tilespmem:$0x10E00]  }
0x39: {  	v41 =	vld [tilespmem:$0x10E80]  }
0x3a: {  	v42 =	vld [tilespmem:$0x10F00]  }
0x3b: {  	v43 =	vld [tilespmem:$0x10F80]  }
0x3c: {  	v44 =	vld [tilespmem:$0x11000]  }
0x3d: {  	v45 =	vld [tilespmem:$0x11080];
	[tilespmem:$0x10880] =	vst v40  }
0x3e: {  	v46 =	vld [tilespmem:$0x11100];
	[tilespmem:$0x10890] =	vst v41  }
0x3f: {  	v47 =	vld [tilespmem:$0x11180];
	[tilespmem:$0x108A0] =	vst v42  }
0x40: {  	[tilespmem:$0x108B0] =	vst v43  }
0x41: {  	[tilespmem:$0x108C0] =	vst v44  }
0x42: {  	[tilespmem:$0x108D0] =	vst v45  }
0x43: {  	[tilespmem:$0x108E0] =	vst v46  }
0x44: {  	s10 =	simm.s32 $0x10880;
	s18 =	simm.s32 $0x4000;
	s23 =	simm.s32 $0x3;
	[tilespmem:$0x108F0] =	vst v47  }
0x45: {  	[tilespmem:s18], [sflag:$0x6] =	stream.indirect.gather [hbm4b:s2+s24], $0x80, s10, s24, $0xb8;
	[tilespmem:$0x11A00] =	vst v63  }
0x46: {  	_ =	swait.ge [sflag:s23], $0x400  }
0x47: {  	[sflag:s23] =	ssyncset.done $0x0  }
0x48: {  	[sflag:s23] =	ssyncadd.s32 $0xFFFFFC00  }
0x49: {  	v48 =	vld [tilespmem:$0x11200]  }
0x4a: {  	v49 =	vld [tilespmem:$0x11280]  }
0x4b: {  	v50 =	vld [tilespmem:$0x11300]  }
0x4c: {  	v51 =	vld [tilespmem:$0x11380]  }
0x4d: {  	v52 =	vld [tilespmem:$0x11400]  }
0x4e: {  	v53 =	vld [tilespmem:$0x11480];
	[tilespmem:$0x10900] =	vst v48  }
0x4f: {  	v54 =	vld [tilespmem:$0x11500];
	[tilespmem:$0x10910] =	vst v49  }
0x50: {  	v55 =	vld [tilespmem:$0x11580];
	[tilespmem:$0x10920] =	vst v50  }
0x51: {  	[tilespmem:$0x10930] =	vst v51  }
0x52: {  	[tilespmem:$0x10940] =	vst v52  }
0x53: {  	[tilespmem:$0x10950] =	vst v53  }
0x54: {  	[tilespmem:$0x10960] =	vst v54  }
0x55: {  	s26 =	simm.s32 $0x10900;
	s28 =	simm.s32 $0x8000;
	s30 =	simm.s32 $0x4;
	[tilespmem:$0x10970] =	vst v55  }
0x56: {  	[tilespmem:s28], [sflag:$0x7] =	stream.indirect.gather [hbm4b:s2+s24], $0x80, s26, s24, $0xb8;
	[tilespmem:$0x11A00] =	vst v63  }
0x57: {  	_ =	swait.ge [sflag:s30], $0x400  }
0x58: {  	[sflag:s30] =	ssyncset.done $0x0  }
0x59: {  	[sflag:s30] =	ssyncadd.s32 $0xFFFFFC00  }
0x5a: {  	v56 =	vld [tilespmem:$0x11600]  }
0x5b: {  	v57 =	vld [tilespmem:$0x11680]  }
0x5c: {  	v58 =	vld [tilespmem:$0x11700]  }
0x5d: {  	v59 =	vld [tilespmem:$0x11780]  }
0x5e: {  	v60 =	vld [tilespmem:$0x11800]  }
0x5f: {  	v61 =	vld [tilespmem:$0x11880];
	[tilespmem:$0x10980] =	vst v56  }
0x60: {  	v62 =	vld [tilespmem:$0x11900];
	[tilespmem:$0x10990] =	vst v57  }
0x61: {  	v63 =	vld [tilespmem:$0x11980];
	[tilespmem:$0x109A0] =	vst v58  }
0x62: {  	[tilespmem:$0x109B0] =	vst v59  }
0x63: {  	[tilespmem:$0x109C0] =	vst v60  }
0x64: {  	[tilespmem:$0x109D0] =	vst v61  }
0x65: {  	[tilespmem:$0x109E0] =	vst v62  }
0x66: {  	s1 =	simm.s32 $0x0;
	[tilespmem:$0x109F0] =	vst v63  }
0x67: {  	[tilespmem:s20], [sflag:$0x8] =	stream.indirect.gather [hbm4b:s2+s24], $0x80, s19, s24, $0xb8;
	[tilespmem:$0x11A00] =	vst v63  }
.LBB2_2:
0x68: {  	s8 =	sshll.u32 s1, $0x2;
	_ =	swait.ge [sflag:s21], $0x4000;
	p0 =	sne.s32 s1, $0x18  }
0x69: {  	[sflag:s21] =	ssyncset.done $0x0;
	s7 =	sadd.s32 @p0 s8, s11;
	s9 =	simm.s32 @p0 $0x0  }
0x6a: {  	s10 =	simm.s32 @p0 $0x10A00;
	p1 =	seq.s32 @p0 s1, $0x0;
	s7 =	sshll.u32 @p0 s7, $0x7  }
0x6b: {  	[sflag:s21] =	ssyncadd.s32 $0xFFFFC000;
	p2 =	por p1, !p0;
	s7 =	sadd.s32 @p0 s6, s7  }
0x6c: {  	[tilespmem:s10], [sflag:$0x1] =	stream.linear.gather @p0 [hbm4b:s7+s9], $0x400, $0x38;
	[tilespmem:$0x11A00] =	vst v63  }
0x6d: {  	s7 =	simm.s32 @!p2 $0x9  }
0x6e: {  	_ =	swait.ge @!p2 [sflag:s7], $0x400  }
0x6f: {  	[sflag:s7] =	ssyncset.done @!p2 $0x0  }
0x70: {  	[sflag:s7] =	ssyncadd.s32 @!p2 $0xFFFFFC00;
	s7 =	simm.s32 @p0 $0x1  }
0x71: {  	_ =	swait.ge @p0 [sflag:s7], $0x400  }
0x72: {  	[sflag:s7] =	ssyncset.done @p0 $0x0  }
0x73: {  	[sflag:s7] =	ssyncadd.s32 @p0 $0xFFFFFC00  }
0x74: {  	v0 =	vld @p0 [tilespmem:$0x10A00]  }
0x75: {  	v1 =	vld @p0 [tilespmem:$0x10A80]  }
0x76: {  	v2 =	vld @p0 [tilespmem:$0x10B00]  }
0x77: {  	v3 =	vld @p0 [tilespmem:$0x10B80]  }
0x78: {  	v4 =	vld @p0 [tilespmem:$0x10C00]  }
0x79: {  	[tilespmem:$0x10800] =	vst @p0 v0;
	v0 =	vld @p0 [tilespmem:$0x10C80]  }
0x7a: {  	[tilespmem:$0x10810] =	vst @p0 v1;
	v1 =	vld @p0 [tilespmem:$0x10D00]  }
0x7b: {  	[tilespmem:$0x10820] =	vst @p0 v2;
	v2 =	vld @p0 [tilespmem:$0x10D80]  }
0x7c: {  	[tilespmem:$0x10830] =	vst @p0 v3  }
0x7d: {  	[tilespmem:$0x10840] =	vst @p0 v4  }
0x7e: {  	[tilespmem:$0x10850] =	vst @p0 v0  }
0x7f: {  	s9 =	simm.s32 $0x0;
	[tilespmem:$0x10860] =	vst @p0 v1  }
0x80: {  	s23 =	sand.u32 $0x6, s9;
	s7 =	simm.s32 @!p0 $0x9;
	[tilespmem:$0x10870] =	vst @p0 v2  }
0x81: {  	s10 =	simm.s32 $0x0;
	s26 =	sor.u32 $0x1, s23;
	_ =	swait.ge @!p0 [sflag:s7], $0x400  }
0x82: {  	s30 =	sand.u32 $0x70, s10;
	s18 =	sshll.u32 s26, $0xB;
	[sflag:s7] =	ssyncset.done @!p0 $0x0  }
0x83: {  	s28 =	sor.u32 s30, s18;
	[sflag:s7] =	ssyncadd.s32 @!p0 $0xFFFFFC00  }
0x84: {  	v0 =	vld [tilespmem:s28+$0x600]  }
0x85: {  	v1 =	vld [tilespmem:s28+$0x680]  }
0x86: {  	v2 =	vld [tilespmem:s28+$0x700]  }
0x87: {  	v3 =	vld [tilespmem:s28+$0x400]  }
0x88: {  	v4 =	vld [tilespmem:s28+$0x480]  }
0x89: {  	v5 =	vld [tilespmem:s28+$0x500]  }
0x8a: {  	v6 =	vld [tilespmem:s28+$0x0]  }
0x8b: {  	v7 =	vld [tilespmem:s28+$0x80]  }
0x8c: {  	v8 =	vld [tilespmem:s28+$0x100]  }
0x8d: {  	v9 =	vld [tilespmem:s28+$0x180]  }
0x8e: {  	v10 =	vld [tilespmem:s28+$0x200]  }
0x8f: {  	v11 =	vld [tilespmem:s28+$0x280]  }
0x90: {  	v12 =	vld [tilespmem:s28+$0x300]  }
0x91: {  	v13 =	vld [tilespmem:s28+$0x380]  }
0x92: {  	s0 =	sshll.u32 s23, $0xB;
	v14 =	vld [tilespmem:s28+$0x580]  }
0x93: {  	s18 =	sor.u32 s30, s0;
	v15 =	vld [tilespmem:s28+$0x780]  }
0x94: {  	v16 =	vld [tilespmem:s18+$0x0]  }
0x95: {  	v17 =	vld [tilespmem:s18+$0x80]  }
0x96: {  	v18 =	vld [tilespmem:s18+$0x100]  }
0x97: {  	v19 =	vld [tilespmem:s18+$0x180]  }
0x98: {  	v63 =	vld [tilespmem:s18+$0x280];
	v6 =	vmax.f32 v6, v7;
	v3 =	vmax.f32 v3, v4;
	v1 =	vmax.f32 v0, v1  }
0x99: {  	v7 =	vld [tilespmem:s18+$0x200];
	v0 =	vmax.f32 v8, v9;
	v4 =	vmax.f32 v10, v11;
	v8 =	vmax.f32 v12, v13  }
0x9a: {  	v5 =	vmax.f32 v5, v14;
	v6 =	vmax.f32 v6, v0;
	v4 =	vmax.f32 v4, v8;
	v0 =	vld [tilespmem:s18+$0x300]  }
0x9b: {  	v3 =	vmax.f32 v3, v5;
	v5 =	vmax.f32 v2, v15;
	v2 =	vld [tilespmem:s18+$0x380];
	v4 =	vmax.f32 v6, v4  }
0x9c: {  	s28 =	sshll.u32 s26, $0x7;
	v3 =	vmax.f32 v4, v3;
	v4 =	vmax.f32 v1, v5;
	v1 =	vld [tilespmem:s18+$0x400]  }
0x9d: {  	s23 =	sshll.u32 s23, $0x7;
	p2 =	por @!p0 $0x0, $0x0;
	s26 =	sor.u32 s30, s28;
	v6 =	vmax.f32 v18, v19;
	v5 =	vmax.f32 v16, v17;
	v3 =	vmax.f32 v3, v4;
	v4 =	vld [tilespmem:s18+$0x480]  }
0x9e: {  	p1 =	por @!p0 p2, p2;
	s7 =	sor.u32 s30, s23;
	v5 =	vmax.f32 v5, v6;
	[tilespmem:s26+$0x10000] =	vst v3;
	v6 =	vmax.f32 v7, v63;
	v3 =	vld [tilespmem:s18+$0x500]  }
.LBB2_3:
0x9f: {  	s9 =	sadd.s32 $0x2, s9;
	v7 =	vld [tilespmem:s18+$0x580]  }
0xa0: {  	s30 =	sand.u32 $0x6, s9;
	p0 =	slt.u32 s9, $0x3E;
	v0 =	vmax.f32 v0, v2;
	v2 =	vld [tilespmem:s18+$0x600]  }
0xa1: {  	s10 =	sadd.s32 $0x4, s10;
	s0 =	sshll.u32 s30, $0xB;
	s26 =	sor.u32 $0x1, s30;
	v0 =	vmax.f32 v6, v0;
	v6 =	vld [tilespmem:s18+$0x680]  }
0xa2: {  	s23 =	sand.u32 $0x70, s10;
	s30 =	sshll.u32 s30, $0x7;
	s28 =	sshll.u32 s26, $0xB;
	v0 =	vmax.f32 v5, v0;
	v1 =	vmax.f32 v1, v4;
	v4 =	vld [tilespmem:s18+$0x700]  }
0xa3: {  	s30 =	sor.u32 s23, s30;
	s28 =	sor.u32 s23, s28;
	v5 =	vld [tilespmem:s18+$0x780];
	s18 =	sor.u32 s23, s0  }
0xa4: {  	v8 =	vld [tilespmem:s28+$0x600];
	v3 =	vmax.f32 v3, v7  }
0xa5: {  	v7 =	vld [tilespmem:s28+$0x680];
	v1 =	vmax.f32 v1, v3  }
0xa6: {  	v3 =	vld [tilespmem:s28+$0x700];
	v0 =	vmax.f32 v0, v1;
	v1 =	vmax.f32 v2, v6  }
0xa7: {  	v2 =	vld [tilespmem:s28+$0x400]  }
0xa8: {  	v6 =	vld [tilespmem:s28+$0x480];
	v4 =	vmax.f32 v4, v5  }
0xa9: {  	v5 =	vld [tilespmem:s28+$0x500];
	v1 =	vmax.f32 v1, v4  }
0xaa: {  	v4 =	vld [tilespmem:s28+$0x0];
	v0 =	vmax.f32 v0, v1  }
0xab: {  	v1 =	vld [tilespmem:s28+$0x80];
	[tilespmem:s7+$0x10000] =	vst v0;
	s7 =	smov.u32 s30  }
0xac: {  	v0 =	vld [tilespmem:s28+$0x100]  }
0xad: {  	v9 =	vld [tilespmem:s28+$0x180]  }
0xae: {  	v10 =	vld [tilespmem:s28+$0x200]  }
0xaf: {  	v11 =	vld [tilespmem:s28+$0x280]  }
0xb0: {  	v12 =	vld [tilespmem:s28+$0x300]  }
0xb1: {  	v13 =	vld [tilespmem:s28+$0x380]  }
0xb2: {  	v14 =	vld [tilespmem:s28+$0x580]  }
0xb3: {  	v15 =	vld [tilespmem:s28+$0x780]  }
0xb4: {  	v16 =	vld [tilespmem:s18+$0x0]  }
0xb5: {  	v2 =	vmax.f32 v2, v6;
	v1 =	vmax.f32 v4, v1;
	v4 =	vmax.f32 v8, v7;
	v17 =	vld [tilespmem:s18+$0x80]  }
0xb6: {  	v0 =	vmax.f32 v0, v9;
	v7 =	vmax.f32 v10, v11;
	v6 =	vld [tilespmem:s18+$0x100];
	v8 =	vmax.f32 v12, v13  }
0xb7: {  	v0 =	vmax.f32 v1, v0;
	v9 =	vld [tilespmem:s18+$0x180];
	v1 =	vmax.f32 v7, v8;
	v5 =	vmax.f32 v5, v14  }
0xb8: {  	v7 =	vld [tilespmem:s18+$0x200];
	v0 =	vmax.f32 v0, v1;
	v1 =	vmax.f32 v2, v5;
	v2 =	vmax.f32 v3, v15  }
0xb9: {  	s0 =	sshll.u32 s26, $0x7;
	v3 =	vld [tilespmem:s18+$0x280];
	v1 =	vmax.f32 v0, v1;
	v2 =	vmax.f32 v4, v2  }
.Ltmp2:
0xba: {  	s0 =	sor.u32 s23, s0;
	v4 =	vmax.f32 v16, v17;
	v0 =	vld [tilespmem:s18+$0x300];
	v1 =	vmax.f32 v1, v2;
	(pc) =	sbr.rel @p0 .LBB2_3-.Ltmp2, $4  }
0xbb: {  	v2 =	vld [tilespmem:s18+$0x380];
	[tilespmem:s0+$0x10000] =	vst v1  }
0xbc: {  	v5 =	vmax.f32 v6, v9;
	v1 =	vld [tilespmem:s18+$0x400]  }
0xbd: {  	v5 =	vmax.f32 v4, v5;
	v4 =	vld [tilespmem:s18+$0x480]  }
0xbe: {  	v6 =	vmax.f32 v7, v3;
	v3 =	vld [tilespmem:s18+$0x500]  }
0xbf: {  	v7 =	vld [tilespmem:s18+$0x580]  }
0xc0: {  	v8 =	vld [tilespmem:s18+$0x600]  }
0xc1: {  	v9 =	vld [tilespmem:s18+$0x680]  }
0xc2: {  	v10 =	vld [tilespmem:s18+$0x700]  }
0xc3: {  	v11 =	vld [tilespmem:s18+$0x780];
	_ =	sdelay $0x1  }
0xc4: {  	v0 =	vmax.f32 v0, v2  }
0xc5: {  	v0 =	vmax.f32 v6, v0  }
0xc6: {  	v0 =	vmax.f32 v5, v0;
	v1 =	vmax.f32 v1, v4;
	v2 =	vmax.f32 v3, v7  }
0xc7: {  	v3 =	vmax.f32 v10, v11;
	v1 =	vmax.f32 v1, v2;
	v2 =	vmax.f32 v8, v9  }
0xc8: {  	s0 =	sadd.s32 s5, s8;
	v0 =	vmax.f32 v0, v1;
	v1 =	vmax.f32 v2, v3  }
0xc9: {  	s0 =	sshll.u32 s0, $0x7;
	v0 =	vmax.f32 v0, v1  }
0xca: {  	p0 =	seq.s32 s1, $0x18;
	s0 =	sadd.s32 s3, s0;
	[tilespmem:s7+$0x10000] =	vst v0  }
0xcb: {  	[hbm4b:s0+s4] =	stream.linear.scatter [tilespmem:s22], [sflag:$0x9], $0x400, $0x38;
	[tilespmem:$0x11A00] =	vst v63  }
0xcc: {  	s0 =	simm.s32 @p0 $0x6  }
0xcd: {  	_ =	swait.ge @p0 [sflag:s0], $0x4000  }
0xce: {  	s9 =	simm.s32 @!p0 $0x0;
	[sflag:s0] =	ssyncset.done @p0 $0x0  }
0xcf: {  	s7 =	simm.s32 @!p0 $0x10800;
	[sflag:s0] =	ssyncadd.s32 @p0 $0xFFFFC000;
	s0 =	simm.s32 @!p0 $0x80  }
0xd0: {  	[tilespmem:s9], [sflag:$0x5] =	stream.indirect.gather @!p0 [hbm4b:s2+s0], $0x80, s7, s0, $0xb8;
	[tilespmem:$0x11A00] =	vst v63  }
0xd1: {  	s0 =	simm.s32 @!p0 $0x6  }
0xd2: {  	s7 =	sadd.s32 @!p0 s8, s12;
	_ =	swait.ge @!p0 [sflag:s0], $0x4000  }
0xd3: {  	s7 =	sshll.u32 @!p0 s7, $0x7;
	[sflag:s0] =	ssyncset.done @!p0 $0x0  }
0xd4: {  	[sflag:s0] =	ssyncadd.s32 @!p0 $0xFFFFC000;
	s0 =	sadd.s32 @!p0 s6, s7;
	s7 =	simm.s32 @!p0 $0x10E00  }
0xd5: {  	[tilespmem:s7], [sflag:$0x2] =	stream.linear.gather @!p0 [hbm4b:s0+s9], $0x400, $0x38;
	[tilespmem:$0x11A00] =	vst v63  }
0xd6: {  	s0 =	simm.s32 @!p1 $0xA  }
0xd7: {  	_ =	swait.ge @!p1 [sflag:s0], $0x400  }
0xd8: {  	[sflag:s0] =	ssyncset.done @!p1 $0x0  }
0xd9: {  	[sflag:s0] =	ssyncadd.s32 @!p1 $0xFFFFFC00;
	s0 =	simm.s32 @!p0 $0x2  }
0xda: {  	_ =	swait.ge @!p0 [sflag:s0], $0x400  }
0xdb: {  	[sflag:s0] =	ssyncset.done @!p0 $0x0  }
0xdc: {  	[sflag:s0] =	ssyncadd.s32 @!p0 $0xFFFFFC00  }
0xdd: {  	v0 =	vld @!p0 [tilespmem:$0x10E00]  }
0xde: {  	v1 =	vld @!p0 [tilespmem:$0x10E80]  }
0xdf: {  	v2 =	vld @!p0 [tilespmem:$0x10F00]  }
0xe0: {  	v3 =	vld @!p0 [tilespmem:$0x10F80]  }
0xe1: {  	v4 =	vld @!p0 [tilespmem:$0x11000]  }
0xe2: {  	[tilespmem:$0x10880] =	vst @!p0 v0;
	v0 =	vld @!p0 [tilespmem:$0x11080]  }
0xe3: {  	[tilespmem:$0x10890] =	vst @!p0 v1;
	v1 =	vld @!p0 [tilespmem:$0x11100]  }
0xe4: {  	[tilespmem:$0x108A0] =	vst @!p0 v2;
	v2 =	vld @!p0 [tilespmem:$0x11180]  }
0xe5: {  	s9 =	simm.s32 $0x0;
	[tilespmem:$0x108B0] =	vst @!p0 v3  }
0xe6: {  	s0 =	sand.u32 $0x6, s9;
	[tilespmem:$0x108C0] =	vst @!p0 v4  }
0xe7: {  	s10 =	simm.s32 $0x0;
	s30 =	sor.u32 $0x1, s0;
	[tilespmem:$0x108D0] =	vst @!p0 v0  }
0xe8: {  	s23 =	sand.u32 $0x70, s10;
	s26 =	sshll.u32 s30, $0xB;
	[tilespmem:$0x108E0] =	vst @!p0 v1  }
0xe9: {  	s26 =	sor.u32 s23, s26;
	[tilespmem:$0x108F0] =	vst @!p0 v2  }
0xea: {  	v0 =	vld [tilespmem:s26+$0x4600]  }
0xeb: {  	v1 =	vld [tilespmem:s26+$0x4680]  }
0xec: {  	v2 =	vld [tilespmem:s26+$0x4700]  }
0xed: {  	v3 =	vld [tilespmem:s26+$0x4400]  }
0xee: {  	v4 =	vld [tilespmem:s26+$0x4480]  }
0xef: {  	v5 =	vld [tilespmem:s26+$0x4500]  }
0xf0: {  	v6 =	vld [tilespmem:s26+$0x4000]  }
0xf1: {  	v7 =	vld [tilespmem:s26+$0x4080]  }
0xf2: {  	v8 =	vld [tilespmem:s26+$0x4100]  }
0xf3: {  	v60 =	vld [tilespmem:s26+$0x4180]  }
0xf4: {  	v61 =	vld [tilespmem:s26+$0x4200]  }
0xf5: {  	v62 =	vld [tilespmem:s26+$0x4280]  }
0xf6: {  	v12 =	vld [tilespmem:s26+$0x4300]  }
0xf7: {  	v13 =	vld [tilespmem:s26+$0x4380]  }
0xf8: {  	s28 =	sshll.u32 s0, $0xB;
	v14 =	vld [tilespmem:s26+$0x4580]  }
0xf9: {  	s18 =	sor.u32 s23, s28;
	v15 =	vld [tilespmem:s26+$0x4780]  }
0xfa: {  	v16 =	vld [tilespmem:s18+$0x4000]  }
0xfb: {  	v17 =	vld [tilespmem:s18+$0x4080]  }
0xfc: {  	v18 =	vld [tilespmem:s18+$0x4100]  }
0xfd: {  	v19 =	vld [tilespmem:s18+$0x4180]  }
0xfe: {  	v63 =	vld [tilespmem:s18+$0x4280];
	v6 =	vmax.f32 v6, v7;
	v3 =	vmax.f32 v3, v4;
	v1 =	vmax.f32 v0, v1  }
0xff: {  	v7 =	vld [tilespmem:s18+$0x4200];
	v0 =	vmax.f32 v8, v60;
	v4 =	vmax.f32 v61, v62;
	v8 =	vmax.f32 v12, v13  }
0x100: {  	v5 =	vmax.f32 v5, v14;
	v6 =	vmax.f32 v6, v0;
	v4 =	vmax.f32 v4, v8;
	v0 =	vld [tilespmem:s18+$0x4300]  }
0x101: {  	v2 =	vmax.f32 v2, v15;
	v5 =	vmax.f32 v3, v5;
	v3 =	vld [tilespmem:s18+$0x4380];
	v4 =	vmax.f32 v6, v4  }
0x102: {  	s7 =	sshll.u32 s30, $0x7;
	v2 =	vmax.f32 v1, v2;
	v1 =	vld [tilespmem:s18+$0x4400];
	v4 =	vmax.f32 v4, v5  }
0x103: {  	s0 =	sshll.u32 s0, $0x7;
	s30 =	sor.u32 s23, s7;
	v6 =	vmax.f32 v18, v19;
	v5 =	vmax.f32 v16, v17;
	v2 =	vmax.f32 v4, v2;
	v4 =	vld [tilespmem:s18+$0x4480]  }
0x104: {  	s7 =	sor.u32 s23, s0;
	v5 =	vmax.f32 v5, v6;
	[tilespmem:s30+$0x10400] =	vst v2;
	v6 =	vmax.f32 v7, v63;
	v2 =	vld [tilespmem:s18+$0x4500]  }
.LBB2_5:
0x105: {  	s9 =	sadd.s32 $0x2, s9;
	v7 =	vld [tilespmem:s18+$0x4580]  }
0x106: {  	s0 =	sand.u32 $0x6, s9;
	p1 =	slt.u32 s9, $0x3E;
	v0 =	vmax.f32 v0, v3;
	v3 =	vld [tilespmem:s18+$0x4600]  }
0x107: {  	s10 =	sadd.s32 $0x4, s10;
	s28 =	sshll.u32 s0, $0xB;
	s26 =	sor.u32 $0x1, s0;
	v0 =	vmax.f32 v6, v0;
	v6 =	vld [tilespmem:s18+$0x4680]  }
0x108: {  	s23 =	sand.u32 $0x70, s10;
	s0 =	sshll.u32 s0, $0x7;
	s30 =	sshll.u32 s26, $0xB;
	v0 =	vmax.f32 v5, v0;
	v1 =	vmax.f32 v1, v4;
	v4 =	vld [tilespmem:s18+$0x4700]  }
0x109: {  	s0 =	sor.u32 s23, s0;
	s30 =	sor.u32 s23, s30;
	v5 =	vld [tilespmem:s18+$0x4780];
	s18 =	sor.u32 s23, s28  }
0x10a: {  	v8 =	vld [tilespmem:s30+$0x4600];
	v2 =	vmax.f32 v2, v7  }
0x10b: {  	v7 =	vld [tilespmem:s30+$0x4680];
	v1 =	vmax.f32 v1, v2  }
0x10c: {  	v2 =	vld [tilespmem:s30+$0x4700];
	v0 =	vmax.f32 v0, v1;
	v1 =	vmax.f32 v3, v6  }
0x10d: {  	v3 =	vld [tilespmem:s30+$0x4400]  }
0x10e: {  	v6 =	vld [tilespmem:s30+$0x4480];
	v4 =	vmax.f32 v4, v5  }
0x10f: {  	v5 =	vld [tilespmem:s30+$0x4500];
	v1 =	vmax.f32 v1, v4  }
0x110: {  	v4 =	vld [tilespmem:s30+$0x4000];
	v0 =	vmax.f32 v0, v1  }
0x111: {  	v1 =	vld [tilespmem:s30+$0x4080];
	[tilespmem:s7+$0x10400] =	vst v0;
	s7 =	smov.u32 s0  }
0x112: {  	v0 =	vld [tilespmem:s30+$0x4100]  }
0x113: {  	v9 =	vld [tilespmem:s30+$0x4180]  }
0x114: {  	v10 =	vld [tilespmem:s30+$0x4200]  }
0x115: {  	v11 =	vld [tilespmem:s30+$0x4280]  }
0x116: {  	v12 =	vld [tilespmem:s30+$0x4300]  }
0x117: {  	v13 =	vld [tilespmem:s30+$0x4380]  }
0x118: {  	v14 =	vld [tilespmem:s30+$0x4580]  }
0x119: {  	v15 =	vld [tilespmem:s30+$0x4780]  }
0x11a: {  	v16 =	vld [tilespmem:s18+$0x4000]  }
0x11b: {  	v3 =	vmax.f32 v3, v6;
	v1 =	vmax.f32 v4, v1;
	v4 =	vmax.f32 v8, v7;
	v17 =	vld [tilespmem:s18+$0x4080]  }
0x11c: {  	v0 =	vmax.f32 v0, v9;
	v7 =	vmax.f32 v10, v11;
	v6 =	vld [tilespmem:s18+$0x4100];
	v8 =	vmax.f32 v12, v13  }
0x11d: {  	v0 =	vmax.f32 v1, v0;
	v9 =	vld [tilespmem:s18+$0x4180];
	v1 =	vmax.f32 v7, v8;
	v5 =	vmax.f32 v5, v14  }
0x11e: {  	v7 =	vld [tilespmem:s18+$0x4200];
	v0 =	vmax.f32 v0, v1;
	v1 =	vmax.f32 v3, v5;
	v2 =	vmax.f32 v2, v15  }
0x11f: {  	s0 =	sshll.u32 s26, $0x7;
	v8 =	vld [tilespmem:s18+$0x4280];
	v1 =	vmax.f32 v0, v1;
	v2 =	vmax.f32 v4, v2  }
.Ltmp3:
0x120: {  	s0 =	sor.u32 s23, s0;
	v4 =	vmax.f32 v16, v17;
	v0 =	vld [tilespmem:s18+$0x4300];
	v1 =	vmax.f32 v1, v2;
	(pc) =	sbr.rel @p1 .LBB2_5-.Ltmp3, $4  }
0x121: {  	v3 =	vld [tilespmem:s18+$0x4380];
	[tilespmem:s0+$0x10400] =	vst v1  }
0x122: {  	v2 =	vmax.f32 v6, v9;
	v1 =	vld [tilespmem:s18+$0x4400]  }
0x123: {  	v5 =	vmax.f32 v4, v2;
	v4 =	vld [tilespmem:s18+$0x4480]  }
0x124: {  	v6 =	vmax.f32 v7, v8;
	v2 =	vld [tilespmem:s18+$0x4500]  }
0x125: {  	v7 =	vld [tilespmem:s18+$0x4580]  }
0x126: {  	v8 =	vld [tilespmem:s18+$0x4600]  }
0x127: {  	v9 =	vld [tilespmem:s18+$0x4680]  }
0x128: {  	v10 =	vld [tilespmem:s18+$0x4700]  }
0x129: {  	v11 =	vld [tilespmem:s18+$0x4780];
	_ =	sdelay $0x1  }
0x12a: {  	v0 =	vmax.f32 v0, v3  }
0x12b: {  	v0 =	vmax.f32 v6, v0  }
0x12c: {  	v0 =	vmax.f32 v5, v0;
	v1 =	vmax.f32 v1, v4;
	v2 =	vmax.f32 v2, v7  }
0x12d: {  	v3 =	vmax.f32 v10, v11;
	v1 =	vmax.f32 v1, v2;
	v2 =	vmax.f32 v8, v9  }
0x12e: {  	s0 =	sadd.s32 s8, s13;
	v0 =	vmax.f32 v0, v1;
	v1 =	vmax.f32 v2, v3  }
0x12f: {  	s0 =	sshll.u32 s0, $0x7;
	v0 =	vmax.f32 v0, v1  }
0x130: {  	s0 =	sadd.s32 s3, s0;
	[tilespmem:s7+$0x10400] =	vst v0  }
0x131: {  	[hbm4b:s0+s4] =	stream.linear.scatter [tilespmem:s25], [sflag:$0xA], $0x400, $0x38;
	[tilespmem:$0x11A00] =	vst v63  }
0x132: {  	s0 =	simm.s32 @p0 $0x7  }
0x133: {  	_ =	swait.ge @p0 [sflag:s0], $0x4000  }
0x134: {  	[sflag:s0] =	ssyncset.done @p0 $0x0  }
0x135: {  	[sflag:s0] =	ssyncadd.s32 @p0 $0xFFFFC000;
	s0 =	simm.s32 @p0 $0x9  }
0x136: {  	_ =	swait.ge @p0 [sflag:s0], $0x400  }
0x137: {  	s9 =	simm.s32 @!p0 $0x4000;
	[sflag:s0] =	ssyncset.done @p0 $0x0  }
0x138: {  	s7 =	simm.s32 @!p0 $0x10880;
	[sflag:s0] =	ssyncadd.s32 @p0 $0xFFFFFC00;
	s0 =	simm.s32 @!p0 $0x80  }
0x139: {  	[tilespmem:s9], [sflag:$0x6] =	stream.indirect.gather @!p0 [hbm4b:s2+s0], $0x80, s7, s0, $0xb8;
	[tilespmem:$0x11A00] =	vst v63  }
0x13a: {  	s0 =	simm.s32 @!p0 $0x7  }
0x13b: {  	_ =	swait.ge @!p0 [sflag:s0], $0x4000  }
0x13c: {  	s7 =	sadd.s32 @!p0 s8, s14;
	[sflag:s0] =	ssyncset.done @!p0 $0x0  }
0x13d: {  	[sflag:s0] =	ssyncadd.s32 @!p0 $0xFFFFC000;
	s0 =	sshll.u32 @!p0 s7, $0x7  }
0x13e: {  	s9 =	simm.s32 @!p0 $0x11200;
	s7 =	simm.s32 @!p0 $0x0;
	s0 =	sadd.s32 @!p0 s6, s0  }
0x13f: {  	[tilespmem:s9], [sflag:$0x3] =	stream.linear.gather @!p0 [hbm4b:s0+s7], $0x400, $0x38;
	[tilespmem:$0x11A00] =	vst v63  }
0x140: {  	s0 =	simm.s32 @!p0 $0x9  }
0x141: {  	_ =	swait.ge @!p0 [sflag:s0], $0x400  }
0x142: {  	[sflag:s0] =	ssyncset.done @!p0 $0x0  }
0x143: {  	[sflag:s0] =	ssyncadd.s32 @!p0 $0xFFFFFC00;
	s0 =	simm.s32 @!p0 $0x3  }
0x144: {  	_ =	swait.ge @!p0 [sflag:s0], $0x400  }
0x145: {  	[sflag:s0] =	ssyncset.done @!p0 $0x0  }
0x146: {  	[sflag:s0] =	ssyncadd.s32 @!p0 $0xFFFFFC00  }
0x147: {  	v0 =	vld @!p0 [tilespmem:$0x11200]  }
0x148: {  	v1 =	vld @!p0 [tilespmem:$0x11280]  }
0x149: {  	v2 =	vld @!p0 [tilespmem:$0x11300]  }
0x14a: {  	v3 =	vld @!p0 [tilespmem:$0x11380]  }
0x14b: {  	v4 =	vld @!p0 [tilespmem:$0x11400]  }
0x14c: {  	[tilespmem:$0x10900] =	vst @!p0 v0;
	v0 =	vld @!p0 [tilespmem:$0x11480]  }
0x14d: {  	[tilespmem:$0x10910] =	vst @!p0 v1;
	v1 =	vld @!p0 [tilespmem:$0x11500]  }
0x14e: {  	[tilespmem:$0x10920] =	vst @!p0 v2;
	v2 =	vld @!p0 [tilespmem:$0x11580]  }
0x14f: {  	s9 =	simm.s32 $0x0;
	[tilespmem:$0x10930] =	vst @!p0 v3  }
0x150: {  	s0 =	sand.u32 $0x6, s9;
	[tilespmem:$0x10940] =	vst @!p0 v4  }
0x151: {  	s10 =	simm.s32 $0x0;
	s30 =	sor.u32 $0x1, s0;
	[tilespmem:$0x10950] =	vst @!p0 v0  }
0x152: {  	s23 =	sand.u32 $0x70, s10;
	s26 =	sshll.u32 s30, $0xB;
	[tilespmem:$0x10960] =	vst @!p0 v1  }
0x153: {  	s26 =	sor.u32 s23, s26;
	[tilespmem:$0x10970] =	vst @!p0 v2  }
0x154: {  	v0 =	vld [tilespmem:s26+$0x8600]  }
0x155: {  	v1 =	vld [tilespmem:s26+$0x8680]  }
0x156: {  	v2 =	vld [tilespmem:s26+$0x8700]  }
0x157: {  	v3 =	vld [tilespmem:s26+$0x8400]  }
0x158: {  	v4 =	vld [tilespmem:s26+$0x8480]  }
0x159: {  	v5 =	vld [tilespmem:s26+$0x8500]  }
0x15a: {  	v6 =	vld [tilespmem:s26+$0x8000]  }
0x15b: {  	v7 =	vld [tilespmem:s26+$0x8080]  }
0x15c: {  	v8 =	vld [tilespmem:s26+$0x8100]  }
0x15d: {  	v60 =	vld [tilespmem:s26+$0x8180]  }
0x15e: {  	v61 =	vld [tilespmem:s26+$0x8200]  }
0x15f: {  	v62 =	vld [tilespmem:s26+$0x8280]  }
0x160: {  	v12 =	vld [tilespmem:s26+$0x8300]  }
0x161: {  	v13 =	vld [tilespmem:s26+$0x8380]  }
0x162: {  	s28 =	sshll.u32 s0, $0xB;
	v14 =	vld [tilespmem:s26+$0x8580]  }
0x163: {  	s18 =	sor.u32 s23, s28;
	v15 =	vld [tilespmem:s26+$0x8780]  }
0x164: {  	v16 =	vld [tilespmem:s18+$0x8000]  }
0x165: {  	v17 =	vld [tilespmem:s18+$0x8080]  }
0x166: {  	v18 =	vld [tilespmem:s18+$0x8100]  }
0x167: {  	v19 =	vld [tilespmem:s18+$0x8180]  }
0x168: {  	v63 =	vld [tilespmem:s18+$0x8280];
	v6 =	vmax.f32 v6, v7;
	v3 =	vmax.f32 v3, v4;
	v1 =	vmax.f32 v0, v1  }
0x169: {  	v7 =	vld [tilespmem:s18+$0x8200];
	v0 =	vmax.f32 v8, v60;
	v4 =	vmax.f32 v61, v62;
	v8 =	vmax.f32 v12, v13  }
0x16a: {  	v5 =	vmax.f32 v5, v14;
	v6 =	vmax.f32 v6, v0;
	v4 =	vmax.f32 v4, v8;
	v0 =	vld [tilespmem:s18+$0x8300]  }
0x16b: {  	v2 =	vmax.f32 v2, v15;
	v5 =	vmax.f32 v3, v5;
	v3 =	vld [tilespmem:s18+$0x8380];
	v4 =	vmax.f32 v6, v4  }
0x16c: {  	s7 =	sshll.u32 s30, $0x7;
	v2 =	vmax.f32 v1, v2;
	v1 =	vld [tilespmem:s18+$0x8400];
	v4 =	vmax.f32 v4, v5  }
0x16d: {  	s0 =	sshll.u32 s0, $0x7;
	s30 =	sor.u32 s23, s7;
	v6 =	vmax.f32 v18, v19;
	v5 =	vmax.f32 v16, v17;
	v2 =	vmax.f32 v4, v2;
	v4 =	vld [tilespmem:s18+$0x8480]  }
0x16e: {  	s7 =	sor.u32 s23, s0;
	v5 =	vmax.f32 v5, v6;
	[tilespmem:s30+$0x10000] =	vst v2;
	v6 =	vmax.f32 v7, v63;
	v2 =	vld [tilespmem:s18+$0x8500]  }
.LBB2_7:
0x16f: {  	s9 =	sadd.s32 $0x2, s9;
	v7 =	vld [tilespmem:s18+$0x8580]  }
0x170: {  	s0 =	sand.u32 $0x6, s9;
	p1 =	slt.u32 s9, $0x3E;
	v0 =	vmax.f32 v0, v3;
	v3 =	vld [tilespmem:s18+$0x8600]  }
0x171: {  	s10 =	sadd.s32 $0x4, s10;
	s28 =	sshll.u32 s0, $0xB;
	s26 =	sor.u32 $0x1, s0;
	v0 =	vmax.f32 v6, v0;
	v6 =	vld [tilespmem:s18+$0x8680]  }
0x172: {  	s23 =	sand.u32 $0x70, s10;
	s0 =	sshll.u32 s0, $0x7;
	s30 =	sshll.u32 s26, $0xB;
	v0 =	vmax.f32 v5, v0;
	v1 =	vmax.f32 v1, v4;
	v4 =	vld [tilespmem:s18+$0x8700]  }
0x173: {  	s0 =	sor.u32 s23, s0;
	s30 =	sor.u32 s23, s30;
	v5 =	vld [tilespmem:s18+$0x8780];
	s18 =	sor.u32 s23, s28  }
0x174: {  	v8 =	vld [tilespmem:s30+$0x8600];
	v2 =	vmax.f32 v2, v7  }
0x175: {  	v7 =	vld [tilespmem:s30+$0x8680];
	v1 =	vmax.f32 v1, v2  }
0x176: {  	v2 =	vld [tilespmem:s30+$0x8700];
	v0 =	vmax.f32 v0, v1;
	v1 =	vmax.f32 v3, v6  }
0x177: {  	v3 =	vld [tilespmem:s30+$0x8400]  }
0x178: {  	v6 =	vld [tilespmem:s30+$0x8480];
	v4 =	vmax.f32 v4, v5  }
0x179: {  	v5 =	vld [tilespmem:s30+$0x8500];
	v1 =	vmax.f32 v1, v4  }
0x17a: {  	v4 =	vld [tilespmem:s30+$0x8000];
	v0 =	vmax.f32 v0, v1  }
0x17b: {  	v1 =	vld [tilespmem:s30+$0x8080];
	[tilespmem:s7+$0x10000] =	vst v0;
	s7 =	smov.u32 s0  }
0x17c: {  	v0 =	vld [tilespmem:s30+$0x8100]  }
0x17d: {  	v9 =	vld [tilespmem:s30+$0x8180]  }
0x17e: {  	v10 =	vld [tilespmem:s30+$0x8200]  }
0x17f: {  	v11 =	vld [tilespmem:s30+$0x8280]  }
0x180: {  	v12 =	vld [tilespmem:s30+$0x8300]  }
0x181: {  	v13 =	vld [tilespmem:s30+$0x8380]  }
0x182: {  	v14 =	vld [tilespmem:s30+$0x8580]  }
0x183: {  	v15 =	vld [tilespmem:s30+$0x8780]  }
0x184: {  	v16 =	vld [tilespmem:s18+$0x8000]  }
0x185: {  	v3 =	vmax.f32 v3, v6;
	v1 =	vmax.f32 v4, v1;
	v4 =	vmax.f32 v8, v7;
	v17 =	vld [tilespmem:s18+$0x8080]  }
0x186: {  	v0 =	vmax.f32 v0, v9;
	v7 =	vmax.f32 v10, v11;
	v6 =	vld [tilespmem:s18+$0x8100];
	v8 =	vmax.f32 v12, v13  }
0x187: {  	v0 =	vmax.f32 v1, v0;
	v9 =	vld [tilespmem:s18+$0x8180];
	v1 =	vmax.f32 v7, v8;
	v5 =	vmax.f32 v5, v14  }
0x188: {  	v7 =	vld [tilespmem:s18+$0x8200];
	v0 =	vmax.f32 v0, v1;
	v1 =	vmax.f32 v3, v5;
	v2 =	vmax.f32 v2, v15  }
0x189: {  	s0 =	sshll.u32 s26, $0x7;
	v8 =	vld [tilespmem:s18+$0x8280];
	v1 =	vmax.f32 v0, v1;
	v2 =	vmax.f32 v4, v2  }
.Ltmp4:
0x18a: {  	s0 =	sor.u32 s23, s0;
	v4 =	vmax.f32 v16, v17;
	v0 =	vld [tilespmem:s18+$0x8300];
	v1 =	vmax.f32 v1, v2;
	(pc) =	sbr.rel @p1 .LBB2_7-.Ltmp4, $4  }
0x18b: {  	v3 =	vld [tilespmem:s18+$0x8380];
	[tilespmem:s0+$0x10000] =	vst v1  }
0x18c: {  	v2 =	vmax.f32 v6, v9;
	v1 =	vld [tilespmem:s18+$0x8400]  }
0x18d: {  	v5 =	vmax.f32 v4, v2;
	v4 =	vld [tilespmem:s18+$0x8480]  }
0x18e: {  	v6 =	vmax.f32 v7, v8;
	v2 =	vld [tilespmem:s18+$0x8500]  }
0x18f: {  	v7 =	vld [tilespmem:s18+$0x8580]  }
0x190: {  	v8 =	vld [tilespmem:s18+$0x8600]  }
0x191: {  	v9 =	vld [tilespmem:s18+$0x8680]  }
0x192: {  	v10 =	vld [tilespmem:s18+$0x8700]  }
0x193: {  	v11 =	vld [tilespmem:s18+$0x8780];
	_ =	sdelay $0x1  }
0x194: {  	v0 =	vmax.f32 v0, v3  }
0x195: {  	v0 =	vmax.f32 v6, v0  }
0x196: {  	v0 =	vmax.f32 v5, v0;
	v1 =	vmax.f32 v1, v4;
	v2 =	vmax.f32 v2, v7  }
0x197: {  	v3 =	vmax.f32 v10, v11;
	v1 =	vmax.f32 v1, v2;
	v2 =	vmax.f32 v8, v9  }
0x198: {  	s0 =	sadd.s32 s8, s15;
	v0 =	vmax.f32 v0, v1;
	v1 =	vmax.f32 v2, v3  }
0x199: {  	s0 =	sshll.u32 s0, $0x7;
	v0 =	vmax.f32 v0, v1  }
0x19a: {  	s0 =	sadd.s32 s3, s0;
	[tilespmem:s7+$0x10000] =	vst v0  }
0x19b: {  	[hbm4b:s0+s4] =	stream.linear.scatter [tilespmem:s22], [sflag:$0x9], $0x400, $0x38;
	[tilespmem:$0x11A00] =	vst v63  }
0x19c: {  	s0 =	simm.s32 @p0 $0x8  }
0x19d: {  	_ =	swait.ge @p0 [sflag:s0], $0x4000  }
0x19e: {  	[sflag:s0] =	ssyncset.done @p0 $0x0  }
0x19f: {  	[sflag:s0] =	ssyncadd.s32 @p0 $0xFFFFC000;
	s0 =	simm.s32 @p0 $0xA  }
0x1a0: {  	_ =	swait.ge @p0 [sflag:s0], $0x400  }
0x1a1: {  	s9 =	simm.s32 @!p0 $0x8000;
	[sflag:s0] =	ssyncset.done @p0 $0x0  }
0x1a2: {  	s7 =	simm.s32 @!p0 $0x10900;
	[sflag:s0] =	ssyncadd.s32 @p0 $0xFFFFFC00;
	s0 =	simm.s32 @!p0 $0x80  }
0x1a3: {  	[tilespmem:s9], [sflag:$0x7] =	stream.indirect.gather @!p0 [hbm4b:s2+s0], $0x80, s7, s0, $0xb8;
	[tilespmem:$0x11A00] =	vst v63  }
0x1a4: {  	s0 =	simm.s32 @!p0 $0x8  }
0x1a5: {  	_ =	swait.ge @!p0 [sflag:s0], $0x4000  }
0x1a6: {  	s7 =	sadd.s32 @!p0 s8, s16;
	[sflag:s0] =	ssyncset.done @!p0 $0x0  }
0x1a7: {  	[sflag:s0] =	ssyncadd.s32 @!p0 $0xFFFFC000;
	s0 =	sshll.u32 @!p0 s7, $0x7  }
0x1a8: {  	s9 =	simm.s32 @!p0 $0x11600;
	s7 =	simm.s32 @!p0 $0x0;
	s0 =	sadd.s32 @!p0 s6, s0  }
0x1a9: {  	[tilespmem:s9], [sflag:$0x4] =	stream.linear.gather @!p0 [hbm4b:s0+s7], $0x400, $0x38;
	[tilespmem:$0x11A00] =	vst v63  }
0x1aa: {  	s0 =	simm.s32 @!p0 $0xA  }
0x1ab: {  	_ =	swait.ge @!p0 [sflag:s0], $0x400  }
0x1ac: {  	[sflag:s0] =	ssyncset.done @!p0 $0x0  }
0x1ad: {  	[sflag:s0] =	ssyncadd.s32 @!p0 $0xFFFFFC00;
	s0 =	simm.s32 @!p0 $0x4  }
0x1ae: {  	_ =	swait.ge @!p0 [sflag:s0], $0x400  }
0x1af: {  	[sflag:s0] =	ssyncset.done @!p0 $0x0  }
0x1b0: {  	[sflag:s0] =	ssyncadd.s32 @!p0 $0xFFFFFC00  }
0x1b1: {  	v0 =	vld @!p0 [tilespmem:$0x11600]  }
0x1b2: {  	v1 =	vld @!p0 [tilespmem:$0x11680]  }
0x1b3: {  	v2 =	vld @!p0 [tilespmem:$0x11700]  }
0x1b4: {  	v3 =	vld @!p0 [tilespmem:$0x11780]  }
0x1b5: {  	v4 =	vld @!p0 [tilespmem:$0x11800]  }
0x1b6: {  	[tilespmem:$0x10980] =	vst @!p0 v0;
	v0 =	vld @!p0 [tilespmem:$0x11880]  }
0x1b7: {  	[tilespmem:$0x10990] =	vst @!p0 v1;
	v1 =	vld @!p0 [tilespmem:$0x11900]  }
0x1b8: {  	[tilespmem:$0x109A0] =	vst @!p0 v2;
	v2 =	vld @!p0 [tilespmem:$0x11980]  }
0x1b9: {  	s9 =	simm.s32 $0x0;
	[tilespmem:$0x109B0] =	vst @!p0 v3  }
0x1ba: {  	s0 =	sand.u32 $0x6, s9;
	[tilespmem:$0x109C0] =	vst @!p0 v4  }
0x1bb: {  	s10 =	simm.s32 $0x0;
	s30 =	sor.u32 $0x1, s0;
	[tilespmem:$0x109D0] =	vst @!p0 v0  }
0x1bc: {  	s23 =	sand.u32 $0x70, s10;
	s26 =	sshll.u32 s30, $0xB;
	[tilespmem:$0x109E0] =	vst @!p0 v1  }
0x1bd: {  	s26 =	sor.u32 s23, s26;
	[tilespmem:$0x109F0] =	vst @!p0 v2  }
0x1be: {  	v0 =	vld [tilespmem:s26+$0xC600]  }
0x1bf: {  	v1 =	vld [tilespmem:s26+$0xC680]  }
0x1c0: {  	v2 =	vld [tilespmem:s26+$0xC700]  }
0x1c1: {  	v3 =	vld [tilespmem:s26+$0xC400]  }
0x1c2: {  	v4 =	vld [tilespmem:s26+$0xC480]  }
0x1c3: {  	v5 =	vld [tilespmem:s26+$0xC500]  }
0x1c4: {  	v6 =	vld [tilespmem:s26+$0xC000]  }
0x1c5: {  	v7 =	vld [tilespmem:s26+$0xC080]  }
0x1c6: {  	v8 =	vld [tilespmem:s26+$0xC100]  }
0x1c7: {  	v60 =	vld [tilespmem:s26+$0xC180]  }
0x1c8: {  	v61 =	vld [tilespmem:s26+$0xC200]  }
0x1c9: {  	v62 =	vld [tilespmem:s26+$0xC280]  }
0x1ca: {  	v12 =	vld [tilespmem:s26+$0xC300]  }
0x1cb: {  	v13 =	vld [tilespmem:s26+$0xC380]  }
0x1cc: {  	s28 =	sshll.u32 s0, $0xB;
	v14 =	vld [tilespmem:s26+$0xC580]  }
0x1cd: {  	s18 =	sor.u32 s23, s28;
	v15 =	vld [tilespmem:s26+$0xC780]  }
0x1ce: {  	v16 =	vld [tilespmem:s18+$0xC000]  }
0x1cf: {  	v17 =	vld [tilespmem:s18+$0xC080]  }
0x1d0: {  	v18 =	vld [tilespmem:s18+$0xC100]  }
0x1d1: {  	v19 =	vld [tilespmem:s18+$0xC180]  }
0x1d2: {  	v63 =	vld [tilespmem:s18+$0xC280];
	v6 =	vmax.f32 v6, v7;
	v3 =	vmax.f32 v3, v4;
	v1 =	vmax.f32 v0, v1  }
0x1d3: {  	v7 =	vld [tilespmem:s18+$0xC200];
	v0 =	vmax.f32 v8, v60;
	v4 =	vmax.f32 v61, v62;
	v8 =	vmax.f32 v12, v13  }
0x1d4: {  	v5 =	vmax.f32 v5, v14;
	v6 =	vmax.f32 v6, v0;
	v4 =	vmax.f32 v4, v8;
	v0 =	vld [tilespmem:s18+$0xC300]  }
0x1d5: {  	v2 =	vmax.f32 v2, v15;
	v5 =	vmax.f32 v3, v5;
	v3 =	vld [tilespmem:s18+$0xC380];
	v4 =	vmax.f32 v6, v4  }
0x1d6: {  	s7 =	sshll.u32 s30, $0x7;
	v2 =	vmax.f32 v1, v2;
	v1 =	vld [tilespmem:s18+$0xC400];
	v4 =	vmax.f32 v4, v5  }
0x1d7: {  	s0 =	sshll.u32 s0, $0x7;
	s30 =	sor.u32 s23, s7;
	v6 =	vmax.f32 v18, v19;
	v5 =	vmax.f32 v16, v17;
	v2 =	vmax.f32 v4, v2;
	v4 =	vld [tilespmem:s18+$0xC480]  }
0x1d8: {  	s7 =	sor.u32 s23, s0;
	v5 =	vmax.f32 v5, v6;
	[tilespmem:s30+$0x10400] =	vst v2;
	v6 =	vmax.f32 v7, v63;
	v2 =	vld [tilespmem:s18+$0xC500]  }
.LBB2_9:
0x1d9: {  	s9 =	sadd.s32 $0x2, s9;
	v7 =	vld [tilespmem:s18+$0xC580]  }
0x1da: {  	s0 =	sand.u32 $0x6, s9;
	p1 =	slt.u32 s9, $0x3E;
	v0 =	vmax.f32 v0, v3;
	v3 =	vld [tilespmem:s18+$0xC600]  }
0x1db: {  	s10 =	sadd.s32 $0x4, s10;
	s28 =	sshll.u32 s0, $0xB;
	s26 =	sor.u32 $0x1, s0;
	v0 =	vmax.f32 v6, v0;
	v6 =	vld [tilespmem:s18+$0xC680]  }
0x1dc: {  	s23 =	sand.u32 $0x70, s10;
	s0 =	sshll.u32 s0, $0x7;
	s30 =	sshll.u32 s26, $0xB;
	v0 =	vmax.f32 v5, v0;
	v1 =	vmax.f32 v1, v4;
	v4 =	vld [tilespmem:s18+$0xC700]  }
0x1dd: {  	s0 =	sor.u32 s23, s0;
	s30 =	sor.u32 s23, s30;
	v5 =	vld [tilespmem:s18+$0xC780];
	s18 =	sor.u32 s23, s28  }
0x1de: {  	v8 =	vld [tilespmem:s30+$0xC600];
	v2 =	vmax.f32 v2, v7  }
0x1df: {  	v7 =	vld [tilespmem:s30+$0xC680];
	v1 =	vmax.f32 v1, v2  }
0x1e0: {  	v2 =	vld [tilespmem:s30+$0xC700];
	v0 =	vmax.f32 v0, v1;
	v1 =	vmax.f32 v3, v6  }
0x1e1: {  	v3 =	vld [tilespmem:s30+$0xC400]  }
0x1e2: {  	v6 =	vld [tilespmem:s30+$0xC480];
	v4 =	vmax.f32 v4, v5  }
0x1e3: {  	v5 =	vld [tilespmem:s30+$0xC500];
	v1 =	vmax.f32 v1, v4  }
0x1e4: {  	v4 =	vld [tilespmem:s30+$0xC000];
	v0 =	vmax.f32 v0, v1  }
0x1e5: {  	v1 =	vld [tilespmem:s30+$0xC080];
	[tilespmem:s7+$0x10400] =	vst v0;
	s7 =	smov.u32 s0  }
0x1e6: {  	v0 =	vld [tilespmem:s30+$0xC100]  }
0x1e7: {  	v9 =	vld [tilespmem:s30+$0xC180]  }
0x1e8: {  	v10 =	vld [tilespmem:s30+$0xC200]  }
0x1e9: {  	v11 =	vld [tilespmem:s30+$0xC280]  }
0x1ea: {  	v12 =	vld [tilespmem:s30+$0xC300]  }
0x1eb: {  	v13 =	vld [tilespmem:s30+$0xC380]  }
0x1ec: {  	v14 =	vld [tilespmem:s30+$0xC580]  }
0x1ed: {  	v15 =	vld [tilespmem:s30+$0xC780]  }
0x1ee: {  	v16 =	vld [tilespmem:s18+$0xC000]  }
0x1ef: {  	v3 =	vmax.f32 v3, v6;
	v1 =	vmax.f32 v4, v1;
	v4 =	vmax.f32 v8, v7;
	v17 =	vld [tilespmem:s18+$0xC080]  }
0x1f0: {  	v0 =	vmax.f32 v0, v9;
	v7 =	vmax.f32 v10, v11;
	v6 =	vld [tilespmem:s18+$0xC100];
	v8 =	vmax.f32 v12, v13  }
0x1f1: {  	v0 =	vmax.f32 v1, v0;
	v9 =	vld [tilespmem:s18+$0xC180];
	v1 =	vmax.f32 v7, v8;
	v5 =	vmax.f32 v5, v14  }
0x1f2: {  	v7 =	vld [tilespmem:s18+$0xC200];
	v0 =	vmax.f32 v0, v1;
	v1 =	vmax.f32 v3, v5;
	v2 =	vmax.f32 v2, v15  }
0x1f3: {  	s0 =	sshll.u32 s26, $0x7;
	v8 =	vld [tilespmem:s18+$0xC280];
	v1 =	vmax.f32 v0, v1;
	v2 =	vmax.f32 v4, v2  }
.Ltmp5:
0x1f4: {  	s0 =	sor.u32 s23, s0;
	v4 =	vmax.f32 v16, v17;
	v0 =	vld [tilespmem:s18+$0xC300];
	v1 =	vmax.f32 v1, v2;
	(pc) =	sbr.rel @p1 .LBB2_9-.Ltmp5, $4  }
0x1f5: {  	v3 =	vld [tilespmem:s18+$0xC380];
	[tilespmem:s0+$0x10400] =	vst v1  }
0x1f6: {  	v2 =	vmax.f32 v6, v9;
	v1 =	vld [tilespmem:s18+$0xC400]  }
0x1f7: {  	v5 =	vmax.f32 v4, v2;
	v4 =	vld [tilespmem:s18+$0xC480]  }
0x1f8: {  	v6 =	vmax.f32 v7, v8;
	v2 =	vld [tilespmem:s18+$0xC500]  }
0x1f9: {  	v7 =	vld [tilespmem:s18+$0xC580]  }
0x1fa: {  	v8 =	vld [tilespmem:s18+$0xC600]  }
0x1fb: {  	v9 =	vld [tilespmem:s18+$0xC680]  }
0x1fc: {  	v10 =	vld [tilespmem:s18+$0xC700]  }
0x1fd: {  	v11 =	vld [tilespmem:s18+$0xC780];
	_ =	sdelay $0x1  }
0x1fe: {  	v0 =	vmax.f32 v0, v3  }
0x1ff: {  	v0 =	vmax.f32 v6, v0  }
0x200: {  	v0 =	vmax.f32 v5, v0;
	v1 =	vmax.f32 v1, v4;
	v2 =	vmax.f32 v2, v7  }
.Ltmp6:
0x201: {  	v61 =	vmax.f32 v8, v9;
	v62 =	vmax.f32 v10, v11;
	v1 =	vmax.f32 v1, v2;
	(pc) =	sbr.rel @p0 .LBB2_12-.Ltmp6, $4  }
0x202: {  	s0 =	sadd.s32 s8, s17;
	v63 =	vmax.f32 v61, v62;
	v0 =	vmax.f32 v0, v1  }
0x203: {  	s0 =	sshll.u32 s0, $0x7;
	v0 =	vmax.f32 v0, v63  }
0x204: {  	s0 =	sadd.s32 s3, s0;
	[tilespmem:s7+$0x10400] =	vst v0  }
0x205: {  	[hbm4b:s0+s4] =	stream.linear.scatter [tilespmem:s25], [sflag:$0xA], $0x400, $0x38;
	[tilespmem:$0x11A00] =	vst v63  }
.Ltmp7:
0x206: {  	(pc) =	sbr.rel .LBB2_2-.Ltmp7, $3  }
0x207: {  	_ =	sdelay $0x1  }
0x208: {  	[tilespmem:s20], [sflag:$0x8] =	stream.indirect.gather [hbm4b:s2+s24], $0x80, s19, s24, $0xb8;
	[tilespmem:$0x11A00] =	vst v63  }
0x209: {  	s1 =	sadd.s32 $0x1, s1  }
.LBB2_13:
0x20a: {  	_ =	sfence.sel $0x180000  }
0x20b: {  	[bflag:$0x0] =	sbarrier.arrive $0xFFFF  }
0x20c: {  	_ =	strace $0x90000047  }
0x20d: {  	s0 =	stileid.u32;
	[bflag:$0x2] =	sbarrier.arrive $0xFFFF  }
0x20e: {  	p0 =	sne.s32 s0, $0x0;
	s0 =	rddreg [dreg:$0x3]  }
0x20f: {  	s0 =	sadd.s32 @!p0 $0x100000, s0  }
0x210: {  	[sflag:s0] =	ssyncadd.tile.s32 @!p0 $0x1;
	_ =	shalt  }
.Lfunc_end2:
_tile_overlayer_lowered:
.L_overlay_start_2:
0x211: {  	(tag) =	ssettag $0x2  }
0x212: {  	s0 =	rddreg [dreg:$0x0];
	s2 =	stileid.u32  }
0x213: {  	s1 =	rddreg [dreg:$0x1];
	p0 =	sne.s32 s2, $0x0  }
0x214: {  	s3 =	rddreg [dreg:$0x2];
	[bflag:$0x3] =	sbarrier.arrive $0xFFFF;
	s2 =	simm.s32 @!p0 $0x1C0B  }
0x215: {  	[timem:s3], [sflag:s2] =	dma.local @!p0 [hbm:s0], s1  }
0x216: {  	s0 =	simm.s32 @!p0 $0xB  }
0x217: {  	_ =	swait.ge @!p0 [sflag:s0], s1  }
0x218: {  	s1 =	ssub.s32 @!p0 $0x0, s1;
	[sflag:s0] =	ssyncset.done @!p0 $0x0  }
0x219: {  	[sflag:s0] =	ssyncadd.s32 @!p0 s1  }
0x21a: {  	[bflag:$0x3] =	sbarrier.arrive $0xFFFF  }
0x21b: {  	_ =	shalt  }

</sc_bundles>
